<compile_context>
chip_gen: v7x
topology: tpu7x:2x2x1
jax: 0.10.2.dev20260603
libtpu: 0.0.44.dev20260713+nightly
codegen_flags: <defaults>
</compile_context>

<pallas_src>
import functools

import jax
import jax.numpy as jnp
from jax import lax
from jax.experimental import pallas as pl
from jax.experimental.pallas import tpu as pltpu
from jax.experimental.pallas import tpu_sc as plsc

B, D, A, M, K = 512, 256, 18, 50000, 50
DELTA = 0.001
MP = 51200
CB = 2048
RB = 64
CHW = 128
NCH = MP // CHW
NRB, NCB = B // RB, MP // CB
NC_SC, NS_SC = 2, 16
NW = NC_SC * NS_SC
RPW = B // NW
CAP = 96
CAND_CAP = 256
INF_BITS = 0x7F800000


def _mlp_body(lat_ref, w1_ref, b1_ref, wp_ref, bp_ref, wv_ref, bv_ref,
              pol_ref, emb_ref):
    out = jnp.maximum(
        jnp.dot(lat_ref[...], w1_ref[...],
                preferred_element_type=jnp.float32) + b1_ref[...], 0.0)
    pol_ref[...] = jnp.dot(out, wp_ref[...],
                           preferred_element_type=jnp.float32) + bp_ref[...]
    emb_ref[...] = jnp.dot(out, wv_ref[...],
                           preferred_element_type=jnp.float32) + bv_ref[...]


def _dist_body(emb_ref, keys_ref, d2_ref):
    c = pl.program_id(0)
    qb = emb_ref[...]
    kb = keys_ref[...]
    cross = lax.dot_general(qb, kb, (((1,), (1,)), ((), ())),
                            preferred_element_type=jnp.float32)
    q2 = jnp.sum(qb * qb, axis=1, keepdims=True)
    k2 = jnp.sum(kb * kb, axis=1)[None, :]
    d2 = jnp.maximum(q2 + k2 - 2.0 * cross, 0.0)
    gcols = lax.broadcasted_iota(jnp.int32, (B, CB), 1) + c * CB
    d2_ref[...] = jnp.where(gcols < M, d2, jnp.float32(jnp.inf))


def _chunkmin_body(d2_ref, cm_ref):
    cm_ref[...] = jnp.min(d2_ref[...].reshape(RB, NCH, CHW), axis=2)


def _sc_select_body(d2t, cmt, mvt, num_hbm, ksum_hbm,
                    cmbuf, idsd, idsl, chunkbuf, mvbuf,
                    d2lt, mvlt, d2eq, mveq, candv, candw,
                    numbuf, ksumbuf, sem, sem2):
    wid = lax.axis_index("s") * NC_SC + lax.axis_index("c")
    iota = lax.iota(jnp.int32, 16)
    one = jnp.int32(1)
    zero = jnp.int32(0)
    zeros_i = jnp.zeros((16,), jnp.int32)
    zeros_f = jnp.zeros((16,), jnp.float32)

    def splat_f(bits_scalar):
        return lax.bitcast_convert_type(
            jnp.full((16,), bits_scalar, jnp.int32), jnp.float32)

    def kern_of(v):
        x = jnp.maximum(v, jnp.float32(1e-12))
        bits = lax.bitcast_convert_type(x, jnp.int32)
        r = lax.bitcast_convert_type(
            jnp.full((16,), jnp.int32(0x5F3759DF), jnp.int32)
            - lax.shift_right_arithmetic(bits, 1), jnp.float32)
        for _ in range(4):
            r = r * (1.5 - 0.5 * x * r * r)
        return 1.0 / (x * r + DELTA)


    _gdn = lax.GatherDimensionNumbers(offset_dims=(),
                                      collapsed_slice_dims=(0,),
                                      start_index_map=(0,))

    def lane_perm(x, idx):
        return lax.gather(x, idx[:, None], _gdn, slice_sizes=(1,),
                          mode=lax.GatherScatterMode.PROMISE_IN_BOUNDS)

    def lane_sum(x):
        for s in (8, 4, 2, 1):
            x = x + lane_perm(x, iota ^ s)
        return x

    def lane_min(x):
        for s in (8, 4, 2, 1):
            x = jnp.minimum(x, lane_perm(x, iota ^ s))
        return x

    def lane_max(x):
        for s in (8, 4, 2, 1):
            x = jnp.maximum(x, lane_perm(x, iota ^ s))
        return x

    def prefix_inc(m):
        return plsc.cumsum(jnp.where(m, one, zero))

    def popc(m):
        return plsc.all_reduce_population_count(m)

    def row_body(r, carry):
        numacc, ksumacc = carry
        row = wid * RPW + r
        pltpu.sync_copy(cmt.at[pl.ds(row * NCH, NCH)], cmbuf)
        k_spl = jnp.full((16,), K, jnp.int32)

        def cm_count(tb_vec):
            tf = lax.bitcast_convert_type(tb_vec, jnp.float32)
            def cb(i, acc):
                v = cmbuf[pl.ds(i * 16, 16)]
                return acc + jnp.where(v <= tf, one, zero)
            return lane_sum(lax.fori_loop(0, NCH // 16, cb, zeros_i))

        def cm_bs(_, lh):
            lo, hi = lh
            mid = lo + lax.shift_right_arithmetic(hi - lo, 1)
            ge = cm_count(mid) >= k_spl
            return (jnp.where(ge, lo, mid + 1), jnp.where(ge, mid, hi))

        def mm_body(i, mm):
            mn, mx = mm
            v = cmbuf[pl.ds(i * 16, 16)]
            return jnp.minimum(mn, v), jnp.maximum(mx, v)
        mn_v, mx_v = lax.fori_loop(0, 24, mm_body,
                                   (jnp.full((16,), jnp.inf, jnp.float32),
                                    zeros_f))
        mn_v = jnp.minimum(mn_v, cmbuf[pl.ds(384, 16)])
        lo_b = lax.bitcast_convert_type(lane_min(mn_v), jnp.int32)
        hi_b = lax.bitcast_convert_type(lane_max(mx_v), jnp.int32)

        taub = lax.fori_loop(0, 8, cm_bs, (lo_b, hi_b))[1]
        tauf = lax.bitcast_convert_type(taub, jnp.float32)

        def zb(i, _):
            idsd[pl.ds(i * 16, 16)] = zeros_i
            idsl[pl.ds(i * 16, 16)] = zeros_i
            return zero
        lax.fori_loop(0, NCH // 16, zb, zero)
        rowbase = row * NCH

        def sb(i, off):
            v = cmbuf[pl.ds(i * 16, 16)]
            m = v <= tauf
            pre = prefix_inc(m)
            pos = jnp.maximum(off + pre - 1, 0)
            cid = i * 16 + iota
            plsc.store_scatter(idsl, [pos], cid, mask=m)
            plsc.store_scatter(idsd, [pos], cid + rowbase, mask=m)
            return off + popc(m)
        n_sel_v = lax.fori_loop(0, NCH // 16, sb, zeros_i)
        n_sel = n_sel_v[0]

        nb = lax.div(n_sel + 63, jnp.int32(64))

        def gb(b, _):
            base = b * 64
            cp1 = pltpu.async_copy(d2t.at[idsd.at[pl.ds(base, 64)]],
                                   chunkbuf.at[pl.ds(base, 64)], sem)
            cp2 = pltpu.async_copy(mvt.at[idsl.at[pl.ds(base, 64)]],
                                   mvbuf.at[pl.ds(base, 64)], sem2)
            cp1.wait()
            cp2.wait()
            return zero
        lax.fori_loop(0, nb, gb, zero)

        ccap_spl = jnp.full((16,), CAND_CAP, jnp.int32)

        def cand_b(s, off):
            o = off
            for j in range(8):
                v = chunkbuf[s, pl.ds(j * 16, 16)]
                w = mvbuf[s, pl.ds(j * 16, 16)]
                m = v <= tauf
                pre = prefix_inc(m)
                pos = o + pre - 1
                wm = m & (pos < ccap_spl)
                pos = jnp.clip(pos, 0, CAND_CAP - 1)
                plsc.store_scatter(candv, [pos], v, mask=wm)
                plsc.store_scatter(candw, [pos], w, mask=wm)
                o = o + popc(m)
            return o
        n_cand_v = lax.fori_loop(0, n_sel, cand_b, zeros_i)

        def rank_and_combine(load_v, load_w, nvalid_v, n_vregs):
            def cnt(tb_vec, strict):
                tf = lax.bitcast_convert_type(tb_vec, jnp.float32)
                def cb(i, acc):
                    v = load_v(i)
                    m = (v < tf) if strict else (v <= tf)
                    m = m & ((i * 16 + iota) < nvalid_v)
                    return acc + jnp.where(m, one, zero)
                return lane_sum(lax.fori_loop(0, n_vregs, cb, zeros_i))

            def bs(_, lh):
                lo, hi = lh
                mid = lo + lax.shift_right_arithmetic(hi - lo, 1)
                ge = cnt(mid, False) >= k_spl
                return (jnp.where(ge, lo, mid + 1), jnp.where(ge, mid, hi))

            tb50 = lax.fori_loop(0, 31, bs, (lo_b, taub))[1]
            tf50 = lax.bitcast_convert_type(tb50, jnp.float32)
            n_eq = k_spl - cnt(tb50, True)

            def fin_b(i, c):
                accn, acck, eqc = c
                v = load_v(i)
                w = load_w(i)
                valid = (i * 16 + iota) < nvalid_v
                meq = (v == tf50) & valid
                pre = prefix_inc(meq) + eqc
                m = ((v < tf50) & valid) | (meq & (pre <= n_eq))
                kv = jnp.where(m, kern_of(v), 0.0)
                accn = accn + kv * jnp.where(m, w, 0.0)
                acck = acck + kv
                return (accn, acck, eqc + popc(meq))
            accn, acck, _ = lax.fori_loop(0, n_vregs, fin_b,
                                          (zeros_f, zeros_f, zeros_i))
            return lane_sum(accn), lane_sum(acck)

        def fast_path(_):
            nv = lax.div(n_cand_v[0] + 15, jnp.int32(16))
            return rank_and_combine(
                lambda i: candv[pl.ds(i * 16, 16)],
                lambda i: candw[pl.ds(i * 16, 16)],
                n_cand_v, nv)

        def slow_path(_):
            def lv(i):
                return chunkbuf[lax.shift_right_arithmetic(i, 3),
                                pl.ds((i & 7) * 16, 16)]
            def lw(i):
                return mvbuf[lax.shift_right_arithmetic(i, 3),
                             pl.ds((i & 7) * 16, 16)]
            return rank_and_combine(lv, lw, n_sel_v * CHW, n_sel * 8)

        num_r, ksum_r = lax.cond(n_cand_v[0] <= CAND_CAP,
                                 fast_path, slow_path, zero)
        lane = iota == jnp.full((16,), r, jnp.int32)
        numacc = numacc + jnp.where(lane, num_r, 0.0)
        ksumacc = ksumacc + jnp.where(lane, ksum_r, 0.0)
        return (numacc, ksumacc)

    numacc, ksumacc = lax.fori_loop(0, RPW, row_body, (zeros_f, zeros_f))
    numbuf[...] = numacc
    ksumbuf[...] = ksumacc
    pltpu.sync_copy(numbuf, num_hbm.at[pl.ds(wid * RPW, RPW)])
    pltpu.sync_copy(ksumbuf, ksum_hbm.at[pl.ds(wid * RPW, RPW)])


_sc_select = functools.partial(
    pl.kernel,
    out_type=[jax.ShapeDtypeStruct((B,), jnp.float32),
              jax.ShapeDtypeStruct((B,), jnp.float32)],
    mesh=plsc.VectorSubcoreMesh(core_axis_name="c", subcore_axis_name="s"),
    compiler_params=pltpu.CompilerParams(needs_layout_passes=False),
    scratch_types=[
        pltpu.VMEM((NCH,), jnp.float32),
        pltpu.VMEM((NCH,), jnp.int32),
        pltpu.VMEM((NCH,), jnp.int32),
        pltpu.VMEM((NCH, CHW), jnp.float32),
        pltpu.VMEM((NCH, CHW), jnp.float32),
        pltpu.VMEM((CAP,), jnp.float32),
        pltpu.VMEM((CAP,), jnp.float32),
        pltpu.VMEM((CAP,), jnp.float32),
        pltpu.VMEM((CAP,), jnp.float32),
        pltpu.VMEM((CAND_CAP,), jnp.float32),
        pltpu.VMEM((CAND_CAP,), jnp.float32),
        pltpu.VMEM((16,), jnp.float32),
        pltpu.VMEM((16,), jnp.float32),
        pltpu.SemaphoreType.DMA,
        pltpu.SemaphoreType.DMA,
    ],
)(_sc_select_body)


def _norm_body(num_ref, ksum_ref, val_ref):
    val_ref[...] = num_ref[...] / jnp.sum(ksum_ref[...])


def kernel(latent, W1, b1, Wp, bp, Wv, bv, mem_keys, mem_values):
    policy, emb = pl.pallas_call(
        _mlp_body,
        out_shape=[jax.ShapeDtypeStruct((B, A), jnp.float32),
                   jax.ShapeDtypeStruct((B, D), jnp.float32)],
    )(latent, W1, b1.reshape(1, D), Wp, bp.reshape(1, A), Wv,
      bv.reshape(1, D))

    keys_pad = jnp.pad(mem_keys, ((0, MP - M), (0, 0)))
    mv_pad = jnp.pad(mem_values, (0, MP - M))

    d2 = pl.pallas_call(
        _dist_body,
        grid=(NCB,),
        in_specs=[
            pl.BlockSpec((B, D), lambda c: (0, 0)),
            pl.BlockSpec((CB, D), lambda c: (c, 0)),
        ],
        out_specs=pl.BlockSpec((B, CB), lambda c: (0, c)),
        out_shape=jax.ShapeDtypeStruct((B, MP), jnp.float32),
    )(emb, keys_pad)

    cm = pl.pallas_call(
        _chunkmin_body,
        grid=(NRB,),
        in_specs=[pl.BlockSpec((RB, MP), lambda r: (r, 0))],
        out_specs=pl.BlockSpec((RB, NCH), lambda r: (r, 0)),
        out_shape=jax.ShapeDtypeStruct((B, NCH), jnp.float32),
    )(d2)

    num, ksum = _sc_select(d2.reshape(B * NCH, CHW), cm.reshape(B * NCH),
                           mv_pad.reshape(NCH, CHW))

    value = pl.pallas_call(
        _norm_body,
        out_shape=jax.ShapeDtypeStruct((B, 1), jnp.float32),
    )(num.reshape(B, 1), ksum.reshape(B, 1))

    return policy, value.reshape(B)

# --- scband reference (transcript-rebuilt; emitter-appended) ---
"""Pipeline reference for scband-cart-necpred-59648505807490 (READ-ONLY COPY).

The authoritative reference and input builder live on the scoring server;
editing this copy changes nothing except your own understanding.
"""

import jax, jax.numpy as jnp
import numpy as np

B, D, A, M, K = 512, 256, 18, 50000, 50
DELTA = 0.001

def setup_inputs(seed: int = 0) -> dict:
    key = jax.random.key(seed)
    ks = jax.random.split(key, 9)
    s = 1.0 / float(np.sqrt(D))
    latent = jax.random.normal(ks[0], (B, D), dtype=jnp.float32)
    W1 = jax.random.normal(ks[1], (D, D), dtype=jnp.float32) * s
    b1 = jnp.zeros((D,), dtype=jnp.float32)
    Wp = jax.random.normal(ks[2], (D, A), dtype=jnp.float32) * s
    bp = jnp.zeros((A,), dtype=jnp.float32)
    Wv = jax.random.normal(ks[3], (D, D), dtype=jnp.float32) * s
    bv = jnp.zeros((D,), dtype=jnp.float32)
    mem_keys = jax.random.normal(ks[4], (M, D), dtype=jnp.float32)
    mem_values = jax.random.normal(ks[5], (M,), dtype=jnp.float32)
    return {"latent": latent, "W1": W1, "b1": b1, "Wp": Wp, "bp": bp,
            "Wv": Wv, "bv": bv, "mem_keys": mem_keys, "mem_values": mem_values}

def reference(latent, W1, b1, Wp, bp, Wv, bv, mem_keys, mem_values):
    # fc1 + relu
    out = jnp.maximum(latent @ W1 + b1, 0.0)
    # policy head
    policy_logits = out @ Wp + bp
    # value embedding
    emb = out @ Wv + bv
    # DND kNN query on detached embedding (Euclidean distance, as KDTree would)
    q = jax.lax.stop_gradient(emb)
    d2 = (jnp.sum(q * q, axis=1, keepdims=True)
          + jnp.sum(mem_keys * mem_keys, axis=1)[None, :]
          - 2.0 * (q @ mem_keys.T))
    d2 = jnp.maximum(d2, 0.0)
    _, knn_idx = jax.lax.top_k(-d2, K)  # [B, K] nearest indices
    # gather neighbor representations/values from memory table (constants, no grad)
    neighbors_repr = jax.lax.stop_gradient(jnp.take(mem_keys, knn_idx, axis=0))   # [B, K, D]
    neighbors_value = jax.lax.stop_gradient(jnp.take(mem_values, knn_idx, axis=0))  # [B, K]
    # compute_value: cdist(latent.unsqueeze(1), neighbors_repr).squeeze()
    diff = emb[:, None, :] - neighbors_repr
    dists = jnp.sqrt(jnp.maximum(jnp.sum(diff * diff, axis=-1), 1e-12))  # [B, K]
    kern = 1.0 / (dists + DELTA)
    w = kern / jnp.sum(kern)  # faithful: global sum over the whole tensor, as in torch code
    value = jnp.sum(neighbors_value * w, axis=1)  # [B]
    return policy_logits, value

if __name__ == "__main__":
    import jax
    _d = setup_inputs()
    print(jax.jit(kernel)(*tuple(_d.values())))

</pallas_src>

<mosaic_0001>
#map = affine_map<(d0, d1) -> (0, 0)>
#map1 = affine_map<(d0, d1) -> (0)>
module attributes {stable_mosaic.version = 14 : i64} {
  func.func @_sc_select_body(%arg0: i32, %arg1: i32, %arg2: memref<204800x128xf32, #tpu.memory_space<hbm>>, %arg3: memref<204800xf32, #tpu.memory_space<hbm>>, %arg4: memref<400x128xf32, #tpu.memory_space<hbm>>, %arg5: memref<512xf32, #tpu.memory_space<hbm>>, %arg6: memref<512xf32, #tpu.memory_space<hbm>>, %arg7: memref<400xf32, #tpu.memory_space<vmem>>, %arg8: memref<400xi32, #tpu.memory_space<vmem>>, %arg9: memref<400xi32, #tpu.memory_space<vmem>>, %arg10: memref<400x128xf32, #tpu.memory_space<vmem>>, %arg11: memref<400x128xf32, #tpu.memory_space<vmem>>, %arg12: memref<96xf32, #tpu.memory_space<vmem>>, %arg13: memref<96xf32, #tpu.memory_space<vmem>>, %arg14: memref<96xf32, #tpu.memory_space<vmem>>, %arg15: memref<96xf32, #tpu.memory_space<vmem>>, %arg16: memref<256xf32, #tpu.memory_space<vmem>>, %arg17: memref<256xf32, #tpu.memory_space<vmem>>, %arg18: memref<16xf32, #tpu.memory_space<vmem>>, %arg19: memref<16xf32, #tpu.memory_space<vmem>>, %arg20: memref<!tpu.dma_semaphore, #tpu.memory_space<semaphore_mem>>, %arg21: memref<!tpu.dma_semaphore, #tpu.memory_space<semaphore_mem>>) attributes {dimension_semantics = [#tpu.dimension_semantics<core_parallel>, #tpu.dimension_semantics<subcore_parallel>], iteration_bounds = array<i64: 2, 16>, scalar_prefetch = 0 : i64, scratch_operands = 15 : i64, tpu.core_type = #tpu.core_type<sc_vector_subcore>, window_params = [{transform_indices = #map}, {transform_indices = #map1}, {transform_indices = #map}, {transform_indices = #map1}, {transform_indices = #map1}]} {
    %mul3A = arith.constant 2 : i32
    %mul3A_0 = arith.muli %arg1, %mul3A : i32
    %add3A = arith.addi %mul3A_0, %arg0 : i32
    %iota3A = tpu.iota {dimensions = array<i32: 0>} : vector<16xi32>
    %broadcast_in_dim3A = arith.constant 0 : i32
    %broadcast_in_dim3A_1 = vector.broadcast %broadcast_in_dim3A : i32 to vector<16xi32>
    %broadcast_in_dim3A_2 = arith.constant 0.000000e+00 : f32
    %broadcast_in_dim3A_3 = vector.broadcast %broadcast_in_dim3A_2 : f32 to vector<16xf32>
    %scan3A = arith.constant 1 : i32
    %scan3A_4 = arith.constant 0 : i32
    %scan3A_5 = arith.constant 0 : i32
    %scan3A_6 = arith.constant 16 : i32
    %scan3A_7 = arith.addi %scan3A_5, %scan3A_6 : i32
    %scan3A_8 = arith.constant 1 : i32
    %scan3A_9:2 = scf.for %scan3A_18 = %scan3A_5 to %scan3A_7 step %scan3A_8 iter_args(%scan3A_19 = %broadcast_in_dim3A_3, %scan3A_20 = %broadcast_in_dim3A_3) -> (vector<16xf32>, vector<16xf32>)  : i32 {
      %mul3A_21 = arith.constant 16 : i32
      %mul3A_22 = arith.muli %add3A, %mul3A_21 : i32
      %add3A_23 = arith.addi %mul3A_22, %scan3A_18 : i32
      %mul3A_24 = arith.constant 400 : i32
      %mul3A_25 = arith.muli %add3A_23, %mul3A_24 : i32
      "tpu.region"() ({
        %run_scoped3A = tpu.sem_alloc : memref<!tpu.dma_semaphore, #tpu.memory_space<semaphore_mem>>
        %dma_start3A = tpu.memref_slice %arg3[%mul3A_25] : memref<204800xf32, #tpu.memory_space<hbm>> -> memref<400xf32, #tpu.memory_space<hbm>>
        %dma_start3A_150 = tpu.memref_slice %arg3[%mul3A_25] : memref<204800xf32, #tpu.memory_space<hbm>> -> memref<400xf32, #tpu.memory_space<hbm>>
        tpu.enqueue_dma source(%dma_start3A_150 : memref<400xf32, #tpu.memory_space<hbm>>) target(%arg7 : memref<400xf32, #tpu.memory_space<vmem>>) target_semaphore(%run_scoped3A : memref<!tpu.dma_semaphore, #tpu.memory_space<semaphore_mem>>)
        %dma_wait3A = tpu.memref_slice %arg3[%mul3A_25] : memref<204800xf32, #tpu.memory_space<hbm>> -> memref<400xf32, #tpu.memory_space<hbm>>
        %dma_wait3A_151 = tpu.memref_slice %arg3[%mul3A_25] : memref<204800xf32, #tpu.memory_space<hbm>> -> memref<400xf32, #tpu.memory_space<hbm>>
        tpu.wait_dma2 semaphore(%run_scoped3A : memref<!tpu.dma_semaphore, #tpu.memory_space<semaphore_mem>>) src(%dma_wait3A_151 : memref<400xf32, #tpu.memory_space<hbm>>) dst(%arg7 : memref<400xf32, #tpu.memory_space<vmem>>)
        tpu.yield
      }) : () -> ()
      %broadcast_in_dim3A_26 = arith.constant 50 : i32
      %broadcast_in_dim3A_27 = vector.broadcast %broadcast_in_dim3A_26 : i32 to vector<16xi32>
      %broadcast_in_dim3A_28 = arith.constant 0x7F800000 : f32
      %broadcast_in_dim3A_29 = vector.broadcast %broadcast_in_dim3A_28 : f32 to vector<16xf32>
      %scan3A_30 = arith.constant 0 : i32
      %scan3A_31 = arith.constant 24 : i32
      %scan3A_32 = arith.addi %scan3A_30, %scan3A_31 : i32
      %scan3A_33 = arith.constant 1 : i32
      %scan3A_34:2 = scf.for %scan3A_150 = %scan3A_30 to %scan3A_32 step %scan3A_33 iter_args(%scan3A_151 = %broadcast_in_dim3A_29, %scan3A_152 = %broadcast_in_dim3A_3) -> (vector<16xf32>, vector<16xf32>)  : i32 {
        %mul3A_153 = arith.constant 16 : i32
        %mul3A_154 = arith.muli %scan3A_150, %mul3A_153 : i32
        %get3A_155 = arith.index_cast %mul3A_154 : i32 to index
        %get3A_156 = tpu.vector_load %arg7[%get3A_155] {strides = array<i32>} : memref<400xf32, #tpu.memory_space<vmem>>, vector<16xf32>,
        %min3A_157 = arith.minimumf %scan3A_151, %get3A_156 : vector<16xf32>
        %max3A_158 = arith.maximumf %scan3A_152, %get3A_156 : vector<16xf32>
        scf.yield %min3A_157, %max3A_158 : vector<16xf32>, vector<16xf32>
      }
      %scan3A_35 = arith.constant 24 : i32
      %get3A = arith.constant 384 : index
      %get3A_36 = tpu.vector_load %arg7[%get3A] {strides = array<i32>} : memref<400xf32, #tpu.memory_space<vmem>>, vector<16xf32>,
      %min3A = arith.minimumf %scan3A_34#0, %get3A_36 : vector<16xf32>
      %xor3A = arith.constant 8 : i32
      %xor3A_37 = vector.broadcast %xor3A : i32 to vector<16xi32>
      %xor3A_38 = arith.xori %iota3A, %xor3A_37 : vector<16xi32>
      %broadcast_in_dim3A_39 = vector.shape_cast %xor3A_38 : vector<16xi32> to vector<16x1xi32>
      %gather3A = vector.shape_cast %broadcast_in_dim3A_39 : vector<16x1xi32> to vector<16xi32>
      %gather3A_40 = tpu.dynamic_gather %min3A[%gather3A] in [0] : vector<16xf32>, vector<16xi32> -> vector<16xf32>
      %min3A_41 = arith.minimumf %min3A, %gather3A_40 : vector<16xf32>
      %xor3A_42 = arith.constant 4 : i32
      %xor3A_43 = vector.broadcast %xor3A_42 : i32 to vector<16xi32>
      %xor3A_44 = arith.xori %iota3A, %xor3A_43 : vector<16xi32>
      %broadcast_in_dim3A_45 = vector.shape_cast %xor3A_44 : vector<16xi32> to vector<16x1xi32>
      %gather3A_46 = vector.shape_cast %broadcast_in_dim3A_45 : vector<16x1xi32> to vector<16xi32>
      %gather3A_47 = tpu.dynamic_gather %min3A_41[%gather3A_46] in [0] : vector<16xf32>, vector<16xi32> -> vector<16xf32>
      %min3A_48 = arith.minimumf %min3A_41, %gather3A_47 : vector<16xf32>
      %xor3A_49 = arith.constant 2 : i32
      %xor3A_50 = vector.broadcast %xor3A_49 : i32 to vector<16xi32>
      %xor3A_51 = arith.xori %iota3A, %xor3A_50 : vector<16xi32>
      %broadcast_in_dim3A_52 = vector.shape_cast %xor3A_51 : vector<16xi32> to vector<16x1xi32>
      %gather3A_53 = vector.shape_cast %broadcast_in_dim3A_52 : vector<16x1xi32> to vector<16xi32>
      %gather3A_54 = tpu.dynamic_gather %min3A_48[%gather3A_53] in [0] : vector<16xf32>, vector<16xi32> -> vector<16xf32>
      %min3A_55 = arith.minimumf %min3A_48, %gather3A_54 : vector<16xf32>
      %xor3A_56 = arith.constant 1 : i32
      %xor3A_57 = vector.broadcast %xor3A_56 : i32 to vector<16xi32>
      %xor3A_58 = arith.xori %iota3A, %xor3A_57 : vector<16xi32>
      %broadcast_in_dim3A_59 = vector.shape_cast %xor3A_58 : vector<16xi32> to vector<16x1xi32>
      %gather3A_60 = vector.shape_cast %broadcast_in_dim3A_59 : vector<16x1xi32> to vector<16xi32>
      %gather3A_61 = tpu.dynamic_gather %min3A_55[%gather3A_60] in [0] : vector<16xf32>, vector<16xi32> -> vector<16xf32>
      %min3A_62 = arith.minimumf %min3A_55, %gather3A_61 : vector<16xf32>
      %bitcast_convert_type3A = tpu.bitcast %min3A_62 : vector<16xf32> -> vector<16xi32>
      %xor3A_63 = arith.constant 8 : i32
      %xor3A_64 = vector.broadcast %xor3A_63 : i32 to vector<16xi32>
      %xor3A_65 = arith.xori %iota3A, %xor3A_64 : vector<16xi32>
      %broadcast_in_dim3A_66 = vector.shape_cast %xor3A_65 : vector<16xi32> to vector<16x1xi32>
      %gather3A_67 = vector.shape_cast %broadcast_in_dim3A_66 : vector<16x1xi32> to vector<16xi32>
      %gather3A_68 = tpu.dynamic_gather %scan3A_34#1[%gather3A_67] in [0] : vector<16xf32>, vector<16xi32> -> vector<16xf32>
      %max3A = arith.maximumf %scan3A_34#1, %gather3A_68 : vector<16xf32>
      %xor3A_69 = arith.constant 4 : i32
      %xor3A_70 = vector.broadcast %xor3A_69 : i32 to vector<16xi32>
      %xor3A_71 = arith.xori %iota3A, %xor3A_70 : vector<16xi32>
      %broadcast_in_dim3A_72 = vector.shape_cast %xor3A_71 : vector<16xi32> to vector<16x1xi32>
      %gather3A_73 = vector.shape_cast %broadcast_in_dim3A_72 : vector<16x1xi32> to vector<16xi32>
      %gather3A_74 = tpu.dynamic_gather %max3A[%gather3A_73] in [0] : vector<16xf32>, vector<16xi32> -> vector<16xf32>
      %max3A_75 = arith.maximumf %max3A, %gather3A_74 : vector<16xf32>
      %xor3A_76 = arith.constant 2 : i32
      %xor3A_77 = vector.broadcast %xor3A_76 : i32 to vector<16xi32>
      %xor3A_78 = arith.xori %iota3A, %xor3A_77 : vector<16xi32>
      %broadcast_in_dim3A_79 = vector.shape_cast %xor3A_78 : vector<16xi32> to vector<16x1xi32>
      %gather3A_80 = vector.shape_cast %broadcast_in_dim3A_79 : vector<16x1xi32> to vector<16xi32>
      %gather3A_81 = tpu.dynamic_gather %max3A_75[%gather3A_80] in [0] : vector<16xf32>, vector<16xi32> -> vector<16xf32>
      %max3A_82 = arith.maximumf %max3A_75, %gather3A_81 : vector<16xf32>
      %xor3A_83 = arith.constant 1 : i32
      %xor3A_84 = vector.broadcast %xor3A_83 : i32 to vector<16xi32>
      %xor3A_85 = arith.xori %iota3A, %xor3A_84 : vector<16xi32>
      %broadcast_in_dim3A_86 = vector.shape_cast %xor3A_85 : vector<16xi32> to vector<16x1xi32>
      %gather3A_87 = vector.shape_cast %broadcast_in_dim3A_86 : vector<16x1xi32> to vector<16xi32>
      %gather3A_88 = tpu.dynamic_gather %max3A_82[%gather3A_87] in [0] : vector<16xf32>, vector<16xi32> -> vector<16xf32>
      %max3A_89 = arith.maximumf %max3A_82, %gather3A_88 : vector<16xf32>
      %bitcast_convert_type3A_90 = tpu.bitcast %max3A_89 : vector<16xf32> -> vector<16xi32>
      %scan3A_91 = arith.constant 0 : i32
      %scan3A_92 = arith.constant 8 : i32
      %scan3A_93 = arith.addi %scan3A_91, %scan3A_92 : i32
      %scan3A_94 = arith.constant 1 : i32
      %scan3A_95:2 = scf.for %scan3A_150 = %scan3A_91 to %scan3A_93 step %scan3A_94 iter_args(%scan3A_151 = %bitcast_convert_type3A, %scan3A_152 = %bitcast_convert_type3A_90) -> (vector<16xi32>, vector<16xi32>)  : i32 {
        %sub3A = arith.subi %scan3A_152, %scan3A_151 : vector<16xi32>
        %shift_right_arithmetic3A = arith.constant 1 : i32
        %shift_right_arithmetic3A_153 = vector.broadcast %shift_right_arithmetic3A : i32 to vector<16xi32>
        %shift_right_arithmetic3A_154 = arith.shrsi %sub3A, %shift_right_arithmetic3A_153 : vector<16xi32>
        %add3A_155 = arith.addi %scan3A_151, %shift_right_arithmetic3A_154 : vector<16xi32>
        %bitcast_convert_type3A_156 = tpu.bitcast %add3A_155 : vector<16xi32> -> vector<16xf32>
        %scan3A_157 = arith.constant 0 : i32
        %scan3A_158 = arith.constant 25 : i32
        %scan3A_159 = arith.addi %scan3A_157, %scan3A_158 : i32
        %scan3A_160 = arith.constant 1 : i32
        %scan3A_161 = scf.for %scan3A_196 = %scan3A_157 to %scan3A_159 step %scan3A_160 iter_args(%scan3A_197 = %broadcast_in_dim3A_1) -> (vector<16xi32>)  : i32 {
          %mul3A_198 = arith.constant 16 : i32
          %mul3A_199 = arith.muli %scan3A_196, %mul3A_198 : i32
          %get3A_200 = arith.index_cast %mul3A_199 : i32 to index
          %get3A_201 = tpu.vector_load %arg7[%get3A_200] {strides = array<i32>} : memref<400xf32, #tpu.memory_space<vmem>>, vector<16xf32>,
          %le3A_202 = arith.cmpf ole, %get3A_201, %bitcast_convert_type3A_156 : vector<16xf32>
          %broadcast_in_dim3A_203 = vector.broadcast %scan3A : i32 to vector<16xi32>
          %broadcast_in_dim3A_204 = vector.broadcast %scan3A_4 : i32 to vector<16xi32>
          %select_n3A_205 = arith.select %le3A_202, %broadcast_in_dim3A_203, %broadcast_in_dim3A_204 : vector<16xi1>, vector<16xi32>
          %add3A_206 = arith.addi %scan3A_197, %select_n3A_205 : vector<16xi32>
          scf.yield %add3A_206 : vector<16xi32>
        }
        %scan3A_162 = arith.constant 25 : i32
        %xor3A_163 = arith.constant 8 : i32
        %xor3A_164 = vector.broadcast %xor3A_163 : i32 to vector<16xi32>
        %xor3A_165 = arith.xori %iota3A, %xor3A_164 : vector<16xi32>
        %broadcast_in_dim3A_166 = vector.shape_cast %xor3A_165 : vector<16xi32> to vector<16x1xi32>
        %gather3A_167 = vector.shape_cast %broadcast_in_dim3A_166 : vector<16x1xi32> to vector<16xi32>
        %gather3A_168 = tpu.dynamic_gather %scan3A_161[%gather3A_167] in [0] : vector<16xi32>, vector<16xi32> -> vector<16xi32>
        %add3A_169 = arith.addi %scan3A_161, %gather3A_168 : vector<16xi32>
        %xor3A_170 = arith.constant 4 : i32
        %xor3A_171 = vector.broadcast %xor3A_170 : i32 to vector<16xi32>
        %xor3A_172 = arith.xori %iota3A, %xor3A_171 : vector<16xi32>
        %broadcast_in_dim3A_173 = vector.shape_cast %xor3A_172 : vector<16xi32> to vector<16x1xi32>
        %gather3A_174 = vector.shape_cast %broadcast_in_dim3A_173 : vector<16x1xi32> to vector<16xi32>
        %gather3A_175 = tpu.dynamic_gather %add3A_169[%gather3A_174] in [0] : vector<16xi32>, vector<16xi32> -> vector<16xi32>
        %add3A_176 = arith.addi %add3A_169, %gather3A_175 : vector<16xi32>
        %xor3A_177 = arith.constant 2 : i32
        %xor3A_178 = vector.broadcast %xor3A_177 : i32 to vector<16xi32>
        %xor3A_179 = arith.xori %iota3A, %xor3A_178 : vector<16xi32>
        %broadcast_in_dim3A_180 = vector.shape_cast %xor3A_179 : vector<16xi32> to vector<16x1xi32>
        %gather3A_181 = vector.shape_cast %broadcast_in_dim3A_180 : vector<16x1xi32> to vector<16xi32>
        %gather3A_182 = tpu.dynamic_gather %add3A_176[%gather3A_181] in [0] : vector<16xi32>, vector<16xi32> -> vector<16xi32>
        %add3A_183 = arith.addi %add3A_176, %gather3A_182 : vector<16xi32>
        %xor3A_184 = arith.constant 1 : i32
        %xor3A_185 = vector.broadcast %xor3A_184 : i32 to vector<16xi32>
        %xor3A_186 = arith.xori %iota3A, %xor3A_185 : vector<16xi32>
        %broadcast_in_dim3A_187 = vector.shape_cast %xor3A_186 : vector<16xi32> to vector<16x1xi32>
        %gather3A_188 = vector.shape_cast %broadcast_in_dim3A_187 : vector<16x1xi32> to vector<16xi32>
        %gather3A_189 = tpu.dynamic_gather %add3A_183[%gather3A_188] in [0] : vector<16xi32>, vector<16xi32> -> vector<16xi32>
        %add3A_190 = arith.addi %add3A_183, %gather3A_189 : vector<16xi32>
        %ge3A = arith.cmpi sge, %add3A_190, %broadcast_in_dim3A_27 : vector<16xi32>
        %add3A_191 = arith.constant 1 : i32
        %add3A_192 = vector.broadcast %add3A_191 : i32 to vector<16xi32>
        %add3A_193 = arith.addi %add3A_155, %add3A_192 : vector<16xi32>
        %select_n3A_194 = arith.select %ge3A, %scan3A_151, %add3A_193 : vector<16xi1>, vector<16xi32>
        %select_n3A_195 = arith.select %ge3A, %add3A_155, %scan3A_152 : vector<16xi1>, vector<16xi32>
        scf.yield %select_n3A_194, %select_n3A_195 : vector<16xi32>, vector<16xi32>
      }
      %scan3A_96 = arith.constant 8 : i32
      %bitcast_convert_type3A_97 = tpu.bitcast %scan3A_95#1 : vector<16xi32> -> vector<16xf32>
      %scan3A_98 = arith.constant 0 : i32
      %scan3A_99 = arith.constant 25 : i32
      %scan3A_100 = arith.addi %scan3A_98, %scan3A_99 : i32
      %scan3A_101 = arith.constant 1 : i32
      %scan3A_102 = scf.for %scan3A_150 = %scan3A_98 to %scan3A_100 step %scan3A_101 iter_args(%scan3A_151 = %scan3A_4) -> (i32)  : i32 {
        %mul3A_152 = arith.constant 16 : i32
        %mul3A_153 = arith.muli %scan3A_150, %mul3A_152 : i32
        %swap3A_154 = arith.index_cast %mul3A_153 : i32 to index
        %swap3A_155 = tpu.vector_load %arg8[%swap3A_154] {strides = array<i32>} : memref<400xi32, #tpu.memory_space<vmem>>, vector<16xi32>,
        tpu.vector_store %arg8[%swap3A_154], %broadcast_in_dim3A_1 {strides = array<i32>} : memref<400xi32, #tpu.memory_space<vmem>>, vector<16xi32>,
        %mul3A_156 = arith.constant 16 : i32
        %mul3A_157 = arith.muli %scan3A_150, %mul3A_156 : i32
        %swap3A_158 = arith.index_cast %mul3A_157 : i32 to index
        %swap3A_159 = tpu.vector_load %arg9[%swap3A_158] {strides = array<i32>} : memref<400xi32, #tpu.memory_space<vmem>>, vector<16xi32>,
        tpu.vector_store %arg9[%swap3A_158], %broadcast_in_dim3A_1 {strides = array<i32>} : memref<400xi32, #tpu.memory_space<vmem>>, vector<16xi32>,
        scf.yield %scan3A_4 : i32
      }
      %scan3A_103 = arith.constant 25 : i32
      %mul3A_104 = arith.constant 400 : i32
      %mul3A_105 = arith.muli %add3A_23, %mul3A_104 : i32
      %scan3A_106 = arith.constant 0 : i32
      %scan3A_107 = arith.constant 25 : i32
      %scan3A_108 = arith.addi %scan3A_106, %scan3A_107 : i32
      %scan3A_109 = arith.constant 1 : i32
      %scan3A_110 = scf.for %scan3A_150 = %scan3A_106 to %scan3A_108 step %scan3A_109 iter_args(%scan3A_151 = %broadcast_in_dim3A_1) -> (vector<16xi32>)  : i32 {
        %mul3A_152 = arith.constant 16 : i32
        %mul3A_153 = arith.muli %scan3A_150, %mul3A_152 : i32
        %get3A_154 = arith.index_cast %mul3A_153 : i32 to index
        %get3A_155 = tpu.vector_load %arg7[%get3A_154] {strides = array<i32>} : memref<400xf32, #tpu.memory_space<vmem>>, vector<16xf32>,
        %le3A_156 = arith.cmpf ole, %get3A_155, %bitcast_convert_type3A_97 : vector<16xf32>
        %broadcast_in_dim3A_157 = vector.broadcast %scan3A : i32 to vector<16xi32>
        %broadcast_in_dim3A_158 = vector.broadcast %scan3A_4 : i32 to vector<16xi32>
        %select_n3A_159 = arith.select %le3A_156, %broadcast_in_dim3A_157, %broadcast_in_dim3A_158 : vector<16xi1>, vector<16xi32>
        %broadcast_in_dim3A_160 = arith.constant true
        %broadcast_in_dim3A_161 = vector.broadcast %broadcast_in_dim3A_160 : i1 to vector<16xi1>
        %masked_cumsum3A = tpu.scan <sum>, %select_n3A_159 masked %broadcast_in_dim3A_161 : vector<16xi32>, vector<16xi1> -> vector<16xi32>
        %add3A_162 = arith.addi %scan3A_151, %masked_cumsum3A : vector<16xi32>
        %sub3A = arith.constant 1 : i32
        %sub3A_163 = vector.broadcast %sub3A : i32 to vector<16xi32>
        %sub3A_164 = arith.subi %add3A_162, %sub3A_163 : vector<16xi32>
        %max3A_165 = arith.constant 0 : i32
        %max3A_166 = vector.broadcast %max3A_165 : i32 to vector<16xi32>
        %max3A_167 = arith.maxsi %sub3A_164, %max3A_166 : vector<16xi32>
        %mul3A_168 = arith.constant 16 : i32
        %mul3A_169 = arith.muli %scan3A_150, %mul3A_168 : i32
        %add3A_170 = vector.broadcast %mul3A_169 : i32 to vector<16xi32>
        %add3A_171 = arith.addi %add3A_170, %iota3A : vector<16xi32>
        tpu.vector_store_idx %arg9[%max3A_167], %add3A_171 masked %le3A_156 : memref<400xi32, #tpu.memory_space<vmem>>[vector<16xi32>], vector<16xi32>, vector<16xi1>
        %add3A_172 = vector.broadcast %mul3A_105 : i32 to vector<16xi32>
        %add3A_173 = arith.addi %add3A_171, %add3A_172 : vector<16xi32>
        tpu.vector_store_idx %arg8[%max3A_167], %add3A_173 masked %le3A_156 : memref<400xi32, #tpu.memory_space<vmem>>[vector<16xi32>], vector<16xi32>, vector<16xi1>
        %all_reduce_population_count3A = tpu.all_reduce %le3A_156 {dim = 0 : i64, kind = #tpu.reduction_kind<sum>} : vector<16xi1> -> vector<16xi32>
        %add3A_174 = arith.addi %scan3A_151, %all_reduce_population_count3A : vector<16xi32>
        scf.yield %add3A_174 : vector<16xi32>
      }
      %scan3A_111 = arith.constant 25 : i32
      %slice3A = vector.extract_strided_slice %scan3A_110 {offsets = [0], sizes = [1], strides = [1]} : vector<16xi32> to vector<1xi32>
      %squeeze3A = vector.extract %slice3A[0] : i32 from vector<1xi32>
      %add3A_112 = arith.constant 63 : i32
      %add3A_113 = arith.addi %squeeze3A, %add3A_112 : i32
      %div3A = arith.constant 64 : i32
      %div3A_114 = arith.divsi %add3A_113, %div3A : i32
      %while3A = arith.constant 0 : i32
      %while3A_115 = arith.subi %div3A_114, %while3A : i32
      %while3A_116 = arith.addi %while3A, %while3A_115 : i32
      %while3A_117 = arith.constant 1 : i32
      %while3A_118 = arith.divsi %while3A_115, %while3A_117 : i32
      %while3A_119 = arith.muli %while3A_118, %while3A_117 : i32
      %while3A_120 = arith.addi %while3A, %while3A_119 : i32
      %while3A_121 = arith.constant 1 : i32
      %while3A_122 = scf.for %while3A_150 = %while3A to %while3A_120 step %while3A_121 iter_args(%while3A_151 = %scan3A_4) -> (i32)  : i32 {
        %mul3A_152 = arith.constant 64 : i32
        %mul3A_153 = arith.muli %while3A_150, %mul3A_152 : i32
        %dma_start3A = arith.constant 0 : i32
        %dma_start3A_154 = tpu.memref_slice %arg10[%mul3A_153, %dma_start3A] : memref<400x128xf32, #tpu.memory_space<vmem>> -> memref<64x128xf32, #tpu.memory_space<vmem>>
        %dma_start3A_155 = tpu.memref_slice %arg8[%mul3A_153] : memref<400xi32, #tpu.memory_space<vmem>> -> memref<64xi32, #tpu.memory_space<vmem>>
        %dma_start3A_156 = arith.constant 0 : i32
        %dma_start3A_157 = arith.constant 0 : i32
        %dma_start3A_158 = tpu.memref_slice %arg2[%dma_start3A_156, %dma_start3A_157] : memref<204800x128xf32, #tpu.memory_space<hbm>> -> memref<204800x128xf32, #tpu.memory_space<hbm>>
        tpu.enqueue_indirect_dma source(%dma_start3A_158 : memref<204800x128xf32, #tpu.memory_space<hbm>>) target(%dma_start3A_154 : memref<64x128xf32, #tpu.memory_space<vmem>>) offsets(%dma_start3A_155 : memref<64xi32, #tpu.memory_space<vmem>>) semaphore(%arg20 : memref<!tpu.dma_semaphore, #tpu.memory_space<semaphore_mem>>)
        %dma_start3A_159 = arith.constant 0 : i32
        %dma_start3A_160 = tpu.memref_slice %arg11[%mul3A_153, %dma_start3A_159] : memref<400x128xf32, #tpu.memory_space<vmem>> -> memref<64x128xf32, #tpu.memory_space<vmem>>
        %dma_start3A_161 = tpu.memref_slice %arg9[%mul3A_153] : memref<400xi32, #tpu.memory_space<vmem>> -> memref<64xi32, #tpu.memory_space<vmem>>
        %dma_start3A_162 = arith.constant 0 : i32
        %dma_start3A_163 = arith.constant 0 : i32
        %dma_start3A_164 = tpu.memref_slice %arg4[%dma_start3A_162, %dma_start3A_163] : memref<400x128xf32, #tpu.memory_space<hbm>> -> memref<400x128xf32, #tpu.memory_space<hbm>>
        tpu.enqueue_indirect_dma source(%dma_start3A_164 : memref<400x128xf32, #tpu.memory_space<hbm>>) target(%dma_start3A_160 : memref<64x128xf32, #tpu.memory_space<vmem>>) offsets(%dma_start3A_161 : memref<64xi32, #tpu.memory_space<vmem>>) semaphore(%arg21 : memref<!tpu.dma_semaphore, #tpu.memory_space<semaphore_mem>>)
        %dma_wait3A = arith.constant 0 : i32
        %dma_wait3A_165 = tpu.memref_slice %arg10[%mul3A_153, %dma_wait3A] : memref<400x128xf32, #tpu.memory_space<vmem>> -> memref<64x128xf32, #tpu.memory_space<vmem>>
        %dma_wait3A_166 = tpu.memref_slice %arg8[%mul3A_153] : memref<400xi32, #tpu.memory_space<vmem>> -> memref<64xi32, #tpu.memory_space<vmem>>
        %dma_wait3A_167 = arith.constant 0 : i32
        %dma_wait3A_168 = arith.constant 0 : i32
        %dma_wait3A_169 = tpu.memref_slice %arg2[%dma_wait3A_167, %dma_wait3A_168] : memref<204800x128xf32, #tpu.memory_space<hbm>> -> memref<204800x128xf32, #tpu.memory_space<hbm>>
        tpu.wait_indirect_dma semaphore(%arg20 : memref<!tpu.dma_semaphore, #tpu.memory_space<semaphore_mem>>) src(%dma_wait3A_169 : memref<204800x128xf32, #tpu.memory_space<hbm>>) dst(%dma_wait3A_165 : memref<64x128xf32, #tpu.memory_space<vmem>>)
        %dma_wait3A_170 = arith.constant 0 : i32
        %dma_wait3A_171 = tpu.memref_slice %arg11[%mul3A_153, %dma_wait3A_170] : memref<400x128xf32, #tpu.memory_space<vmem>> -> memref<64x128xf32, #tpu.memory_space<vmem>>
        %dma_wait3A_172 = tpu.memref_slice %arg9[%mul3A_153] : memref<400xi32, #tpu.memory_space<vmem>> -> memref<64xi32, #tpu.memory_space<vmem>>
        %dma_wait3A_173 = arith.constant 0 : i32
        %dma_wait3A_174 = arith.constant 0 : i32
        %dma_wait3A_175 = tpu.memref_slice %arg4[%dma_wait3A_173, %dma_wait3A_174] : memref<400x128xf32, #tpu.memory_space<hbm>> -> memref<400x128xf32, #tpu.memory_space<hbm>>
        tpu.wait_indirect_dma semaphore(%arg21 : memref<!tpu.dma_semaphore, #tpu.memory_space<semaphore_mem>>) src(%dma_wait3A_175 : memref<400x128xf32, #tpu.memory_space<hbm>>) dst(%dma_wait3A_171 : memref<64x128xf32, #tpu.memory_space<vmem>>)
        scf.yield %scan3A_4 : i32
      }
      %while3A_123 = arith.constant 1 : i32
      %while3A_124 = scf.for %while3A_150 = %while3A_120 to %while3A_116 step %while3A_123 iter_args(%while3A_151 = %while3A_122) -> (i32)  : i32 {
        %mul3A_152 = arith.constant 64 : i32
        %mul3A_153 = arith.muli %while3A_150, %mul3A_152 : i32
        %dma_start3A = arith.constant 0 : i32
        %dma_start3A_154 = tpu.memref_slice %arg10[%mul3A_153, %dma_start3A] : memref<400x128xf32, #tpu.memory_space<vmem>> -> memref<64x128xf32, #tpu.memory_space<vmem>>
        %dma_start3A_155 = tpu.memref_slice %arg8[%mul3A_153] : memref<400xi32, #tpu.memory_space<vmem>> -> memref<64xi32, #tpu.memory_space<vmem>>
        %dma_start3A_156 = arith.constant 0 : i32
        %dma_start3A_157 = arith.constant 0 : i32
        %dma_start3A_158 = tpu.memref_slice %arg2[%dma_start3A_156, %dma_start3A_157] : memref<204800x128xf32, #tpu.memory_space<hbm>> -> memref<204800x128xf32, #tpu.memory_space<hbm>>
        tpu.enqueue_indirect_dma source(%dma_start3A_158 : memref<204800x128xf32, #tpu.memory_space<hbm>>) target(%dma_start3A_154 : memref<64x128xf32, #tpu.memory_space<vmem>>) offsets(%dma_start3A_155 : memref<64xi32, #tpu.memory_space<vmem>>) semaphore(%arg20 : memref<!tpu.dma_semaphore, #tpu.memory_space<semaphore_mem>>)
        %dma_start3A_159 = arith.constant 0 : i32
        %dma_start3A_160 = tpu.memref_slice %arg11[%mul3A_153, %dma_start3A_159] : memref<400x128xf32, #tpu.memory_space<vmem>> -> memref<64x128xf32, #tpu.memory_space<vmem>>
        %dma_start3A_161 = tpu.memref_slice %arg9[%mul3A_153] : memref<400xi32, #tpu.memory_space<vmem>> -> memref<64xi32, #tpu.memory_space<vmem>>
        %dma_start3A_162 = arith.constant 0 : i32
        %dma_start3A_163 = arith.constant 0 : i32
        %dma_start3A_164 = tpu.memref_slice %arg4[%dma_start3A_162, %dma_start3A_163] : memref<400x128xf32, #tpu.memory_space<hbm>> -> memref<400x128xf32, #tpu.memory_space<hbm>>
        tpu.enqueue_indirect_dma source(%dma_start3A_164 : memref<400x128xf32, #tpu.memory_space<hbm>>) target(%dma_start3A_160 : memref<64x128xf32, #tpu.memory_space<vmem>>) offsets(%dma_start3A_161 : memref<64xi32, #tpu.memory_space<vmem>>) semaphore(%arg21 : memref<!tpu.dma_semaphore, #tpu.memory_space<semaphore_mem>>)
        %dma_wait3A = arith.constant 0 : i32
        %dma_wait3A_165 = tpu.memref_slice %arg10[%mul3A_153, %dma_wait3A] : memref<400x128xf32, #tpu.memory_space<vmem>> -> memref<64x128xf32, #tpu.memory_space<vmem>>
        %dma_wait3A_166 = tpu.memref_slice %arg8[%mul3A_153] : memref<400xi32, #tpu.memory_space<vmem>> -> memref<64xi32, #tpu.memory_space<vmem>>
        %dma_wait3A_167 = arith.constant 0 : i32
        %dma_wait3A_168 = arith.constant 0 : i32
        %dma_wait3A_169 = tpu.memref_slice %arg2[%dma_wait3A_167, %dma_wait3A_168] : memref<204800x128xf32, #tpu.memory_space<hbm>> -> memref<204800x128xf32, #tpu.memory_space<hbm>>
        tpu.wait_indirect_dma semaphore(%arg20 : memref<!tpu.dma_semaphore, #tpu.memory_space<semaphore_mem>>) src(%dma_wait3A_169 : memref<204800x128xf32, #tpu.memory_space<hbm>>) dst(%dma_wait3A_165 : memref<64x128xf32, #tpu.memory_space<vmem>>)
        %dma_wait3A_170 = arith.constant 0 : i32
        %dma_wait3A_171 = tpu.memref_slice %arg11[%mul3A_153, %dma_wait3A_170] : memref<400x128xf32, #tpu.memory_space<vmem>> -> memref<64x128xf32, #tpu.memory_space<vmem>>
        %dma_wait3A_172 = tpu.memref_slice %arg9[%mul3A_153] : memref<400xi32, #tpu.memory_space<vmem>> -> memref<64xi32, #tpu.memory_space<vmem>>
        %dma_wait3A_173 = arith.constant 0 : i32
        %dma_wait3A_174 = arith.constant 0 : i32
        %dma_wait3A_175 = tpu.memref_slice %arg4[%dma_wait3A_173, %dma_wait3A_174] : memref<400x128xf32, #tpu.memory_space<hbm>> -> memref<400x128xf32, #tpu.memory_space<hbm>>
        tpu.wait_indirect_dma semaphore(%arg21 : memref<!tpu.dma_semaphore, #tpu.memory_space<semaphore_mem>>) src(%dma_wait3A_175 : memref<400x128xf32, #tpu.memory_space<hbm>>) dst(%dma_wait3A_171 : memref<64x128xf32, #tpu.memory_space<vmem>>)
        scf.yield %scan3A_4 : i32
      }
      %broadcast_in_dim3A_125 = arith.constant 256 : i32
      %broadcast_in_dim3A_126 = vector.broadcast %broadcast_in_dim3A_125 : i32 to vector<16xi32>
      %while3A_127 = arith.constant 0 : i32
      %while3A_128 = arith.subi %squeeze3A, %while3A_127 : i32
      %while3A_129 = arith.addi %while3A_127, %while3A_128 : i32
      %while3A_130 = arith.constant 1 : i32
      %while3A_131 = arith.divsi %while3A_128, %while3A_130 : i32
      %while3A_132 = arith.muli %while3A_131, %while3A_130 : i32
      %while3A_133 = arith.addi %while3A_127, %while3A_132 : i32
      %while3A_134 = arith.constant 1 : i32
      %while3A_135 = scf.for %while3A_150 = %while3A_127 to %while3A_133 step %while3A_134 iter_args(%while3A_151 = %broadcast_in_dim3A_1) -> (vector<16xi32>)  : i32 {
        %get3A_152 = arith.index_cast %while3A_150 : i32 to index
        %get3A_153 = arith.constant 0 : index
        %get3A_154 = tpu.vector_load %arg10[%get3A_152, %get3A_153] {strides = array<i32>} : memref<400x128xf32, #tpu.memory_space<vmem>>, vector<16xf32>,
        %get3A_155 = arith.index_cast %while3A_150 : i32 to index
        %get3A_156 = arith.constant 0 : index
        %get3A_157 = tpu.vector_load %arg11[%get3A_155, %get3A_156] {strides = array<i32>} : memref<400x128xf32, #tpu.memory_space<vmem>>, vector<16xf32>,
        %le3A_158 = arith.cmpf ole, %get3A_154, %bitcast_convert_type3A_97 : vector<16xf32>
        %broadcast_in_dim3A_159 = vector.broadcast %scan3A : i32 to vector<16xi32>
        %broadcast_in_dim3A_160 = vector.broadcast %scan3A_4 : i32 to vector<16xi32>
        %select_n3A_161 = arith.select %le3A_158, %broadcast_in_dim3A_159, %broadcast_in_dim3A_160 : vector<16xi1>, vector<16xi32>
        %broadcast_in_dim3A_162 = arith.constant true
        %broadcast_in_dim3A_163 = vector.broadcast %broadcast_in_dim3A_162 : i1 to vector<16xi1>
        %masked_cumsum3A = tpu.scan <sum>, %select_n3A_161 masked %broadcast_in_dim3A_163 : vector<16xi32>, vector<16xi1> -> vector<16xi32>
        %add3A_164 = arith.addi %while3A_151, %masked_cumsum3A : vector<16xi32>
        %sub3A = arith.constant 1 : i32
        %sub3A_165 = vector.broadcast %sub3A : i32 to vector<16xi32>
        %sub3A_166 = arith.subi %add3A_164, %sub3A_165 : vector<16xi32>
        %lt3A = arith.cmpi slt, %sub3A_166, %broadcast_in_dim3A_126 : vector<16xi32>
        %and3A = arith.andi %le3A_158, %lt3A : vector<16xi1>
        %jit3A_167 = arith.constant 0 : i32
        %jit3A_168 = arith.constant 255 : i32
        %max3A_169 = vector.broadcast %jit3A_167 : i32 to vector<16xi32>
        %max3A_170 = arith.maxsi %max3A_169, %sub3A_166 : vector<16xi32>
        %min3A_171 = vector.broadcast %jit3A_168 : i32 to vector<16xi32>
        %min3A_172 = arith.minsi %min3A_171, %max3A_170 : vector<16xi32>
        tpu.vector_store_idx %arg16[%min3A_172], %get3A_154 masked %and3A : memref<256xf32, #tpu.memory_space<vmem>>[vector<16xi32>], vector<16xf32>, vector<16xi1>
        tpu.vector_store_idx %arg17[%min3A_172], %get3A_157 masked %and3A : memref<256xf32, #tpu.memory_space<vmem>>[vector<16xi32>], vector<16xf32>, vector<16xi1>
        %all_reduce_population_count3A = tpu.all_reduce %le3A_158 {dim = 0 : i64, kind = #tpu.reduction_kind<sum>} : vector<16xi1> -> vector<16xi32>
        %add3A_173 = arith.addi %while3A_151, %all_reduce_population_count3A : vector<16xi32>
        %get3A_174 = arith.index_cast %while3A_150 : i32 to index
        %get3A_175 = arith.constant 16 : index
        %get3A_176 = tpu.vector_load %arg10[%get3A_174, %get3A_175] {strides = array<i32>} : memref<400x128xf32, #tpu.memory_space<vmem>>, vector<16xf32>,
        %get3A_177 = arith.index_cast %while3A_150 : i32 to index
        %get3A_178 = arith.constant 16 : index
        %get3A_179 = tpu.vector_load %arg11[%get3A_177, %get3A_178] {strides = array<i32>} : memref<400x128xf32, #tpu.memory_space<vmem>>, vector<16xf32>,
        %le3A_180 = arith.cmpf ole, %get3A_176, %bitcast_convert_type3A_97 : vector<16xf32>
        %broadcast_in_dim3A_181 = vector.broadcast %scan3A : i32 to vector<16xi32>
        %broadcast_in_dim3A_182 = vector.broadcast %scan3A_4 : i32 to vector<16xi32>
        %select_n3A_183 = arith.select %le3A_180, %broadcast_in_dim3A_181, %broadcast_in_dim3A_182 : vector<16xi1>, vector<16xi32>
        %broadcast_in_dim3A_184 = arith.constant true
        %broadcast_in_dim3A_185 = vector.broadcast %broadcast_in_dim3A_184 : i1 to vector<16xi1>
        %masked_cumsum3A_186 = tpu.scan <sum>, %select_n3A_183 masked %broadcast_in_dim3A_185 : vector<16xi32>, vector<16xi1> -> vector<16xi32>
        %add3A_187 = arith.addi %add3A_173, %masked_cumsum3A_186 : vector<16xi32>
        %sub3A_188 = arith.constant 1 : i32
        %sub3A_189 = vector.broadcast %sub3A_188 : i32 to vector<16xi32>
        %sub3A_190 = arith.subi %add3A_187, %sub3A_189 : vector<16xi32>
        %lt3A_191 = arith.cmpi slt, %sub3A_190, %broadcast_in_dim3A_126 : vector<16xi32>
        %and3A_192 = arith.andi %le3A_180, %lt3A_191 : vector<16xi1>
        %jit3A_193 = arith.constant 0 : i32
        %jit3A_194 = arith.constant 255 : i32
        %max3A_195 = vector.broadcast %jit3A_193 : i32 to vector<16xi32>
        %max3A_196 = arith.maxsi %max3A_195, %sub3A_190 : vector<16xi32>
        %min3A_197 = vector.broadcast %jit3A_194 : i32 to vector<16xi32>
        %min3A_198 = arith.minsi %min3A_197, %max3A_196 : vector<16xi32>
        tpu.vector_store_idx %arg16[%min3A_198], %get3A_176 masked %and3A_192 : memref<256xf32, #tpu.memory_space<vmem>>[vector<16xi32>], vector<16xf32>, vector<16xi1>
        tpu.vector_store_idx %arg17[%min3A_198], %get3A_179 masked %and3A_192 : memref<256xf32, #tpu.memory_space<vmem>>[vector<16xi32>], vector<16xf32>, vector<16xi1>
        %all_reduce_population_count3A_199 = tpu.all_reduce %le3A_180 {dim = 0 : i64, kind = #tpu.reduction_kind<sum>} : vector<16xi1> -> vector<16xi32>
        %add3A_200 = arith.addi %add3A_173, %all_reduce_population_count3A_199 : vector<16xi32>
        %get3A_201 = arith.index_cast %while3A_150 : i32 to index
        %get3A_202 = arith.constant 32 : index
        %get3A_203 = tpu.vector_load %arg10[%get3A_201, %get3A_202] {strides = array<i32>} : memref<400x128xf32, #tpu.memory_space<vmem>>, vector<16xf32>,
        %get3A_204 = arith.index_cast %while3A_150 : i32 to index
        %get3A_205 = arith.constant 32 : index
        %get3A_206 = tpu.vector_load %arg11[%get3A_204, %get3A_205] {strides = array<i32>} : memref<400x128xf32, #tpu.memory_space<vmem>>, vector<16xf32>,
        %le3A_207 = arith.cmpf ole, %get3A_203, %bitcast_convert_type3A_97 : vector<16xf32>
        %broadcast_in_dim3A_208 = vector.broadcast %scan3A : i32 to vector<16xi32>
        %broadcast_in_dim3A_209 = vector.broadcast %scan3A_4 : i32 to vector<16xi32>
        %select_n3A_210 = arith.select %le3A_207, %broadcast_in_dim3A_208, %broadcast_in_dim3A_209 : vector<16xi1>, vector<16xi32>
        %broadcast_in_dim3A_211 = arith.constant true
        %broadcast_in_dim3A_212 = vector.broadcast %broadcast_in_dim3A_211 : i1 to vector<16xi1>
        %masked_cumsum3A_213 = tpu.scan <sum>, %select_n3A_210 masked %broadcast_in_dim3A_212 : vector<16xi32>, vector<16xi1> -> vector<16xi32>
        %add3A_214 = arith.addi %add3A_200, %masked_cumsum3A_213 : vector<16xi32>
        %sub3A_215 = arith.constant 1 : i32
        %sub3A_216 = vector.broadcast %sub3A_215 : i32 to vector<16xi32>
        %sub3A_217 = arith.subi %add3A_214, %sub3A_216 : vector<16xi32>
        %lt3A_218 = arith.cmpi slt, %sub3A_217, %broadcast_in_dim3A_126 : vector<16xi32>
        %and3A_219 = arith.andi %le3A_207, %lt3A_218 : vector<16xi1>
        %jit3A_220 = arith.constant 0 : i32
        %jit3A_221 = arith.constant 255 : i32
        %max3A_222 = vector.broadcast %jit3A_220 : i32 to vector<16xi32>
        %max3A_223 = arith.maxsi %max3A_222, %sub3A_217 : vector<16xi32>
        %min3A_224 = vector.broadcast %jit3A_221 : i32 to vector<16xi32>
        %min3A_225 = arith.minsi %min3A_224, %max3A_223 : vector<16xi32>
        tpu.vector_store_idx %arg16[%min3A_225], %get3A_203 masked %and3A_219 : memref<256xf32, #tpu.memory_space<vmem>>[vector<16xi32>], vector<16xf32>, vector<16xi1>
        tpu.vector_store_idx %arg17[%min3A_225], %get3A_206 masked %and3A_219 : memref<256xf32, #tpu.memory_space<vmem>>[vector<16xi32>], vector<16xf32>, vector<16xi1>
        %all_reduce_population_count3A_226 = tpu.all_reduce %le3A_207 {dim = 0 : i64, kind = #tpu.reduction_kind<sum>} : vector<16xi1> -> vector<16xi32>
        %add3A_227 = arith.addi %add3A_200, %all_reduce_population_count3A_226 : vector<16xi32>
        %get3A_228 = arith.index_cast %while3A_150 : i32 to index
        %get3A_229 = arith.constant 48 : index
        %get3A_230 = tpu.vector_load %arg10[%get3A_228, %get3A_229] {strides = array<i32>} : memref<400x128xf32, #tpu.memory_space<vmem>>, vector<16xf32>,
        %get3A_231 = arith.index_cast %while3A_150 : i32 to index
        %get3A_232 = arith.constant 48 : index
        %get3A_233 = tpu.vector_load %arg11[%get3A_231, %get3A_232] {strides = array<i32>} : memref<400x128xf32, #tpu.memory_space<vmem>>, vector<16xf32>,
        %le3A_234 = arith.cmpf ole, %get3A_230, %bitcast_convert_type3A_97 : vector<16xf32>
        %broadcast_in_dim3A_235 = vector.broadcast %scan3A : i32 to vector<16xi32>
        %broadcast_in_dim3A_236 = vector.broadcast %scan3A_4 : i32 to vector<16xi32>
        %select_n3A_237 = arith.select %le3A_234, %broadcast_in_dim3A_235, %broadcast_in_dim3A_236 : vector<16xi1>, vector<16xi32>
        %broadcast_in_dim3A_238 = arith.constant true
        %broadcast_in_dim3A_239 = vector.broadcast %broadcast_in_dim3A_238 : i1 to vector<16xi1>
        %masked_cumsum3A_240 = tpu.scan <sum>, %select_n3A_237 masked %broadcast_in_dim3A_239 : vector<16xi32>, vector<16xi1> -> vector<16xi32>
        %add3A_241 = arith.addi %add3A_227, %masked_cumsum3A_240 : vector<16xi32>
        %sub3A_242 = arith.constant 1 : i32
        %sub3A_243 = vector.broadcast %sub3A_242 : i32 to vector<16xi32>
        %sub3A_244 = arith.subi %add3A_241, %sub3A_243 : vector<16xi32>
        %lt3A_245 = arith.cmpi slt, %sub3A_244, %broadcast_in_dim3A_126 : vector<16xi32>
        %and3A_246 = arith.andi %le3A_234, %lt3A_245 : vector<16xi1>
        %jit3A_247 = arith.constant 0 : i32
        %jit3A_248 = arith.constant 255 : i32
        %max3A_249 = vector.broadcast %jit3A_247 : i32 to vector<16xi32>
        %max3A_250 = arith.maxsi %max3A_249, %sub3A_244 : vector<16xi32>
        %min3A_251 = vector.broadcast %jit3A_248 : i32 to vector<16xi32>
        %min3A_252 = arith.minsi %min3A_251, %max3A_250 : vector<16xi32>
        tpu.vector_store_idx %arg16[%min3A_252], %get3A_230 masked %and3A_246 : memref<256xf32, #tpu.memory_space<vmem>>[vector<16xi32>], vector<16xf32>, vector<16xi1>
        tpu.vector_store_idx %arg17[%min3A_252], %get3A_233 masked %and3A_246 : memref<256xf32, #tpu.memory_space<vmem>>[vector<16xi32>], vector<16xf32>, vector<16xi1>
        %all_reduce_population_count3A_253 = tpu.all_reduce %le3A_234 {dim = 0 : i64, kind = #tpu.reduction_kind<sum>} : vector<16xi1> -> vector<16xi32>
        %add3A_254 = arith.addi %add3A_227, %all_reduce_population_count3A_253 : vector<16xi32>
        %get3A_255 = arith.index_cast %while3A_150 : i32 to index
        %get3A_256 = arith.constant 64 : index
        %get3A_257 = tpu.vector_load %arg10[%get3A_255, %get3A_256] {strides = array<i32>} : memref<400x128xf32, #tpu.memory_space<vmem>>, vector<16xf32>,
        %get3A_258 = arith.index_cast %while3A_150 : i32 to index
        %get3A_259 = arith.constant 64 : index
        %get3A_260 = tpu.vector_load %arg11[%get3A_258, %get3A_259] {strides = array<i32>} : memref<400x128xf32, #tpu.memory_space<vmem>>, vector<16xf32>,
        %le3A_261 = arith.cmpf ole, %get3A_257, %bitcast_convert_type3A_97 : vector<16xf32>
        %broadcast_in_dim3A_262 = vector.broadcast %scan3A : i32 to vector<16xi32>
        %broadcast_in_dim3A_263 = vector.broadcast %scan3A_4 : i32 to vector<16xi32>
        %select_n3A_264 = arith.select %le3A_261, %broadcast_in_dim3A_262, %broadcast_in_dim3A_263 : vector<16xi1>, vector<16xi32>
        %broadcast_in_dim3A_265 = arith.constant true
        %broadcast_in_dim3A_266 = vector.broadcast %broadcast_in_dim3A_265 : i1 to vector<16xi1>
        %masked_cumsum3A_267 = tpu.scan <sum>, %select_n3A_264 masked %broadcast_in_dim3A_266 : vector<16xi32>, vector<16xi1> -> vector<16xi32>
        %add3A_268 = arith.addi %add3A_254, %masked_cumsum3A_267 : vector<16xi32>
        %sub3A_269 = arith.constant 1 : i32
        %sub3A_270 = vector.broadcast %sub3A_269 : i32 to vector<16xi32>
        %sub3A_271 = arith.subi %add3A_268, %sub3A_270 : vector<16xi32>
        %lt3A_272 = arith.cmpi slt, %sub3A_271, %broadcast_in_dim3A_126 : vector<16xi32>
        %and3A_273 = arith.andi %le3A_261, %lt3A_272 : vector<16xi1>
        %jit3A_274 = arith.constant 0 : i32
        %jit3A_275 = arith.constant 255 : i32
        %max3A_276 = vector.broadcast %jit3A_274 : i32 to vector<16xi32>
        %max3A_277 = arith.maxsi %max3A_276, %sub3A_271 : vector<16xi32>
        %min3A_278 = vector.broadcast %jit3A_275 : i32 to vector<16xi32>
        %min3A_279 = arith.minsi %min3A_278, %max3A_277 : vector<16xi32>
        tpu.vector_store_idx %arg16[%min3A_279], %get3A_257 masked %and3A_273 : memref<256xf32, #tpu.memory_space<vmem>>[vector<16xi32>], vector<16xf32>, vector<16xi1>
        tpu.vector_store_idx %arg17[%min3A_279], %get3A_260 masked %and3A_273 : memref<256xf32, #tpu.memory_space<vmem>>[vector<16xi32>], vector<16xf32>, vector<16xi1>
        %all_reduce_population_count3A_280 = tpu.all_reduce %le3A_261 {dim = 0 : i64, kind = #tpu.reduction_kind<sum>} : vector<16xi1> -> vector<16xi32>
        %add3A_281 = arith.addi %add3A_254, %all_reduce_population_count3A_280 : vector<16xi32>
        %get3A_282 = arith.index_cast %while3A_150 : i32 to index
        %get3A_283 = arith.constant 80 : index
        %get3A_284 = tpu.vector_load %arg10[%get3A_282, %get3A_283] {strides = array<i32>} : memref<400x128xf32, #tpu.memory_space<vmem>>, vector<16xf32>,
        %get3A_285 = arith.index_cast %while3A_150 : i32 to index
        %get3A_286 = arith.constant 80 : index
        %get3A_287 = tpu.vector_load %arg11[%get3A_285, %get3A_286] {strides = array<i32>} : memref<400x128xf32, #tpu.memory_space<vmem>>, vector<16xf32>,
        %le3A_288 = arith.cmpf ole, %get3A_284, %bitcast_convert_type3A_97 : vector<16xf32>
        %broadcast_in_dim3A_289 = vector.broadcast %scan3A : i32 to vector<16xi32>
        %broadcast_in_dim3A_290 = vector.broadcast %scan3A_4 : i32 to vector<16xi32>
        %select_n3A_291 = arith.select %le3A_288, %broadcast_in_dim3A_289, %broadcast_in_dim3A_290 : vector<16xi1>, vector<16xi32>
        %broadcast_in_dim3A_292 = arith.constant true
        %broadcast_in_dim3A_293 = vector.broadcast %broadcast_in_dim3A_292 : i1 to vector<16xi1>
        %masked_cumsum3A_294 = tpu.scan <sum>, %select_n3A_291 masked %broadcast_in_dim3A_293 : vector<16xi32>, vector<16xi1> -> vector<16xi32>
        %add3A_295 = arith.addi %add3A_281, %masked_cumsum3A_294 : vector<16xi32>
        %sub3A_296 = arith.constant 1 : i32
        %sub3A_297 = vector.broadcast %sub3A_296 : i32 to vector<16xi32>
        %sub3A_298 = arith.subi %add3A_295, %sub3A_297 : vector<16xi32>
        %lt3A_299 = arith.cmpi slt, %sub3A_298, %broadcast_in_dim3A_126 : vector<16xi32>
        %and3A_300 = arith.andi %le3A_288, %lt3A_299 : vector<16xi1>
        %jit3A_301 = arith.constant 0 : i32
        %jit3A_302 = arith.constant 255 : i32
        %max3A_303 = vector.broadcast %jit3A_301 : i32 to vector<16xi32>
        %max3A_304 = arith.maxsi %max3A_303, %sub3A_298 : vector<16xi32>
        %min3A_305 = vector.broadcast %jit3A_302 : i32 to vector<16xi32>
        %min3A_306 = arith.minsi %min3A_305, %max3A_304 : vector<16xi32>
        tpu.vector_store_idx %arg16[%min3A_306], %get3A_284 masked %and3A_300 : memref<256xf32, #tpu.memory_space<vmem>>[vector<16xi32>], vector<16xf32>, vector<16xi1>
        tpu.vector_store_idx %arg17[%min3A_306], %get3A_287 masked %and3A_300 : memref<256xf32, #tpu.memory_space<vmem>>[vector<16xi32>], vector<16xf32>, vector<16xi1>
        %all_reduce_population_count3A_307 = tpu.all_reduce %le3A_288 {dim = 0 : i64, kind = #tpu.reduction_kind<sum>} : vector<16xi1> -> vector<16xi32>
        %add3A_308 = arith.addi %add3A_281, %all_reduce_population_count3A_307 : vector<16xi32>
        %get3A_309 = arith.index_cast %while3A_150 : i32 to index
        %get3A_310 = arith.constant 96 : index
        %get3A_311 = tpu.vector_load %arg10[%get3A_309, %get3A_310] {strides = array<i32>} : memref<400x128xf32, #tpu.memory_space<vmem>>, vector<16xf32>,
        %get3A_312 = arith.index_cast %while3A_150 : i32 to index
        %get3A_313 = arith.constant 96 : index
        %get3A_314 = tpu.vector_load %arg11[%get3A_312, %get3A_313] {strides = array<i32>} : memref<400x128xf32, #tpu.memory_space<vmem>>, vector<16xf32>,
        %le3A_315 = arith.cmpf ole, %get3A_311, %bitcast_convert_type3A_97 : vector<16xf32>
        %broadcast_in_dim3A_316 = vector.broadcast %scan3A : i32 to vector<16xi32>
        %broadcast_in_dim3A_317 = vector.broadcast %scan3A_4 : i32 to vector<16xi32>
        %select_n3A_318 = arith.select %le3A_315, %broadcast_in_dim3A_316, %broadcast_in_dim3A_317 : vector<16xi1>, vector<16xi32>
        %broadcast_in_dim3A_319 = arith.constant true
        %broadcast_in_dim3A_320 = vector.broadcast %broadcast_in_dim3A_319 : i1 to vector<16xi1>
        %masked_cumsum3A_321 = tpu.scan <sum>, %select_n3A_318 masked %broadcast_in_dim3A_320 : vector<16xi32>, vector<16xi1> -> vector<16xi32>
        %add3A_322 = arith.addi %add3A_308, %masked_cumsum3A_321 : vector<16xi32>
        %sub3A_323 = arith.constant 1 : i32
        %sub3A_324 = vector.broadcast %sub3A_323 : i32 to vector<16xi32>
        %sub3A_325 = arith.subi %add3A_322, %sub3A_324 : vector<16xi32>
        %lt3A_326 = arith.cmpi slt, %sub3A_325, %broadcast_in_dim3A_126 : vector<16xi32>
        %and3A_327 = arith.andi %le3A_315, %lt3A_326 : vector<16xi1>
        %jit3A_328 = arith.constant 0 : i32
        %jit3A_329 = arith.constant 255 : i32
        %max3A_330 = vector.broadcast %jit3A_328 : i32 to vector<16xi32>
        %max3A_331 = arith.maxsi %max3A_330, %sub3A_325 : vector<16xi32>
        %min3A_332 = vector.broadcast %jit3A_329 : i32 to vector<16xi32>
        %min3A_333 = arith.minsi %min3A_332, %max3A_331 : vector<16xi32>
        tpu.vector_store_idx %arg16[%min3A_333], %get3A_311 masked %and3A_327 : memref<256xf32, #tpu.memory_space<vmem>>[vector<16xi32>], vector<16xf32>, vector<16xi1>
        tpu.vector_store_idx %arg17[%min3A_333], %get3A_314 masked %and3A_327 : memref<256xf32, #tpu.memory_space<vmem>>[vector<16xi32>], vector<16xf32>, vector<16xi1>
        %all_reduce_population_count3A_334 = tpu.all_reduce %le3A_315 {dim = 0 : i64, kind = #tpu.reduction_kind<sum>} : vector<16xi1> -> vector<16xi32>
        %add3A_335 = arith.addi %add3A_308, %all_reduce_population_count3A_334 : vector<16xi32>
        %get3A_336 = arith.index_cast %while3A_150 : i32 to index
        %get3A_337 = arith.constant 112 : index
        %get3A_338 = tpu.vector_load %arg10[%get3A_336, %get3A_337] {strides = array<i32>} : memref<400x128xf32, #tpu.memory_space<vmem>>, vector<16xf32>,
        %get3A_339 = arith.index_cast %while3A_150 : i32 to index
        %get3A_340 = arith.constant 112 : index
        %get3A_341 = tpu.vector_load %arg11[%get3A_339, %get3A_340] {strides = array<i32>} : memref<400x128xf32, #tpu.memory_space<vmem>>, vector<16xf32>,
        %le3A_342 = arith.cmpf ole, %get3A_338, %bitcast_convert_type3A_97 : vector<16xf32>
        %broadcast_in_dim3A_343 = vector.broadcast %scan3A : i32 to vector<16xi32>
        %broadcast_in_dim3A_344 = vector.broadcast %scan3A_4 : i32 to vector<16xi32>
        %select_n3A_345 = arith.select %le3A_342, %broadcast_in_dim3A_343, %broadcast_in_dim3A_344 : vector<16xi1>, vector<16xi32>
        %broadcast_in_dim3A_346 = arith.constant true
        %broadcast_in_dim3A_347 = vector.broadcast %broadcast_in_dim3A_346 : i1 to vector<16xi1>
        %masked_cumsum3A_348 = tpu.scan <sum>, %select_n3A_345 masked %broadcast_in_dim3A_347 : vector<16xi32>, vector<16xi1> -> vector<16xi32>
        %add3A_349 = arith.addi %add3A_335, %masked_cumsum3A_348 : vector<16xi32>
        %sub3A_350 = arith.constant 1 : i32
        %sub3A_351 = vector.broadcast %sub3A_350 : i32 to vector<16xi32>
        %sub3A_352 = arith.subi %add3A_349, %sub3A_351 : vector<16xi32>
        %lt3A_353 = arith.cmpi slt, %sub3A_352, %broadcast_in_dim3A_126 : vector<16xi32>
        %and3A_354 = arith.andi %le3A_342, %lt3A_353 : vector<16xi1>
        %jit3A_355 = arith.constant 0 : i32
        %jit3A_356 = arith.constant 255 : i32
        %max3A_357 = vector.broadcast %jit3A_355 : i32 to vector<16xi32>
        %max3A_358 = arith.maxsi %max3A_357, %sub3A_352 : vector<16xi32>
        %min3A_359 = vector.broadcast %jit3A_356 : i32 to vector<16xi32>
        %min3A_360 = arith.minsi %min3A_359, %max3A_358 : vector<16xi32>
        tpu.vector_store_idx %arg16[%min3A_360], %get3A_338 masked %and3A_354 : memref<256xf32, #tpu.memory_space<vmem>>[vector<16xi32>], vector<16xf32>, vector<16xi1>
        tpu.vector_store_idx %arg17[%min3A_360], %get3A_341 masked %and3A_354 : memref<256xf32, #tpu.memory_space<vmem>>[vector<16xi32>], vector<16xf32>, vector<16xi1>
        %all_reduce_population_count3A_361 = tpu.all_reduce %le3A_342 {dim = 0 : i64, kind = #tpu.reduction_kind<sum>} : vector<16xi1> -> vector<16xi32>
        %add3A_362 = arith.addi %add3A_335, %all_reduce_population_count3A_361 : vector<16xi32>
        scf.yield %add3A_362 : vector<16xi32>
      }
      %while3A_136 = arith.constant 1 : i32
      %while3A_137 = scf.for %while3A_150 = %while3A_133 to %while3A_129 step %while3A_136 iter_args(%while3A_151 = %while3A_135) -> (vector<16xi32>)  : i32 {
        %get3A_152 = arith.index_cast %while3A_150 : i32 to index
        %get3A_153 = arith.constant 0 : index
        %get3A_154 = tpu.vector_load %arg10[%get3A_152, %get3A_153] {strides = array<i32>} : memref<400x128xf32, #tpu.memory_space<vmem>>, vector<16xf32>,
        %get3A_155 = arith.index_cast %while3A_150 : i32 to index
        %get3A_156 = arith.constant 0 : index
        %get3A_157 = tpu.vector_load %arg11[%get3A_155, %get3A_156] {strides = array<i32>} : memref<400x128xf32, #tpu.memory_space<vmem>>, vector<16xf32>,
        %le3A_158 = arith.cmpf ole, %get3A_154, %bitcast_convert_type3A_97 : vector<16xf32>
        %broadcast_in_dim3A_159 = vector.broadcast %scan3A : i32 to vector<16xi32>
        %broadcast_in_dim3A_160 = vector.broadcast %scan3A_4 : i32 to vector<16xi32>
        %select_n3A_161 = arith.select %le3A_158, %broadcast_in_dim3A_159, %broadcast_in_dim3A_160 : vector<16xi1>, vector<16xi32>
        %broadcast_in_dim3A_162 = arith.constant true
        %broadcast_in_dim3A_163 = vector.broadcast %broadcast_in_dim3A_162 : i1 to vector<16xi1>
        %masked_cumsum3A = tpu.scan <sum>, %select_n3A_161 masked %broadcast_in_dim3A_163 : vector<16xi32>, vector<16xi1> -> vector<16xi32>
        %add3A_164 = arith.addi %while3A_151, %masked_cumsum3A : vector<16xi32>
        %sub3A = arith.constant 1 : i32
        %sub3A_165 = vector.broadcast %sub3A : i32 to vector<16xi32>
        %sub3A_166 = arith.subi %add3A_164, %sub3A_165 : vector<16xi32>
        %lt3A = arith.cmpi slt, %sub3A_166, %broadcast_in_dim3A_126 : vector<16xi32>
        %and3A = arith.andi %le3A_158, %lt3A : vector<16xi1>
        %jit3A_167 = arith.constant 0 : i32
        %jit3A_168 = arith.constant 255 : i32
        %max3A_169 = vector.broadcast %jit3A_167 : i32 to vector<16xi32>
        %max3A_170 = arith.maxsi %max3A_169, %sub3A_166 : vector<16xi32>
        %min3A_171 = vector.broadcast %jit3A_168 : i32 to vector<16xi32>
        %min3A_172 = arith.minsi %min3A_171, %max3A_170 : vector<16xi32>
        tpu.vector_store_idx %arg16[%min3A_172], %get3A_154 masked %and3A : memref<256xf32, #tpu.memory_space<vmem>>[vector<16xi32>], vector<16xf32>, vector<16xi1>
        tpu.vector_store_idx %arg17[%min3A_172], %get3A_157 masked %and3A : memref<256xf32, #tpu.memory_space<vmem>>[vector<16xi32>], vector<16xf32>, vector<16xi1>
        %all_reduce_population_count3A = tpu.all_reduce %le3A_158 {dim = 0 : i64, kind = #tpu.reduction_kind<sum>} : vector<16xi1> -> vector<16xi32>
        %add3A_173 = arith.addi %while3A_151, %all_reduce_population_count3A : vector<16xi32>
        %get3A_174 = arith.index_cast %while3A_150 : i32 to index
        %get3A_175 = arith.constant 16 : index
        %get3A_176 = tpu.vector_load %arg10[%get3A_174, %get3A_175] {strides = array<i32>} : memref<400x128xf32, #tpu.memory_space<vmem>>, vector<16xf32>,
        %get3A_177 = arith.index_cast %while3A_150 : i32 to index
        %get3A_178 = arith.constant 16 : index
        %get3A_179 = tpu.vector_load %arg11[%get3A_177, %get3A_178] {strides = array<i32>} : memref<400x128xf32, #tpu.memory_space<vmem>>, vector<16xf32>,
        %le3A_180 = arith.cmpf ole, %get3A_176, %bitcast_convert_type3A_97 : vector<16xf32>
        %broadcast_in_dim3A_181 = vector.broadcast %scan3A : i32 to vector<16xi32>
        %broadcast_in_dim3A_182 = vector.broadcast %scan3A_4 : i32 to vector<16xi32>
        %select_n3A_183 = arith.select %le3A_180, %broadcast_in_dim3A_181, %broadcast_in_dim3A_182 : vector<16xi1>, vector<16xi32>
        %broadcast_in_dim3A_184 = arith.constant true
        %broadcast_in_dim3A_185 = vector.broadcast %broadcast_in_dim3A_184 : i1 to vector<16xi1>
        %masked_cumsum3A_186 = tpu.scan <sum>, %select_n3A_183 masked %broadcast_in_dim3A_185 : vector<16xi32>, vector<16xi1> -> vector<16xi32>
        %add3A_187 = arith.addi %add3A_173, %masked_cumsum3A_186 : vector<16xi32>
        %sub3A_188 = arith.constant 1 : i32
        %sub3A_189 = vector.broadcast %sub3A_188 : i32 to vector<16xi32>
        %sub3A_190 = arith.subi %add3A_187, %sub3A_189 : vector<16xi32>
        %lt3A_191 = arith.cmpi slt, %sub3A_190, %broadcast_in_dim3A_126 : vector<16xi32>
        %and3A_192 = arith.andi %le3A_180, %lt3A_191 : vector<16xi1>
        %jit3A_193 = arith.constant 0 : i32
        %jit3A_194 = arith.constant 255 : i32
        %max3A_195 = vector.broadcast %jit3A_193 : i32 to vector<16xi32>
        %max3A_196 = arith.maxsi %max3A_195, %sub3A_190 : vector<16xi32>
        %min3A_197 = vector.broadcast %jit3A_194 : i32 to vector<16xi32>
        %min3A_198 = arith.minsi %min3A_197, %max3A_196 : vector<16xi32>
        tpu.vector_store_idx %arg16[%min3A_198], %get3A_176 masked %and3A_192 : memref<256xf32, #tpu.memory_space<vmem>>[vector<16xi32>], vector<16xf32>, vector<16xi1>
        tpu.vector_store_idx %arg17[%min3A_198], %get3A_179 masked %and3A_192 : memref<256xf32, #tpu.memory_space<vmem>>[vector<16xi32>], vector<16xf32>, vector<16xi1>
        %all_reduce_population_count3A_199 = tpu.all_reduce %le3A_180 {dim = 0 : i64, kind = #tpu.reduction_kind<sum>} : vector<16xi1> -> vector<16xi32>
        %add3A_200 = arith.addi %add3A_173, %all_reduce_population_count3A_199 : vector<16xi32>
        %get3A_201 = arith.index_cast %while3A_150 : i32 to index
        %get3A_202 = arith.constant 32 : index
        %get3A_203 = tpu.vector_load %arg10[%get3A_201, %get3A_202] {strides = array<i32>} : memref<400x128xf32, #tpu.memory_space<vmem>>, vector<16xf32>,
        %get3A_204 = arith.index_cast %while3A_150 : i32 to index
        %get3A_205 = arith.constant 32 : index
        %get3A_206 = tpu.vector_load %arg11[%get3A_204, %get3A_205] {strides = array<i32>} : memref<400x128xf32, #tpu.memory_space<vmem>>, vector<16xf32>,
        %le3A_207 = arith.cmpf ole, %get3A_203, %bitcast_convert_type3A_97 : vector<16xf32>
        %broadcast_in_dim3A_208 = vector.broadcast %scan3A : i32 to vector<16xi32>
        %broadcast_in_dim3A_209 = vector.broadcast %scan3A_4 : i32 to vector<16xi32>
        %select_n3A_210 = arith.select %le3A_207, %broadcast_in_dim3A_208, %broadcast_in_dim3A_209 : vector<16xi1>, vector<16xi32>
        %broadcast_in_dim3A_211 = arith.constant true
        %broadcast_in_dim3A_212 = vector.broadcast %broadcast_in_dim3A_211 : i1 to vector<16xi1>
        %masked_cumsum3A_213 = tpu.scan <sum>, %select_n3A_210 masked %broadcast_in_dim3A_212 : vector<16xi32>, vector<16xi1> -> vector<16xi32>
        %add3A_214 = arith.addi %add3A_200, %masked_cumsum3A_213 : vector<16xi32>
        %sub3A_215 = arith.constant 1 : i32
        %sub3A_216 = vector.broadcast %sub3A_215 : i32 to vector<16xi32>
        %sub3A_217 = arith.subi %add3A_214, %sub3A_216 : vector<16xi32>
        %lt3A_218 = arith.cmpi slt, %sub3A_217, %broadcast_in_dim3A_126 : vector<16xi32>
        %and3A_219 = arith.andi %le3A_207, %lt3A_218 : vector<16xi1>
        %jit3A_220 = arith.constant 0 : i32
        %jit3A_221 = arith.constant 255 : i32
        %max3A_222 = vector.broadcast %jit3A_220 : i32 to vector<16xi32>
        %max3A_223 = arith.maxsi %max3A_222, %sub3A_217 : vector<16xi32>
        %min3A_224 = vector.broadcast %jit3A_221 : i32 to vector<16xi32>
        %min3A_225 = arith.minsi %min3A_224, %max3A_223 : vector<16xi32>
        tpu.vector_store_idx %arg16[%min3A_225], %get3A_203 masked %and3A_219 : memref<256xf32, #tpu.memory_space<vmem>>[vector<16xi32>], vector<16xf32>, vector<16xi1>
        tpu.vector_store_idx %arg17[%min3A_225], %get3A_206 masked %and3A_219 : memref<256xf32, #tpu.memory_space<vmem>>[vector<16xi32>], vector<16xf32>, vector<16xi1>
        %all_reduce_population_count3A_226 = tpu.all_reduce %le3A_207 {dim = 0 : i64, kind = #tpu.reduction_kind<sum>} : vector<16xi1> -> vector<16xi32>
        %add3A_227 = arith.addi %add3A_200, %all_reduce_population_count3A_226 : vector<16xi32>
        %get3A_228 = arith.index_cast %while3A_150 : i32 to index
        %get3A_229 = arith.constant 48 : index
        %get3A_230 = tpu.vector_load %arg10[%get3A_228, %get3A_229] {strides = array<i32>} : memref<400x128xf32, #tpu.memory_space<vmem>>, vector<16xf32>,
        %get3A_231 = arith.index_cast %while3A_150 : i32 to index
        %get3A_232 = arith.constant 48 : index
        %get3A_233 = tpu.vector_load %arg11[%get3A_231, %get3A_232] {strides = array<i32>} : memref<400x128xf32, #tpu.memory_space<vmem>>, vector<16xf32>,
        %le3A_234 = arith.cmpf ole, %get3A_230, %bitcast_convert_type3A_97 : vector<16xf32>
        %broadcast_in_dim3A_235 = vector.broadcast %scan3A : i32 to vector<16xi32>
        %broadcast_in_dim3A_236 = vector.broadcast %scan3A_4 : i32 to vector<16xi32>
        %select_n3A_237 = arith.select %le3A_234, %broadcast_in_dim3A_235, %broadcast_in_dim3A_236 : vector<16xi1>, vector<16xi32>
        %broadcast_in_dim3A_238 = arith.constant true
        %broadcast_in_dim3A_239 = vector.broadcast %broadcast_in_dim3A_238 : i1 to vector<16xi1>
        %masked_cumsum3A_240 = tpu.scan <sum>, %select_n3A_237 masked %broadcast_in_dim3A_239 : vector<16xi32>, vector<16xi1> -> vector<16xi32>
        %add3A_241 = arith.addi %add3A_227, %masked_cumsum3A_240 : vector<16xi32>
        %sub3A_242 = arith.constant 1 : i32
        %sub3A_243 = vector.broadcast %sub3A_242 : i32 to vector<16xi32>
        %sub3A_244 = arith.subi %add3A_241, %sub3A_243 : vector<16xi32>
        %lt3A_245 = arith.cmpi slt, %sub3A_244, %broadcast_in_dim3A_126 : vector<16xi32>
        %and3A_246 = arith.andi %le3A_234, %lt3A_245 : vector<16xi1>
        %jit3A_247 = arith.constant 0 : i32
        %jit3A_248 = arith.constant 255 : i32
        %max3A_249 = vector.broadcast %jit3A_247 : i32 to vector<16xi32>
        %max3A_250 = arith.maxsi %max3A_249, %sub3A_244 : vector<16xi32>
        %min3A_251 = vector.broadcast %jit3A_248 : i32 to vector<16xi32>
        %min3A_252 = arith.minsi %min3A_251, %max3A_250 : vector<16xi32>
        tpu.vector_store_idx %arg16[%min3A_252], %get3A_230 masked %and3A_246 : memref<256xf32, #tpu.memory_space<vmem>>[vector<16xi32>], vector<16xf32>, vector<16xi1>
        tpu.vector_store_idx %arg17[%min3A_252], %get3A_233 masked %and3A_246 : memref<256xf32, #tpu.memory_space<vmem>>[vector<16xi32>], vector<16xf32>, vector<16xi1>
        %all_reduce_population_count3A_253 = tpu.all_reduce %le3A_234 {dim = 0 : i64, kind = #tpu.reduction_kind<sum>} : vector<16xi1> -> vector<16xi32>
        %add3A_254 = arith.addi %add3A_227, %all_reduce_population_count3A_253 : vector<16xi32>
        %get3A_255 = arith.index_cast %while3A_150 : i32 to index
        %get3A_256 = arith.constant 64 : index
        %get3A_257 = tpu.vector_load %arg10[%get3A_255, %get3A_256] {strides = array<i32>} : memref<400x128xf32, #tpu.memory_space<vmem>>, vector<16xf32>,
        %get3A_258 = arith.index_cast %while3A_150 : i32 to index
        %get3A_259 = arith.constant 64 : index
        %get3A_260 = tpu.vector_load %arg11[%get3A_258, %get3A_259] {strides = array<i32>} : memref<400x128xf32, #tpu.memory_space<vmem>>, vector<16xf32>,
        %le3A_261 = arith.cmpf ole, %get3A_257, %bitcast_convert_type3A_97 : vector<16xf32>
        %broadcast_in_dim3A_262 = vector.broadcast %scan3A : i32 to vector<16xi32>
        %broadcast_in_dim3A_263 = vector.broadcast %scan3A_4 : i32 to vector<16xi32>
        %select_n3A_264 = arith.select %le3A_261, %broadcast_in_dim3A_262, %broadcast_in_dim3A_263 : vector<16xi1>, vector<16xi32>
        %broadcast_in_dim3A_265 = arith.constant true
        %broadcast_in_dim3A_266 = vector.broadcast %broadcast_in_dim3A_265 : i1 to vector<16xi1>
        %masked_cumsum3A_267 = tpu.scan <sum>, %select_n3A_264 masked %broadcast_in_dim3A_266 : vector<16xi32>, vector<16xi1> -> vector<16xi32>
        %add3A_268 = arith.addi %add3A_254, %masked_cumsum3A_267 : vector<16xi32>
        %sub3A_269 = arith.constant 1 : i32
        %sub3A_270 = vector.broadcast %sub3A_269 : i32 to vector<16xi32>
        %sub3A_271 = arith.subi %add3A_268, %sub3A_270 : vector<16xi32>
        %lt3A_272 = arith.cmpi slt, %sub3A_271, %broadcast_in_dim3A_126 : vector<16xi32>
        %and3A_273 = arith.andi %le3A_261, %lt3A_272 : vector<16xi1>
        %jit3A_274 = arith.constant 0 : i32
        %jit3A_275 = arith.constant 255 : i32
        %max3A_276 = vector.broadcast %jit3A_274 : i32 to vector<16xi32>
        %max3A_277 = arith.maxsi %max3A_276, %sub3A_271 : vector<16xi32>
        %min3A_278 = vector.broadcast %jit3A_275 : i32 to vector<16xi32>
        %min3A_279 = arith.minsi %min3A_278, %max3A_277 : vector<16xi32>
        tpu.vector_store_idx %arg16[%min3A_279], %get3A_257 masked %and3A_273 : memref<256xf32, #tpu.memory_space<vmem>>[vector<16xi32>], vector<16xf32>, vector<16xi1>
        tpu.vector_store_idx %arg17[%min3A_279], %get3A_260 masked %and3A_273 : memref<256xf32, #tpu.memory_space<vmem>>[vector<16xi32>], vector<16xf32>, vector<16xi1>
        %all_reduce_population_count3A_280 = tpu.all_reduce %le3A_261 {dim = 0 : i64, kind = #tpu.reduction_kind<sum>} : vector<16xi1> -> vector<16xi32>
        %add3A_281 = arith.addi %add3A_254, %all_reduce_population_count3A_280 : vector<16xi32>
        %get3A_282 = arith.index_cast %while3A_150 : i32 to index
        %get3A_283 = arith.constant 80 : index
        %get3A_284 = tpu.vector_load %arg10[%get3A_282, %get3A_283] {strides = array<i32>} : memref<400x128xf32, #tpu.memory_space<vmem>>, vector<16xf32>,
        %get3A_285 = arith.index_cast %while3A_150 : i32 to index
        %get3A_286 = arith.constant 80 : index
        %get3A_287 = tpu.vector_load %arg11[%get3A_285, %get3A_286] {strides = array<i32>} : memref<400x128xf32, #tpu.memory_space<vmem>>, vector<16xf32>,
        %le3A_288 = arith.cmpf ole, %get3A_284, %bitcast_convert_type3A_97 : vector<16xf32>
        %broadcast_in_dim3A_289 = vector.broadcast %scan3A : i32 to vector<16xi32>
        %broadcast_in_dim3A_290 = vector.broadcast %scan3A_4 : i32 to vector<16xi32>
        %select_n3A_291 = arith.select %le3A_288, %broadcast_in_dim3A_289, %broadcast_in_dim3A_290 : vector<16xi1>, vector<16xi32>
        %broadcast_in_dim3A_292 = arith.constant true
        %broadcast_in_dim3A_293 = vector.broadcast %broadcast_in_dim3A_292 : i1 to vector<16xi1>
        %masked_cumsum3A_294 = tpu.scan <sum>, %select_n3A_291 masked %broadcast_in_dim3A_293 : vector<16xi32>, vector<16xi1> -> vector<16xi32>
        %add3A_295 = arith.addi %add3A_281, %masked_cumsum3A_294 : vector<16xi32>
        %sub3A_296 = arith.constant 1 : i32
        %sub3A_297 = vector.broadcast %sub3A_296 : i32 to vector<16xi32>
        %sub3A_298 = arith.subi %add3A_295, %sub3A_297 : vector<16xi32>
        %lt3A_299 = arith.cmpi slt, %sub3A_298, %broadcast_in_dim3A_126 : vector<16xi32>
        %and3A_300 = arith.andi %le3A_288, %lt3A_299 : vector<16xi1>
        %jit3A_301 = arith.constant 0 : i32
        %jit3A_302 = arith.constant 255 : i32
        %max3A_303 = vector.broadcast %jit3A_301 : i32 to vector<16xi32>
        %max3A_304 = arith.maxsi %max3A_303, %sub3A_298 : vector<16xi32>
        %min3A_305 = vector.broadcast %jit3A_302 : i32 to vector<16xi32>
        %min3A_306 = arith.minsi %min3A_305, %max3A_304 : vector<16xi32>
        tpu.vector_store_idx %arg16[%min3A_306], %get3A_284 masked %and3A_300 : memref<256xf32, #tpu.memory_space<vmem>>[vector<16xi32>], vector<16xf32>, vector<16xi1>
        tpu.vector_store_idx %arg17[%min3A_306], %get3A_287 masked %and3A_300 : memref<256xf32, #tpu.memory_space<vmem>>[vector<16xi32>], vector<16xf32>, vector<16xi1>
        %all_reduce_population_count3A_307 = tpu.all_reduce %le3A_288 {dim = 0 : i64, kind = #tpu.reduction_kind<sum>} : vector<16xi1> -> vector<16xi32>
        %add3A_308 = arith.addi %add3A_281, %all_reduce_population_count3A_307 : vector<16xi32>
        %get3A_309 = arith.index_cast %while3A_150 : i32 to index
        %get3A_310 = arith.constant 96 : index
        %get3A_311 = tpu.vector_load %arg10[%get3A_309, %get3A_310] {strides = array<i32>} : memref<400x128xf32, #tpu.memory_space<vmem>>, vector<16xf32>,
        %get3A_312 = arith.index_cast %while3A_150 : i32 to index
        %get3A_313 = arith.constant 96 : index
        %get3A_314 = tpu.vector_load %arg11[%get3A_312, %get3A_313] {strides = array<i32>} : memref<400x128xf32, #tpu.memory_space<vmem>>, vector<16xf32>,
        %le3A_315 = arith.cmpf ole, %get3A_311, %bitcast_convert_type3A_97 : vector<16xf32>
        %broadcast_in_dim3A_316 = vector.broadcast %scan3A : i32 to vector<16xi32>
        %broadcast_in_dim3A_317 = vector.broadcast %scan3A_4 : i32 to vector<16xi32>
        %select_n3A_318 = arith.select %le3A_315, %broadcast_in_dim3A_316, %broadcast_in_dim3A_317 : vector<16xi1>, vector<16xi32>
        %broadcast_in_dim3A_319 = arith.constant true
        %broadcast_in_dim3A_320 = vector.broadcast %broadcast_in_dim3A_319 : i1 to vector<16xi1>
        %masked_cumsum3A_321 = tpu.scan <sum>, %select_n3A_318 masked %broadcast_in_dim3A_320 : vector<16xi32>, vector<16xi1> -> vector<16xi32>
        %add3A_322 = arith.addi %add3A_308, %masked_cumsum3A_321 : vector<16xi32>
        %sub3A_323 = arith.constant 1 : i32
        %sub3A_324 = vector.broadcast %sub3A_323 : i32 to vector<16xi32>
        %sub3A_325 = arith.subi %add3A_322, %sub3A_324 : vector<16xi32>
        %lt3A_326 = arith.cmpi slt, %sub3A_325, %broadcast_in_dim3A_126 : vector<16xi32>
        %and3A_327 = arith.andi %le3A_315, %lt3A_326 : vector<16xi1>
        %jit3A_328 = arith.constant 0 : i32
        %jit3A_329 = arith.constant 255 : i32
        %max3A_330 = vector.broadcast %jit3A_328 : i32 to vector<16xi32>
        %max3A_331 = arith.maxsi %max3A_330, %sub3A_325 : vector<16xi32>
        %min3A_332 = vector.broadcast %jit3A_329 : i32 to vector<16xi32>
        %min3A_333 = arith.minsi %min3A_332, %max3A_331 : vector<16xi32>
        tpu.vector_store_idx %arg16[%min3A_333], %get3A_311 masked %and3A_327 : memref<256xf32, #tpu.memory_space<vmem>>[vector<16xi32>], vector<16xf32>, vector<16xi1>
        tpu.vector_store_idx %arg17[%min3A_333], %get3A_314 masked %and3A_327 : memref<256xf32, #tpu.memory_space<vmem>>[vector<16xi32>], vector<16xf32>, vector<16xi1>
        %all_reduce_population_count3A_334 = tpu.all_reduce %le3A_315 {dim = 0 : i64, kind = #tpu.reduction_kind<sum>} : vector<16xi1> -> vector<16xi32>
        %add3A_335 = arith.addi %add3A_308, %all_reduce_population_count3A_334 : vector<16xi32>
        %get3A_336 = arith.index_cast %while3A_150 : i32 to index
        %get3A_337 = arith.constant 112 : index
        %get3A_338 = tpu.vector_load %arg10[%get3A_336, %get3A_337] {strides = array<i32>} : memref<400x128xf32, #tpu.memory_space<vmem>>, vector<16xf32>,
        %get3A_339 = arith.index_cast %while3A_150 : i32 to index
        %get3A_340 = arith.constant 112 : index
        %get3A_341 = tpu.vector_load %arg11[%get3A_339, %get3A_340] {strides = array<i32>} : memref<400x128xf32, #tpu.memory_space<vmem>>, vector<16xf32>,
        %le3A_342 = arith.cmpf ole, %get3A_338, %bitcast_convert_type3A_97 : vector<16xf32>
        %broadcast_in_dim3A_343 = vector.broadcast %scan3A : i32 to vector<16xi32>
        %broadcast_in_dim3A_344 = vector.broadcast %scan3A_4 : i32 to vector<16xi32>
        %select_n3A_345 = arith.select %le3A_342, %broadcast_in_dim3A_343, %broadcast_in_dim3A_344 : vector<16xi1>, vector<16xi32>
        %broadcast_in_dim3A_346 = arith.constant true
        %broadcast_in_dim3A_347 = vector.broadcast %broadcast_in_dim3A_346 : i1 to vector<16xi1>
        %masked_cumsum3A_348 = tpu.scan <sum>, %select_n3A_345 masked %broadcast_in_dim3A_347 : vector<16xi32>, vector<16xi1> -> vector<16xi32>
        %add3A_349 = arith.addi %add3A_335, %masked_cumsum3A_348 : vector<16xi32>
        %sub3A_350 = arith.constant 1 : i32
        %sub3A_351 = vector.broadcast %sub3A_350 : i32 to vector<16xi32>
        %sub3A_352 = arith.subi %add3A_349, %sub3A_351 : vector<16xi32>
        %lt3A_353 = arith.cmpi slt, %sub3A_352, %broadcast_in_dim3A_126 : vector<16xi32>
        %and3A_354 = arith.andi %le3A_342, %lt3A_353 : vector<16xi1>
        %jit3A_355 = arith.constant 0 : i32
        %jit3A_356 = arith.constant 255 : i32
        %max3A_357 = vector.broadcast %jit3A_355 : i32 to vector<16xi32>
        %max3A_358 = arith.maxsi %max3A_357, %sub3A_352 : vector<16xi32>
        %min3A_359 = vector.broadcast %jit3A_356 : i32 to vector<16xi32>
        %min3A_360 = arith.minsi %min3A_359, %max3A_358 : vector<16xi32>
        tpu.vector_store_idx %arg16[%min3A_360], %get3A_338 masked %and3A_354 : memref<256xf32, #tpu.memory_space<vmem>>[vector<16xi32>], vector<16xf32>, vector<16xi1>
        tpu.vector_store_idx %arg17[%min3A_360], %get3A_341 masked %and3A_354 : memref<256xf32, #tpu.memory_space<vmem>>[vector<16xi32>], vector<16xf32>, vector<16xi1>
        %all_reduce_population_count3A_361 = tpu.all_reduce %le3A_342 {dim = 0 : i64, kind = #tpu.reduction_kind<sum>} : vector<16xi1> -> vector<16xi32>
        %add3A_362 = arith.addi %add3A_335, %all_reduce_population_count3A_361 : vector<16xi32>
        scf.yield %add3A_362 : vector<16xi32>
      }
      %slice3A_138 = vector.extract_strided_slice %while3A_137 {offsets = [0], sizes = [1], strides = [1]} : vector<16xi32> to vector<1xi32>
      %squeeze3A_139 = vector.extract %slice3A_138[0] : i32 from vector<1xi32>
      %le3A = arith.constant 256 : i32
      %le3A_140 = arith.cmpi sle, %squeeze3A_139, %le3A : i32
      %convert_element_type3A = arith.extui %le3A_140 : i1 to i32
      %cond3A = arith.constant 0 : i32
      %cond3A_141 = arith.cmpi ne, %convert_element_type3A, %cond3A : i32
      %cond3A_142:2 = scf.if %cond3A_141 -> (vector<16xf32>, vector<16xf32>) {
        %slice3A_150 = vector.extract_strided_slice %while3A_137 {offsets = [0], sizes = [1], strides = [1]} : vector<16xi32> to vector<1xi32>
        %squeeze3A_151 = vector.extract %slice3A_150[0] : i32 from vector<1xi32>
        %add3A_152 = arith.constant 15 : i32
        %add3A_153 = arith.addi %squeeze3A_151, %add3A_152 : i32
        %div3A_154 = arith.constant 16 : i32
        %div3A_155 = arith.divsi %add3A_153, %div3A_154 : i32
        %scan3A_156 = arith.constant 0 : i32
        %scan3A_157 = arith.constant 31 : i32
        %scan3A_158 = arith.addi %scan3A_156, %scan3A_157 : i32
        %scan3A_159 = arith.constant 1 : i32
        %scan3A_160:2 = scf.for %scan3A_270 = %scan3A_156 to %scan3A_158 step %scan3A_159 iter_args(%scan3A_271 = %bitcast_convert_type3A, %scan3A_272 = %scan3A_95#1) -> (vector<16xi32>, vector<16xi32>)  : i32 {
          %sub3A_273 = arith.subi %scan3A_272, %scan3A_271 : vector<16xi32>
          %shift_right_arithmetic3A = arith.constant 1 : i32
          %shift_right_arithmetic3A_274 = vector.broadcast %shift_right_arithmetic3A : i32 to vector<16xi32>
          %shift_right_arithmetic3A_275 = arith.shrsi %sub3A_273, %shift_right_arithmetic3A_274 : vector<16xi32>
          %add3A_276 = arith.addi %scan3A_271, %shift_right_arithmetic3A_275 : vector<16xi32>
          %bitcast_convert_type3A_277 = tpu.bitcast %add3A_276 : vector<16xi32> -> vector<16xf32>
          %while3A_278 = arith.constant 0 : i32
          %while3A_279 = arith.subi %div3A_155, %while3A_278 : i32
          %while3A_280 = arith.addi %while3A_278, %while3A_279 : i32
          %while3A_281 = arith.constant 1 : i32
          %while3A_282 = arith.divsi %while3A_279, %while3A_281 : i32
          %while3A_283 = arith.muli %while3A_282, %while3A_281 : i32
          %while3A_284 = arith.addi %while3A_278, %while3A_283 : i32
          %while3A_285 = arith.constant 1 : i32
          %while3A_286 = scf.for %while3A_322 = %while3A_278 to %while3A_284 step %while3A_285 iter_args(%while3A_323 = %broadcast_in_dim3A_1) -> (vector<16xi32>)  : i32 {
            %mul3A_324 = arith.constant 16 : i32
            %mul3A_325 = arith.muli %while3A_322, %mul3A_324 : i32
            %get3A_326 = arith.index_cast %mul3A_325 : i32 to index
            %get3A_327 = tpu.vector_load %arg16[%get3A_326] {strides = array<i32>} : memref<256xf32, #tpu.memory_space<vmem>>, vector<16xf32>,
            %le3A_328 = arith.cmpf ole, %get3A_327, %bitcast_convert_type3A_277 : vector<16xf32>
            %mul3A_329 = arith.constant 16 : i32
            %mul3A_330 = arith.muli %while3A_322, %mul3A_329 : i32
            %add3A_331 = vector.broadcast %mul3A_330 : i32 to vector<16xi32>
            %add3A_332 = arith.addi %add3A_331, %iota3A : vector<16xi32>
            %lt3A = arith.cmpi slt, %add3A_332, %while3A_137 : vector<16xi32>
            %and3A = arith.andi %le3A_328, %lt3A : vector<16xi1>
            %broadcast_in_dim3A_333 = vector.broadcast %scan3A : i32 to vector<16xi32>
            %broadcast_in_dim3A_334 = vector.broadcast %scan3A_4 : i32 to vector<16xi32>
            %select_n3A_335 = arith.select %and3A, %broadcast_in_dim3A_333, %broadcast_in_dim3A_334 : vector<16xi1>, vector<16xi32>
            %add3A_336 = arith.addi %while3A_323, %select_n3A_335 : vector<16xi32>
            scf.yield %add3A_336 : vector<16xi32>
          }
          %while3A_287 = arith.constant 1 : i32
          %while3A_288 = scf.for %while3A_322 = %while3A_284 to %while3A_280 step %while3A_287 iter_args(%while3A_323 = %while3A_286) -> (vector<16xi32>)  : i32 {
            %mul3A_324 = arith.constant 16 : i32
            %mul3A_325 = arith.muli %while3A_322, %mul3A_324 : i32
            %get3A_326 = arith.index_cast %mul3A_325 : i32 to index
            %get3A_327 = tpu.vector_load %arg16[%get3A_326] {strides = array<i32>} : memref<256xf32, #tpu.memory_space<vmem>>, vector<16xf32>,
            %le3A_328 = arith.cmpf ole, %get3A_327, %bitcast_convert_type3A_277 : vector<16xf32>
            %mul3A_329 = arith.constant 16 : i32
            %mul3A_330 = arith.muli %while3A_322, %mul3A_329 : i32
            %add3A_331 = vector.broadcast %mul3A_330 : i32 to vector<16xi32>
            %add3A_332 = arith.addi %add3A_331, %iota3A : vector<16xi32>
            %lt3A = arith.cmpi slt, %add3A_332, %while3A_137 : vector<16xi32>
            %and3A = arith.andi %le3A_328, %lt3A : vector<16xi1>
            %broadcast_in_dim3A_333 = vector.broadcast %scan3A : i32 to vector<16xi32>
            %broadcast_in_dim3A_334 = vector.broadcast %scan3A_4 : i32 to vector<16xi32>
            %select_n3A_335 = arith.select %and3A, %broadcast_in_dim3A_333, %broadcast_in_dim3A_334 : vector<16xi1>, vector<16xi32>
            %add3A_336 = arith.addi %while3A_323, %select_n3A_335 : vector<16xi32>
            scf.yield %add3A_336 : vector<16xi32>
          }
          %xor3A_289 = arith.constant 8 : i32
          %xor3A_290 = vector.broadcast %xor3A_289 : i32 to vector<16xi32>
          %xor3A_291 = arith.xori %iota3A, %xor3A_290 : vector<16xi32>
          %broadcast_in_dim3A_292 = vector.shape_cast %xor3A_291 : vector<16xi32> to vector<16x1xi32>
          %gather3A_293 = vector.shape_cast %broadcast_in_dim3A_292 : vector<16x1xi32> to vector<16xi32>
          %gather3A_294 = tpu.dynamic_gather %while3A_288[%gather3A_293] in [0] : vector<16xi32>, vector<16xi32> -> vector<16xi32>
          %add3A_295 = arith.addi %while3A_288, %gather3A_294 : vector<16xi32>
          %xor3A_296 = arith.constant 4 : i32
          %xor3A_297 = vector.broadcast %xor3A_296 : i32 to vector<16xi32>
          %xor3A_298 = arith.xori %iota3A, %xor3A_297 : vector<16xi32>
          %broadcast_in_dim3A_299 = vector.shape_cast %xor3A_298 : vector<16xi32> to vector<16x1xi32>
          %gather3A_300 = vector.shape_cast %broadcast_in_dim3A_299 : vector<16x1xi32> to vector<16xi32>
          %gather3A_301 = tpu.dynamic_gather %add3A_295[%gather3A_300] in [0] : vector<16xi32>, vector<16xi32> -> vector<16xi32>
          %add3A_302 = arith.addi %add3A_295, %gather3A_301 : vector<16xi32>
          %xor3A_303 = arith.constant 2 : i32
          %xor3A_304 = vector.broadcast %xor3A_303 : i32 to vector<16xi32>
          %xor3A_305 = arith.xori %iota3A, %xor3A_304 : vector<16xi32>
          %broadcast_in_dim3A_306 = vector.shape_cast %xor3A_305 : vector<16xi32> to vector<16x1xi32>
          %gather3A_307 = vector.shape_cast %broadcast_in_dim3A_306 : vector<16x1xi32> to vector<16xi32>
          %gather3A_308 = tpu.dynamic_gather %add3A_302[%gather3A_307] in [0] : vector<16xi32>, vector<16xi32> -> vector<16xi32>
          %add3A_309 = arith.addi %add3A_302, %gather3A_308 : vector<16xi32>
          %xor3A_310 = arith.constant 1 : i32
          %xor3A_311 = vector.broadcast %xor3A_310 : i32 to vector<16xi32>
          %xor3A_312 = arith.xori %iota3A, %xor3A_311 : vector<16xi32>
          %broadcast_in_dim3A_313 = vector.shape_cast %xor3A_312 : vector<16xi32> to vector<16x1xi32>
          %gather3A_314 = vector.shape_cast %broadcast_in_dim3A_313 : vector<16x1xi32> to vector<16xi32>
          %gather3A_315 = tpu.dynamic_gather %add3A_309[%gather3A_314] in [0] : vector<16xi32>, vector<16xi32> -> vector<16xi32>
          %add3A_316 = arith.addi %add3A_309, %gather3A_315 : vector<16xi32>
          %ge3A = arith.cmpi sge, %add3A_316, %broadcast_in_dim3A_27 : vector<16xi32>
          %add3A_317 = arith.constant 1 : i32
          %add3A_318 = vector.broadcast %add3A_317 : i32 to vector<16xi32>
          %add3A_319 = arith.addi %add3A_276, %add3A_318 : vector<16xi32>
          %select_n3A_320 = arith.select %ge3A, %scan3A_271, %add3A_319 : vector<16xi1>, vector<16xi32>
          %select_n3A_321 = arith.select %ge3A, %add3A_276, %scan3A_272 : vector<16xi1>, vector<16xi32>
          scf.yield %select_n3A_320, %select_n3A_321 : vector<16xi32>, vector<16xi32>
        }
        %scan3A_161 = arith.constant 31 : i32
        %bitcast_convert_type3A_162 = tpu.bitcast %scan3A_160#1 : vector<16xi32> -> vector<16xf32>
        %bitcast_convert_type3A_163 = tpu.bitcast %scan3A_160#1 : vector<16xi32> -> vector<16xf32>
        %while3A_164 = arith.constant 0 : i32
        %while3A_165 = arith.subi %div3A_155, %while3A_164 : i32
        %while3A_166 = arith.addi %while3A_164, %while3A_165 : i32
        %while3A_167 = arith.constant 1 : i32
        %while3A_168 = arith.divsi %while3A_165, %while3A_167 : i32
        %while3A_169 = arith.muli %while3A_168, %while3A_167 : i32
        %while3A_170 = arith.addi %while3A_164, %while3A_169 : i32
        %while3A_171 = arith.constant 1 : i32
        %while3A_172 = scf.for %while3A_270 = %while3A_164 to %while3A_170 step %while3A_171 iter_args(%while3A_271 = %broadcast_in_dim3A_1) -> (vector<16xi32>)  : i32 {
          %mul3A_272 = arith.constant 16 : i32
          %mul3A_273 = arith.muli %while3A_270, %mul3A_272 : i32
          %get3A_274 = arith.index_cast %mul3A_273 : i32 to index
          %get3A_275 = tpu.vector_load %arg16[%get3A_274] {strides = array<i32>} : memref<256xf32, #tpu.memory_space<vmem>>, vector<16xf32>,
          %lt3A = arith.cmpf olt, %get3A_275, %bitcast_convert_type3A_163 : vector<16xf32>
          %mul3A_276 = arith.constant 16 : i32
          %mul3A_277 = arith.muli %while3A_270, %mul3A_276 : i32
          %add3A_278 = vector.broadcast %mul3A_277 : i32 to vector<16xi32>
          %add3A_279 = arith.addi %add3A_278, %iota3A : vector<16xi32>
          %lt3A_280 = arith.cmpi slt, %add3A_279, %while3A_137 : vector<16xi32>
          %and3A = arith.andi %lt3A, %lt3A_280 : vector<16xi1>
          %broadcast_in_dim3A_281 = vector.broadcast %scan3A : i32 to vector<16xi32>
          %broadcast_in_dim3A_282 = vector.broadcast %scan3A_4 : i32 to vector<16xi32>
          %select_n3A_283 = arith.select %and3A, %broadcast_in_dim3A_281, %broadcast_in_dim3A_282 : vector<16xi1>, vector<16xi32>
          %add3A_284 = arith.addi %while3A_271, %select_n3A_283 : vector<16xi32>
          scf.yield %add3A_284 : vector<16xi32>
        }
        %while3A_173 = arith.constant 1 : i32
        %while3A_174 = scf.for %while3A_270 = %while3A_170 to %while3A_166 step %while3A_173 iter_args(%while3A_271 = %while3A_172) -> (vector<16xi32>)  : i32 {
          %mul3A_272 = arith.constant 16 : i32
          %mul3A_273 = arith.muli %while3A_270, %mul3A_272 : i32
          %get3A_274 = arith.index_cast %mul3A_273 : i32 to index
          %get3A_275 = tpu.vector_load %arg16[%get3A_274] {strides = array<i32>} : memref<256xf32, #tpu.memory_space<vmem>>, vector<16xf32>,
          %lt3A = arith.cmpf olt, %get3A_275, %bitcast_convert_type3A_163 : vector<16xf32>
          %mul3A_276 = arith.constant 16 : i32
          %mul3A_277 = arith.muli %while3A_270, %mul3A_276 : i32
          %add3A_278 = vector.broadcast %mul3A_277 : i32 to vector<16xi32>
          %add3A_279 = arith.addi %add3A_278, %iota3A : vector<16xi32>
          %lt3A_280 = arith.cmpi slt, %add3A_279, %while3A_137 : vector<16xi32>
          %and3A = arith.andi %lt3A, %lt3A_280 : vector<16xi1>
          %broadcast_in_dim3A_281 = vector.broadcast %scan3A : i32 to vector<16xi32>
          %broadcast_in_dim3A_282 = vector.broadcast %scan3A_4 : i32 to vector<16xi32>
          %select_n3A_283 = arith.select %and3A, %broadcast_in_dim3A_281, %broadcast_in_dim3A_282 : vector<16xi1>, vector<16xi32>
          %add3A_284 = arith.addi %while3A_271, %select_n3A_283 : vector<16xi32>
          scf.yield %add3A_284 : vector<16xi32>
        }
        %xor3A_175 = arith.constant 8 : i32
        %xor3A_176 = vector.broadcast %xor3A_175 : i32 to vector<16xi32>
        %xor3A_177 = arith.xori %iota3A, %xor3A_176 : vector<16xi32>
        %broadcast_in_dim3A_178 = vector.shape_cast %xor3A_177 : vector<16xi32> to vector<16x1xi32>
        %gather3A_179 = vector.shape_cast %broadcast_in_dim3A_178 : vector<16x1xi32> to vector<16xi32>
        %gather3A_180 = tpu.dynamic_gather %while3A_174[%gather3A_179] in [0] : vector<16xi32>, vector<16xi32> -> vector<16xi32>
        %add3A_181 = arith.addi %while3A_174, %gather3A_180 : vector<16xi32>
        %xor3A_182 = arith.constant 4 : i32
        %xor3A_183 = vector.broadcast %xor3A_182 : i32 to vector<16xi32>
        %xor3A_184 = arith.xori %iota3A, %xor3A_183 : vector<16xi32>
        %broadcast_in_dim3A_185 = vector.shape_cast %xor3A_184 : vector<16xi32> to vector<16x1xi32>
        %gather3A_186 = vector.shape_cast %broadcast_in_dim3A_185 : vector<16x1xi32> to vector<16xi32>
        %gather3A_187 = tpu.dynamic_gather %add3A_181[%gather3A_186] in [0] : vector<16xi32>, vector<16xi32> -> vector<16xi32>
        %add3A_188 = arith.addi %add3A_181, %gather3A_187 : vector<16xi32>
        %xor3A_189 = arith.constant 2 : i32
        %xor3A_190 = vector.broadcast %xor3A_189 : i32 to vector<16xi32>
        %xor3A_191 = arith.xori %iota3A, %xor3A_190 : vector<16xi32>
        %broadcast_in_dim3A_192 = vector.shape_cast %xor3A_191 : vector<16xi32> to vector<16x1xi32>
        %gather3A_193 = vector.shape_cast %broadcast_in_dim3A_192 : vector<16x1xi32> to vector<16xi32>
        %gather3A_194 = tpu.dynamic_gather %add3A_188[%gather3A_193] in [0] : vector<16xi32>, vector<16xi32> -> vector<16xi32>
        %add3A_195 = arith.addi %add3A_188, %gather3A_194 : vector<16xi32>
        %xor3A_196 = arith.constant 1 : i32
        %xor3A_197 = vector.broadcast %xor3A_196 : i32 to vector<16xi32>
        %xor3A_198 = arith.xori %iota3A, %xor3A_197 : vector<16xi32>
        %broadcast_in_dim3A_199 = vector.shape_cast %xor3A_198 : vector<16xi32> to vector<16x1xi32>
        %gather3A_200 = vector.shape_cast %broadcast_in_dim3A_199 : vector<16x1xi32> to vector<16xi32>
        %gather3A_201 = tpu.dynamic_gather %add3A_195[%gather3A_200] in [0] : vector<16xi32>, vector<16xi32> -> vector<16xi32>
        %add3A_202 = arith.addi %add3A_195, %gather3A_201 : vector<16xi32>
        %sub3A = arith.subi %broadcast_in_dim3A_27, %add3A_202 : vector<16xi32>
        %while3A_203 = arith.constant 0 : i32
        %while3A_204 = arith.subi %div3A_155, %while3A_203 : i32
        %while3A_205 = arith.addi %while3A_203, %while3A_204 : i32
        %while3A_206 = arith.constant 1 : i32
        %while3A_207 = arith.divsi %while3A_204, %while3A_206 : i32
        %while3A_208 = arith.muli %while3A_207, %while3A_206 : i32
        %while3A_209 = arith.addi %while3A_203, %while3A_208 : i32
        %while3A_210 = arith.constant 1 : i32
        %while3A_211:3 = scf.for %while3A_270 = %while3A_203 to %while3A_209 step %while3A_210 iter_args(%while3A_271 = %broadcast_in_dim3A_3, %while3A_272 = %broadcast_in_dim3A_3, %while3A_273 = %broadcast_in_dim3A_1) -> (vector<16xf32>, vector<16xf32>, vector<16xi32>)  : i32 {
          %mul3A_274 = arith.constant 16 : i32
          %mul3A_275 = arith.muli %while3A_270, %mul3A_274 : i32
          %get3A_276 = arith.index_cast %mul3A_275 : i32 to index
          %get3A_277 = tpu.vector_load %arg16[%get3A_276] {strides = array<i32>} : memref<256xf32, #tpu.memory_space<vmem>>, vector<16xf32>,
          %mul3A_278 = arith.constant 16 : i32
          %mul3A_279 = arith.muli %while3A_270, %mul3A_278 : i32
          %get3A_280 = arith.index_cast %mul3A_279 : i32 to index
          %get3A_281 = tpu.vector_load %arg17[%get3A_280] {strides = array<i32>} : memref<256xf32, #tpu.memory_space<vmem>>, vector<16xf32>,
          %mul3A_282 = arith.constant 16 : i32
          %mul3A_283 = arith.muli %while3A_270, %mul3A_282 : i32
          %add3A_284 = vector.broadcast %mul3A_283 : i32 to vector<16xi32>
          %add3A_285 = arith.addi %add3A_284, %iota3A : vector<16xi32>
          %lt3A = arith.cmpi slt, %add3A_285, %while3A_137 : vector<16xi32>
          %eq3A_286 = arith.cmpf oeq, %get3A_277, %bitcast_convert_type3A_162 : vector<16xf32>
          %and3A = arith.andi %eq3A_286, %lt3A : vector<16xi1>
          %broadcast_in_dim3A_287 = vector.broadcast %scan3A : i32 to vector<16xi32>
          %broadcast_in_dim3A_288 = vector.broadcast %scan3A_4 : i32 to vector<16xi32>
          %select_n3A_289 = arith.select %and3A, %broadcast_in_dim3A_287, %broadcast_in_dim3A_288 : vector<16xi1>, vector<16xi32>
          %broadcast_in_dim3A_290 = arith.constant true
          %broadcast_in_dim3A_291 = vector.broadcast %broadcast_in_dim3A_290 : i1 to vector<16xi1>
          %masked_cumsum3A = tpu.scan <sum>, %select_n3A_289 masked %broadcast_in_dim3A_291 : vector<16xi32>, vector<16xi1> -> vector<16xi32>
          %add3A_292 = arith.addi %masked_cumsum3A, %while3A_273 : vector<16xi32>
          %lt3A_293 = arith.cmpf olt, %get3A_277, %bitcast_convert_type3A_162 : vector<16xf32>
          %and3A_294 = arith.andi %lt3A_293, %lt3A : vector<16xi1>
          %le3A_295 = arith.cmpi sle, %add3A_292, %sub3A : vector<16xi32>
          %and3A_296 = arith.andi %and3A, %le3A_295 : vector<16xi1>
          %or3A = arith.ori %and3A_294, %and3A_296 : vector<16xi1>
          %max3A_297 = arith.constant 9.99999996E-13 : f32
          %max3A_298 = vector.broadcast %max3A_297 : f32 to vector<16xf32>
          %max3A_299 = arith.maximumf %get3A_277, %max3A_298 : vector<16xf32>
          %bitcast_convert_type3A_300 = tpu.bitcast %max3A_299 : vector<16xf32> -> vector<16xi32>
          %broadcast_in_dim3A_301 = arith.constant 1597463007 : i32
          %broadcast_in_dim3A_302 = vector.broadcast %broadcast_in_dim3A_301 : i32 to vector<16xi32>
          %shift_right_arithmetic3A = arith.constant 1 : i32
          %shift_right_arithmetic3A_303 = vector.broadcast %shift_right_arithmetic3A : i32 to vector<16xi32>
          %shift_right_arithmetic3A_304 = arith.shrsi %bitcast_convert_type3A_300, %shift_right_arithmetic3A_303 : vector<16xi32>
          %sub3A_305 = arith.subi %broadcast_in_dim3A_302, %shift_right_arithmetic3A_304 : vector<16xi32>
          %bitcast_convert_type3A_306 = tpu.bitcast %sub3A_305 : vector<16xi32> -> vector<16xf32>
          %mul3A_307 = arith.constant 5.000000e-01 : f32
          %mul3A_308 = vector.broadcast %mul3A_307 : f32 to vector<16xf32>
          %mul3A_309 = arith.mulf %mul3A_308, %max3A_299 : vector<16xf32>
          %mul3A_310 = arith.mulf %mul3A_309, %bitcast_convert_type3A_306 : vector<16xf32>
          %mul3A_311 = arith.mulf %mul3A_310, %bitcast_convert_type3A_306 : vector<16xf32>
          %sub3A_312 = arith.constant 1.500000e+00 : f32
          %sub3A_313 = vector.broadcast %sub3A_312 : f32 to vector<16xf32>
          %sub3A_314 = arith.subf %sub3A_313, %mul3A_311 : vector<16xf32>
          %mul3A_315 = arith.mulf %bitcast_convert_type3A_306, %sub3A_314 : vector<16xf32>
          %mul3A_316 = arith.constant 5.000000e-01 : f32
          %mul3A_317 = vector.broadcast %mul3A_316 : f32 to vector<16xf32>
          %mul3A_318 = arith.mulf %mul3A_317, %max3A_299 : vector<16xf32>
          %mul3A_319 = arith.mulf %mul3A_318, %mul3A_315 : vector<16xf32>
          %mul3A_320 = arith.mulf %mul3A_319, %mul3A_315 : vector<16xf32>
          %sub3A_321 = arith.constant 1.500000e+00 : f32
          %sub3A_322 = vector.broadcast %sub3A_321 : f32 to vector<16xf32>
          %sub3A_323 = arith.subf %sub3A_322, %mul3A_320 : vector<16xf32>
          %mul3A_324 = arith.mulf %mul3A_315, %sub3A_323 : vector<16xf32>
          %mul3A_325 = arith.constant 5.000000e-01 : f32
          %mul3A_326 = vector.broadcast %mul3A_325 : f32 to vector<16xf32>
          %mul3A_327 = arith.mulf %mul3A_326, %max3A_299 : vector<16xf32>
          %mul3A_328 = arith.mulf %mul3A_327, %mul3A_324 : vector<16xf32>
          %mul3A_329 = arith.mulf %mul3A_328, %mul3A_324 : vector<16xf32>
          %sub3A_330 = arith.constant 1.500000e+00 : f32
          %sub3A_331 = vector.broadcast %sub3A_330 : f32 to vector<16xf32>
          %sub3A_332 = arith.subf %sub3A_331, %mul3A_329 : vector<16xf32>
          %mul3A_333 = arith.mulf %mul3A_324, %sub3A_332 : vector<16xf32>
          %mul3A_334 = arith.constant 5.000000e-01 : f32
          %mul3A_335 = vector.broadcast %mul3A_334 : f32 to vector<16xf32>
          %mul3A_336 = arith.mulf %mul3A_335, %max3A_299 : vector<16xf32>
          %mul3A_337 = arith.mulf %mul3A_336, %mul3A_333 : vector<16xf32>
          %mul3A_338 = arith.mulf %mul3A_337, %mul3A_333 : vector<16xf32>
          %sub3A_339 = arith.constant 1.500000e+00 : f32
          %sub3A_340 = vector.broadcast %sub3A_339 : f32 to vector<16xf32>
          %sub3A_341 = arith.subf %sub3A_340, %mul3A_338 : vector<16xf32>
          %mul3A_342 = arith.mulf %mul3A_333, %sub3A_341 : vector<16xf32>
          %mul3A_343 = arith.mulf %max3A_299, %mul3A_342 : vector<16xf32>
          %add3A_344 = arith.constant 1.000000e-03 : f32
          %add3A_345 = vector.broadcast %add3A_344 : f32 to vector<16xf32>
          %add3A_346 = arith.addf %mul3A_343, %add3A_345 : vector<16xf32>
          %div3A_347 = arith.constant 1.000000e+00 : f32
          %div3A_348 = vector.broadcast %div3A_347 : f32 to vector<16xf32>
          %div3A_349 = arith.divf %div3A_348, %add3A_346 : vector<16xf32>
          %jit3A_350 = arith.constant 0.000000e+00 : f32
          %broadcast_in_dim3A_351 = vector.broadcast %jit3A_350 : f32 to vector<16xf32>
          %select_n3A_352 = arith.select %or3A, %div3A_349, %broadcast_in_dim3A_351 : vector<16xi1>, vector<16xf32>
          %jit3A_353 = arith.constant 0.000000e+00 : f32
          %broadcast_in_dim3A_354 = vector.broadcast %jit3A_353 : f32 to vector<16xf32>
          %select_n3A_355 = arith.select %or3A, %get3A_281, %broadcast_in_dim3A_354 : vector<16xi1>, vector<16xf32>
          %mul3A_356 = arith.mulf %select_n3A_352, %select_n3A_355 : vector<16xf32>
          %add3A_357 = arith.addf %while3A_271, %mul3A_356 : vector<16xf32>
          %add3A_358 = arith.addf %while3A_272, %select_n3A_352 : vector<16xf32>
          %all_reduce_population_count3A = tpu.all_reduce %and3A {dim = 0 : i64, kind = #tpu.reduction_kind<sum>} : vector<16xi1> -> vector<16xi32>
          %add3A_359 = arith.addi %while3A_273, %all_reduce_population_count3A : vector<16xi32>
          scf.yield %add3A_357, %add3A_358, %add3A_359 : vector<16xf32>, vector<16xf32>, vector<16xi32>
        }
        %while3A_212 = arith.constant 1 : i32
        %while3A_213:3 = scf.for %while3A_270 = %while3A_209 to %while3A_205 step %while3A_212 iter_args(%while3A_271 = %while3A_211#0, %while3A_272 = %while3A_211#1, %while3A_273 = %while3A_211#2) -> (vector<16xf32>, vector<16xf32>, vector<16xi32>)  : i32 {
          %mul3A_274 = arith.constant 16 : i32
          %mul3A_275 = arith.muli %while3A_270, %mul3A_274 : i32
          %get3A_276 = arith.index_cast %mul3A_275 : i32 to index
          %get3A_277 = tpu.vector_load %arg16[%get3A_276] {strides = array<i32>} : memref<256xf32, #tpu.memory_space<vmem>>, vector<16xf32>,
          %mul3A_278 = arith.constant 16 : i32
          %mul3A_279 = arith.muli %while3A_270, %mul3A_278 : i32
          %get3A_280 = arith.index_cast %mul3A_279 : i32 to index
          %get3A_281 = tpu.vector_load %arg17[%get3A_280] {strides = array<i32>} : memref<256xf32, #tpu.memory_space<vmem>>, vector<16xf32>,
          %mul3A_282 = arith.constant 16 : i32
          %mul3A_283 = arith.muli %while3A_270, %mul3A_282 : i32
          %add3A_284 = vector.broadcast %mul3A_283 : i32 to vector<16xi32>
          %add3A_285 = arith.addi %add3A_284, %iota3A : vector<16xi32>
          %lt3A = arith.cmpi slt, %add3A_285, %while3A_137 : vector<16xi32>
          %eq3A_286 = arith.cmpf oeq, %get3A_277, %bitcast_convert_type3A_162 : vector<16xf32>
          %and3A = arith.andi %eq3A_286, %lt3A : vector<16xi1>
          %broadcast_in_dim3A_287 = vector.broadcast %scan3A : i32 to vector<16xi32>
          %broadcast_in_dim3A_288 = vector.broadcast %scan3A_4 : i32 to vector<16xi32>
          %select_n3A_289 = arith.select %and3A, %broadcast_in_dim3A_287, %broadcast_in_dim3A_288 : vector<16xi1>, vector<16xi32>
          %broadcast_in_dim3A_290 = arith.constant true
          %broadcast_in_dim3A_291 = vector.broadcast %broadcast_in_dim3A_290 : i1 to vector<16xi1>
          %masked_cumsum3A = tpu.scan <sum>, %select_n3A_289 masked %broadcast_in_dim3A_291 : vector<16xi32>, vector<16xi1> -> vector<16xi32>
          %add3A_292 = arith.addi %masked_cumsum3A, %while3A_273 : vector<16xi32>
          %lt3A_293 = arith.cmpf olt, %get3A_277, %bitcast_convert_type3A_162 : vector<16xf32>
          %and3A_294 = arith.andi %lt3A_293, %lt3A : vector<16xi1>
          %le3A_295 = arith.cmpi sle, %add3A_292, %sub3A : vector<16xi32>
          %and3A_296 = arith.andi %and3A, %le3A_295 : vector<16xi1>
          %or3A = arith.ori %and3A_294, %and3A_296 : vector<16xi1>
          %max3A_297 = arith.constant 9.99999996E-13 : f32
          %max3A_298 = vector.broadcast %max3A_297 : f32 to vector<16xf32>
          %max3A_299 = arith.maximumf %get3A_277, %max3A_298 : vector<16xf32>
          %bitcast_convert_type3A_300 = tpu.bitcast %max3A_299 : vector<16xf32> -> vector<16xi32>
          %broadcast_in_dim3A_301 = arith.constant 1597463007 : i32
          %broadcast_in_dim3A_302 = vector.broadcast %broadcast_in_dim3A_301 : i32 to vector<16xi32>
          %shift_right_arithmetic3A = arith.constant 1 : i32
          %shift_right_arithmetic3A_303 = vector.broadcast %shift_right_arithmetic3A : i32 to vector<16xi32>
          %shift_right_arithmetic3A_304 = arith.shrsi %bitcast_convert_type3A_300, %shift_right_arithmetic3A_303 : vector<16xi32>
          %sub3A_305 = arith.subi %broadcast_in_dim3A_302, %shift_right_arithmetic3A_304 : vector<16xi32>
          %bitcast_convert_type3A_306 = tpu.bitcast %sub3A_305 : vector<16xi32> -> vector<16xf32>
          %mul3A_307 = arith.constant 5.000000e-01 : f32
          %mul3A_308 = vector.broadcast %mul3A_307 : f32 to vector<16xf32>
          %mul3A_309 = arith.mulf %mul3A_308, %max3A_299 : vector<16xf32>
          %mul3A_310 = arith.mulf %mul3A_309, %bitcast_convert_type3A_306 : vector<16xf32>
          %mul3A_311 = arith.mulf %mul3A_310, %bitcast_convert_type3A_306 : vector<16xf32>
          %sub3A_312 = arith.constant 1.500000e+00 : f32
          %sub3A_313 = vector.broadcast %sub3A_312 : f32 to vector<16xf32>
          %sub3A_314 = arith.subf %sub3A_313, %mul3A_311 : vector<16xf32>
          %mul3A_315 = arith.mulf %bitcast_convert_type3A_306, %sub3A_314 : vector<16xf32>
          %mul3A_316 = arith.constant 5.000000e-01 : f32
          %mul3A_317 = vector.broadcast %mul3A_316 : f32 to vector<16xf32>
          %mul3A_318 = arith.mulf %mul3A_317, %max3A_299 : vector<16xf32>
          %mul3A_319 = arith.mulf %mul3A_318, %mul3A_315 : vector<16xf32>
          %mul3A_320 = arith.mulf %mul3A_319, %mul3A_315 : vector<16xf32>
          %sub3A_321 = arith.constant 1.500000e+00 : f32
          %sub3A_322 = vector.broadcast %sub3A_321 : f32 to vector<16xf32>
          %sub3A_323 = arith.subf %sub3A_322, %mul3A_320 : vector<16xf32>
          %mul3A_324 = arith.mulf %mul3A_315, %sub3A_323 : vector<16xf32>
          %mul3A_325 = arith.constant 5.000000e-01 : f32
          %mul3A_326 = vector.broadcast %mul3A_325 : f32 to vector<16xf32>
          %mul3A_327 = arith.mulf %mul3A_326, %max3A_299 : vector<16xf32>
          %mul3A_328 = arith.mulf %mul3A_327, %mul3A_324 : vector<16xf32>
          %mul3A_329 = arith.mulf %mul3A_328, %mul3A_324 : vector<16xf32>
          %sub3A_330 = arith.constant 1.500000e+00 : f32
          %sub3A_331 = vector.broadcast %sub3A_330 : f32 to vector<16xf32>
          %sub3A_332 = arith.subf %sub3A_331, %mul3A_329 : vector<16xf32>
          %mul3A_333 = arith.mulf %mul3A_324, %sub3A_332 : vector<16xf32>
          %mul3A_334 = arith.constant 5.000000e-01 : f32
          %mul3A_335 = vector.broadcast %mul3A_334 : f32 to vector<16xf32>
          %mul3A_336 = arith.mulf %mul3A_335, %max3A_299 : vector<16xf32>
          %mul3A_337 = arith.mulf %mul3A_336, %mul3A_333 : vector<16xf32>
          %mul3A_338 = arith.mulf %mul3A_337, %mul3A_333 : vector<16xf32>
          %sub3A_339 = arith.constant 1.500000e+00 : f32
          %sub3A_340 = vector.broadcast %sub3A_339 : f32 to vector<16xf32>
          %sub3A_341 = arith.subf %sub3A_340, %mul3A_338 : vector<16xf32>
          %mul3A_342 = arith.mulf %mul3A_333, %sub3A_341 : vector<16xf32>
          %mul3A_343 = arith.mulf %max3A_299, %mul3A_342 : vector<16xf32>
          %add3A_344 = arith.constant 1.000000e-03 : f32
          %add3A_345 = vector.broadcast %add3A_344 : f32 to vector<16xf32>
          %add3A_346 = arith.addf %mul3A_343, %add3A_345 : vector<16xf32>
          %div3A_347 = arith.constant 1.000000e+00 : f32
          %div3A_348 = vector.broadcast %div3A_347 : f32 to vector<16xf32>
          %div3A_349 = arith.divf %div3A_348, %add3A_346 : vector<16xf32>
          %jit3A_350 = arith.constant 0.000000e+00 : f32
          %broadcast_in_dim3A_351 = vector.broadcast %jit3A_350 : f32 to vector<16xf32>
          %select_n3A_352 = arith.select %or3A, %div3A_349, %broadcast_in_dim3A_351 : vector<16xi1>, vector<16xf32>
          %jit3A_353 = arith.constant 0.000000e+00 : f32
          %broadcast_in_dim3A_354 = vector.broadcast %jit3A_353 : f32 to vector<16xf32>
          %select_n3A_355 = arith.select %or3A, %get3A_281, %broadcast_in_dim3A_354 : vector<16xi1>, vector<16xf32>
          %mul3A_356 = arith.mulf %select_n3A_352, %select_n3A_355 : vector<16xf32>
          %add3A_357 = arith.addf %while3A_271, %mul3A_356 : vector<16xf32>
          %add3A_358 = arith.addf %while3A_272, %select_n3A_352 : vector<16xf32>
          %all_reduce_population_count3A = tpu.all_reduce %and3A {dim = 0 : i64, kind = #tpu.reduction_kind<sum>} : vector<16xi1> -> vector<16xi32>
          %add3A_359 = arith.addi %while3A_273, %all_reduce_population_count3A : vector<16xi32>
          scf.yield %add3A_357, %add3A_358, %add3A_359 : vector<16xf32>, vector<16xf32>, vector<16xi32>
        }
        %xor3A_214 = arith.constant 8 : i32
        %xor3A_215 = vector.broadcast %xor3A_214 : i32 to vector<16xi32>
        %xor3A_216 = arith.xori %iota3A, %xor3A_215 : vector<16xi32>
        %broadcast_in_dim3A_217 = vector.shape_cast %xor3A_216 : vector<16xi32> to vector<16x1xi32>
        %gather3A_218 = vector.shape_cast %broadcast_in_dim3A_217 : vector<16x1xi32> to vector<16xi32>
        %gather3A_219 = tpu.dynamic_gather %while3A_213#0[%gather3A_218] in [0] : vector<16xf32>, vector<16xi32> -> vector<16xf32>
        %add3A_220 = arith.addf %while3A_213#0, %gather3A_219 : vector<16xf32>
        %xor3A_221 = arith.constant 4 : i32
        %xor3A_222 = vector.broadcast %xor3A_221 : i32 to vector<16xi32>
        %xor3A_223 = arith.xori %iota3A, %xor3A_222 : vector<16xi32>
        %broadcast_in_dim3A_224 = vector.shape_cast %xor3A_223 : vector<16xi32> to vector<16x1xi32>
        %gather3A_225 = vector.shape_cast %broadcast_in_dim3A_224 : vector<16x1xi32> to vector<16xi32>
        %gather3A_226 = tpu.dynamic_gather %add3A_220[%gather3A_225] in [0] : vector<16xf32>, vector<16xi32> -> vector<16xf32>
        %add3A_227 = arith.addf %add3A_220, %gather3A_226 : vector<16xf32>
        %xor3A_228 = arith.constant 2 : i32
        %xor3A_229 = vector.broadcast %xor3A_228 : i32 to vector<16xi32>
        %xor3A_230 = arith.xori %iota3A, %xor3A_229 : vector<16xi32>
        %broadcast_in_dim3A_231 = vector.shape_cast %xor3A_230 : vector<16xi32> to vector<16x1xi32>
        %gather3A_232 = vector.shape_cast %broadcast_in_dim3A_231 : vector<16x1xi32> to vector<16xi32>
        %gather3A_233 = tpu.dynamic_gather %add3A_227[%gather3A_232] in [0] : vector<16xf32>, vector<16xi32> -> vector<16xf32>
        %add3A_234 = arith.addf %add3A_227, %gather3A_233 : vector<16xf32>
        %xor3A_235 = arith.constant 1 : i32
        %xor3A_236 = vector.broadcast %xor3A_235 : i32 to vector<16xi32>
        %xor3A_237 = arith.xori %iota3A, %xor3A_236 : vector<16xi32>
        %broadcast_in_dim3A_238 = vector.shape_cast %xor3A_237 : vector<16xi32> to vector<16x1xi32>
        %gather3A_239 = vector.shape_cast %broadcast_in_dim3A_238 : vector<16x1xi32> to vector<16xi32>
        %gather3A_240 = tpu.dynamic_gather %add3A_234[%gather3A_239] in [0] : vector<16xf32>, vector<16xi32> -> vector<16xf32>
        %add3A_241 = arith.addf %add3A_234, %gather3A_240 : vector<16xf32>
        %xor3A_242 = arith.constant 8 : i32
        %xor3A_243 = vector.broadcast %xor3A_242 : i32 to vector<16xi32>
        %xor3A_244 = arith.xori %iota3A, %xor3A_243 : vector<16xi32>
        %broadcast_in_dim3A_245 = vector.shape_cast %xor3A_244 : vector<16xi32> to vector<16x1xi32>
        %gather3A_246 = vector.shape_cast %broadcast_in_dim3A_245 : vector<16x1xi32> to vector<16xi32>
        %gather3A_247 = tpu.dynamic_gather %while3A_213#1[%gather3A_246] in [0] : vector<16xf32>, vector<16xi32> -> vector<16xf32>
        %add3A_248 = arith.addf %while3A_213#1, %gather3A_247 : vector<16xf32>
        %xor3A_249 = arith.constant 4 : i32
        %xor3A_250 = vector.broadcast %xor3A_249 : i32 to vector<16xi32>
        %xor3A_251 = arith.xori %iota3A, %xor3A_250 : vector<16xi32>
        %broadcast_in_dim3A_252 = vector.shape_cast %xor3A_251 : vector<16xi32> to vector<16x1xi32>
        %gather3A_253 = vector.shape_cast %broadcast_in_dim3A_252 : vector<16x1xi32> to vector<16xi32>
        %gather3A_254 = tpu.dynamic_gather %add3A_248[%gather3A_253] in [0] : vector<16xf32>, vector<16xi32> -> vector<16xf32>
        %add3A_255 = arith.addf %add3A_248, %gather3A_254 : vector<16xf32>
        %xor3A_256 = arith.constant 2 : i32
        %xor3A_257 = vector.broadcast %xor3A_256 : i32 to vector<16xi32>
        %xor3A_258 = arith.xori %iota3A, %xor3A_257 : vector<16xi32>
        %broadcast_in_dim3A_259 = vector.shape_cast %xor3A_258 : vector<16xi32> to vector<16x1xi32>
        %gather3A_260 = vector.shape_cast %broadcast_in_dim3A_259 : vector<16x1xi32> to vector<16xi32>
        %gather3A_261 = tpu.dynamic_gather %add3A_255[%gather3A_260] in [0] : vector<16xf32>, vector<16xi32> -> vector<16xf32>
        %add3A_262 = arith.addf %add3A_255, %gather3A_261 : vector<16xf32>
        %xor3A_263 = arith.constant 1 : i32
        %xor3A_264 = vector.broadcast %xor3A_263 : i32 to vector<16xi32>
        %xor3A_265 = arith.xori %iota3A, %xor3A_264 : vector<16xi32>
        %broadcast_in_dim3A_266 = vector.shape_cast %xor3A_265 : vector<16xi32> to vector<16x1xi32>
        %gather3A_267 = vector.shape_cast %broadcast_in_dim3A_266 : vector<16x1xi32> to vector<16xi32>
        %gather3A_268 = tpu.dynamic_gather %add3A_262[%gather3A_267] in [0] : vector<16xf32>, vector<16xi32> -> vector<16xf32>
        %add3A_269 = arith.addf %add3A_262, %gather3A_268 : vector<16xf32>
        scf.yield %add3A_241, %add3A_269 : vector<16xf32>, vector<16xf32>
      } else {
        %mul3A_150 = arith.constant 128 : i32
        %mul3A_151 = vector.broadcast %mul3A_150 : i32 to vector<16xi32>
        %mul3A_152 = arith.muli %scan3A_110, %mul3A_151 : vector<16xi32>
        %mul3A_153 = arith.constant 8 : i32
        %mul3A_154 = arith.muli %squeeze3A, %mul3A_153 : i32
        %scan3A_155 = arith.constant 0 : i32
        %scan3A_156 = arith.constant 31 : i32
        %scan3A_157 = arith.addi %scan3A_155, %scan3A_156 : i32
        %scan3A_158 = arith.constant 1 : i32
        %scan3A_159:2 = scf.for %scan3A_269 = %scan3A_155 to %scan3A_157 step %scan3A_158 iter_args(%scan3A_270 = %bitcast_convert_type3A, %scan3A_271 = %scan3A_95#1) -> (vector<16xi32>, vector<16xi32>)  : i32 {
          %sub3A_272 = arith.subi %scan3A_271, %scan3A_270 : vector<16xi32>
          %shift_right_arithmetic3A = arith.constant 1 : i32
          %shift_right_arithmetic3A_273 = vector.broadcast %shift_right_arithmetic3A : i32 to vector<16xi32>
          %shift_right_arithmetic3A_274 = arith.shrsi %sub3A_272, %shift_right_arithmetic3A_273 : vector<16xi32>
          %add3A_275 = arith.addi %scan3A_270, %shift_right_arithmetic3A_274 : vector<16xi32>
          %bitcast_convert_type3A_276 = tpu.bitcast %add3A_275 : vector<16xi32> -> vector<16xf32>
          %while3A_277 = arith.constant 0 : i32
          %while3A_278 = arith.subi %mul3A_154, %while3A_277 : i32
          %while3A_279 = arith.addi %while3A_277, %while3A_278 : i32
          %while3A_280 = arith.constant 1 : i32
          %while3A_281 = arith.divsi %while3A_278, %while3A_280 : i32
          %while3A_282 = arith.muli %while3A_281, %while3A_280 : i32
          %while3A_283 = arith.addi %while3A_277, %while3A_282 : i32
          %while3A_284 = arith.constant 1 : i32
          %while3A_285 = scf.for %while3A_321 = %while3A_277 to %while3A_283 step %while3A_284 iter_args(%while3A_322 = %broadcast_in_dim3A_1) -> (vector<16xi32>)  : i32 {
            %shift_right_arithmetic3A_323 = arith.constant 3 : i32
            %shift_right_arithmetic3A_324 = arith.shrsi %while3A_321, %shift_right_arithmetic3A_323 : i32
            %and3A = arith.constant 7 : i32
            %and3A_325 = arith.andi %while3A_321, %and3A : i32
            %mul3A_326 = arith.constant 16 : i32
            %mul3A_327 = arith.muli %and3A_325, %mul3A_326 : i32
            %get3A_328 = arith.index_cast %shift_right_arithmetic3A_324 : i32 to index
            %get3A_329 = arith.index_cast %mul3A_327 : i32 to index
            %get3A_330 = tpu.vector_load %arg10[%get3A_328, %get3A_329] {strides = array<i32>} : memref<400x128xf32, #tpu.memory_space<vmem>>, vector<16xf32>,
            %le3A_331 = arith.cmpf ole, %get3A_330, %bitcast_convert_type3A_276 : vector<16xf32>
            %mul3A_332 = arith.constant 16 : i32
            %mul3A_333 = arith.muli %while3A_321, %mul3A_332 : i32
            %add3A_334 = vector.broadcast %mul3A_333 : i32 to vector<16xi32>
            %add3A_335 = arith.addi %add3A_334, %iota3A : vector<16xi32>
            %lt3A = arith.cmpi slt, %add3A_335, %mul3A_152 : vector<16xi32>
            %and3A_336 = arith.andi %le3A_331, %lt3A : vector<16xi1>
            %broadcast_in_dim3A_337 = vector.broadcast %scan3A : i32 to vector<16xi32>
            %broadcast_in_dim3A_338 = vector.broadcast %scan3A_4 : i32 to vector<16xi32>
            %select_n3A_339 = arith.select %and3A_336, %broadcast_in_dim3A_337, %broadcast_in_dim3A_338 : vector<16xi1>, vector<16xi32>
            %add3A_340 = arith.addi %while3A_322, %select_n3A_339 : vector<16xi32>
            scf.yield %add3A_340 : vector<16xi32>
          }
          %while3A_286 = arith.constant 1 : i32
          %while3A_287 = scf.for %while3A_321 = %while3A_283 to %while3A_279 step %while3A_286 iter_args(%while3A_322 = %while3A_285) -> (vector<16xi32>)  : i32 {
            %shift_right_arithmetic3A_323 = arith.constant 3 : i32
            %shift_right_arithmetic3A_324 = arith.shrsi %while3A_321, %shift_right_arithmetic3A_323 : i32
            %and3A = arith.constant 7 : i32
            %and3A_325 = arith.andi %while3A_321, %and3A : i32
            %mul3A_326 = arith.constant 16 : i32
            %mul3A_327 = arith.muli %and3A_325, %mul3A_326 : i32
            %get3A_328 = arith.index_cast %shift_right_arithmetic3A_324 : i32 to index
            %get3A_329 = arith.index_cast %mul3A_327 : i32 to index
            %get3A_330 = tpu.vector_load %arg10[%get3A_328, %get3A_329] {strides = array<i32>} : memref<400x128xf32, #tpu.memory_space<vmem>>, vector<16xf32>,
            %le3A_331 = arith.cmpf ole, %get3A_330, %bitcast_convert_type3A_276 : vector<16xf32>
            %mul3A_332 = arith.constant 16 : i32
            %mul3A_333 = arith.muli %while3A_321, %mul3A_332 : i32
            %add3A_334 = vector.broadcast %mul3A_333 : i32 to vector<16xi32>
            %add3A_335 = arith.addi %add3A_334, %iota3A : vector<16xi32>
            %lt3A = arith.cmpi slt, %add3A_335, %mul3A_152 : vector<16xi32>
            %and3A_336 = arith.andi %le3A_331, %lt3A : vector<16xi1>
            %broadcast_in_dim3A_337 = vector.broadcast %scan3A : i32 to vector<16xi32>
            %broadcast_in_dim3A_338 = vector.broadcast %scan3A_4 : i32 to vector<16xi32>
            %select_n3A_339 = arith.select %and3A_336, %broadcast_in_dim3A_337, %broadcast_in_dim3A_338 : vector<16xi1>, vector<16xi32>
            %add3A_340 = arith.addi %while3A_322, %select_n3A_339 : vector<16xi32>
            scf.yield %add3A_340 : vector<16xi32>
          }
          %xor3A_288 = arith.constant 8 : i32
          %xor3A_289 = vector.broadcast %xor3A_288 : i32 to vector<16xi32>
          %xor3A_290 = arith.xori %iota3A, %xor3A_289 : vector<16xi32>
          %broadcast_in_dim3A_291 = vector.shape_cast %xor3A_290 : vector<16xi32> to vector<16x1xi32>
          %gather3A_292 = vector.shape_cast %broadcast_in_dim3A_291 : vector<16x1xi32> to vector<16xi32>
          %gather3A_293 = tpu.dynamic_gather %while3A_287[%gather3A_292] in [0] : vector<16xi32>, vector<16xi32> -> vector<16xi32>
          %add3A_294 = arith.addi %while3A_287, %gather3A_293 : vector<16xi32>
          %xor3A_295 = arith.constant 4 : i32
          %xor3A_296 = vector.broadcast %xor3A_295 : i32 to vector<16xi32>
          %xor3A_297 = arith.xori %iota3A, %xor3A_296 : vector<16xi32>
          %broadcast_in_dim3A_298 = vector.shape_cast %xor3A_297 : vector<16xi32> to vector<16x1xi32>
          %gather3A_299 = vector.shape_cast %broadcast_in_dim3A_298 : vector<16x1xi32> to vector<16xi32>
          %gather3A_300 = tpu.dynamic_gather %add3A_294[%gather3A_299] in [0] : vector<16xi32>, vector<16xi32> -> vector<16xi32>
          %add3A_301 = arith.addi %add3A_294, %gather3A_300 : vector<16xi32>
          %xor3A_302 = arith.constant 2 : i32
          %xor3A_303 = vector.broadcast %xor3A_302 : i32 to vector<16xi32>
          %xor3A_304 = arith.xori %iota3A, %xor3A_303 : vector<16xi32>
          %broadcast_in_dim3A_305 = vector.shape_cast %xor3A_304 : vector<16xi32> to vector<16x1xi32>
          %gather3A_306 = vector.shape_cast %broadcast_in_dim3A_305 : vector<16x1xi32> to vector<16xi32>
          %gather3A_307 = tpu.dynamic_gather %add3A_301[%gather3A_306] in [0] : vector<16xi32>, vector<16xi32> -> vector<16xi32>
          %add3A_308 = arith.addi %add3A_301, %gather3A_307 : vector<16xi32>
          %xor3A_309 = arith.constant 1 : i32
          %xor3A_310 = vector.broadcast %xor3A_309 : i32 to vector<16xi32>
          %xor3A_311 = arith.xori %iota3A, %xor3A_310 : vector<16xi32>
          %broadcast_in_dim3A_312 = vector.shape_cast %xor3A_311 : vector<16xi32> to vector<16x1xi32>
          %gather3A_313 = vector.shape_cast %broadcast_in_dim3A_312 : vector<16x1xi32> to vector<16xi32>
          %gather3A_314 = tpu.dynamic_gather %add3A_308[%gather3A_313] in [0] : vector<16xi32>, vector<16xi32> -> vector<16xi32>
          %add3A_315 = arith.addi %add3A_308, %gather3A_314 : vector<16xi32>
          %ge3A = arith.cmpi sge, %add3A_315, %broadcast_in_dim3A_27 : vector<16xi32>
          %add3A_316 = arith.constant 1 : i32
          %add3A_317 = vector.broadcast %add3A_316 : i32 to vector<16xi32>
          %add3A_318 = arith.addi %add3A_275, %add3A_317 : vector<16xi32>
          %select_n3A_319 = arith.select %ge3A, %scan3A_270, %add3A_318 : vector<16xi1>, vector<16xi32>
          %select_n3A_320 = arith.select %ge3A, %add3A_275, %scan3A_271 : vector<16xi1>, vector<16xi32>
          scf.yield %select_n3A_319, %select_n3A_320 : vector<16xi32>, vector<16xi32>
        }
        %scan3A_160 = arith.constant 31 : i32
        %bitcast_convert_type3A_161 = tpu.bitcast %scan3A_159#1 : vector<16xi32> -> vector<16xf32>
        %bitcast_convert_type3A_162 = tpu.bitcast %scan3A_159#1 : vector<16xi32> -> vector<16xf32>
        %while3A_163 = arith.constant 0 : i32
        %while3A_164 = arith.subi %mul3A_154, %while3A_163 : i32
        %while3A_165 = arith.addi %while3A_163, %while3A_164 : i32
        %while3A_166 = arith.constant 1 : i32
        %while3A_167 = arith.divsi %while3A_164, %while3A_166 : i32
        %while3A_168 = arith.muli %while3A_167, %while3A_166 : i32
        %while3A_169 = arith.addi %while3A_163, %while3A_168 : i32
        %while3A_170 = arith.constant 1 : i32
        %while3A_171 = scf.for %while3A_269 = %while3A_163 to %while3A_169 step %while3A_170 iter_args(%while3A_270 = %broadcast_in_dim3A_1) -> (vector<16xi32>)  : i32 {
          %shift_right_arithmetic3A = arith.constant 3 : i32
          %shift_right_arithmetic3A_271 = arith.shrsi %while3A_269, %shift_right_arithmetic3A : i32
          %and3A = arith.constant 7 : i32
          %and3A_272 = arith.andi %while3A_269, %and3A : i32
          %mul3A_273 = arith.constant 16 : i32
          %mul3A_274 = arith.muli %and3A_272, %mul3A_273 : i32
          %get3A_275 = arith.index_cast %shift_right_arithmetic3A_271 : i32 to index
          %get3A_276 = arith.index_cast %mul3A_274 : i32 to index
          %get3A_277 = tpu.vector_load %arg10[%get3A_275, %get3A_276] {strides = array<i32>} : memref<400x128xf32, #tpu.memory_space<vmem>>, vector<16xf32>,
          %lt3A = arith.cmpf olt, %get3A_277, %bitcast_convert_type3A_162 : vector<16xf32>
          %mul3A_278 = arith.constant 16 : i32
          %mul3A_279 = arith.muli %while3A_269, %mul3A_278 : i32
          %add3A_280 = vector.broadcast %mul3A_279 : i32 to vector<16xi32>
          %add3A_281 = arith.addi %add3A_280, %iota3A : vector<16xi32>
          %lt3A_282 = arith.cmpi slt, %add3A_281, %mul3A_152 : vector<16xi32>
          %and3A_283 = arith.andi %lt3A, %lt3A_282 : vector<16xi1>
          %broadcast_in_dim3A_284 = vector.broadcast %scan3A : i32 to vector<16xi32>
          %broadcast_in_dim3A_285 = vector.broadcast %scan3A_4 : i32 to vector<16xi32>
          %select_n3A_286 = arith.select %and3A_283, %broadcast_in_dim3A_284, %broadcast_in_dim3A_285 : vector<16xi1>, vector<16xi32>
          %add3A_287 = arith.addi %while3A_270, %select_n3A_286 : vector<16xi32>
          scf.yield %add3A_287 : vector<16xi32>
        }
        %while3A_172 = arith.constant 1 : i32
        %while3A_173 = scf.for %while3A_269 = %while3A_169 to %while3A_165 step %while3A_172 iter_args(%while3A_270 = %while3A_171) -> (vector<16xi32>)  : i32 {
          %shift_right_arithmetic3A = arith.constant 3 : i32
          %shift_right_arithmetic3A_271 = arith.shrsi %while3A_269, %shift_right_arithmetic3A : i32
          %and3A = arith.constant 7 : i32
          %and3A_272 = arith.andi %while3A_269, %and3A : i32
          %mul3A_273 = arith.constant 16 : i32
          %mul3A_274 = arith.muli %and3A_272, %mul3A_273 : i32
          %get3A_275 = arith.index_cast %shift_right_arithmetic3A_271 : i32 to index
          %get3A_276 = arith.index_cast %mul3A_274 : i32 to index
          %get3A_277 = tpu.vector_load %arg10[%get3A_275, %get3A_276] {strides = array<i32>} : memref<400x128xf32, #tpu.memory_space<vmem>>, vector<16xf32>,
          %lt3A = arith.cmpf olt, %get3A_277, %bitcast_convert_type3A_162 : vector<16xf32>
          %mul3A_278 = arith.constant 16 : i32
          %mul3A_279 = arith.muli %while3A_269, %mul3A_278 : i32
          %add3A_280 = vector.broadcast %mul3A_279 : i32 to vector<16xi32>
          %add3A_281 = arith.addi %add3A_280, %iota3A : vector<16xi32>
          %lt3A_282 = arith.cmpi slt, %add3A_281, %mul3A_152 : vector<16xi32>
          %and3A_283 = arith.andi %lt3A, %lt3A_282 : vector<16xi1>
          %broadcast_in_dim3A_284 = vector.broadcast %scan3A : i32 to vector<16xi32>
          %broadcast_in_dim3A_285 = vector.broadcast %scan3A_4 : i32 to vector<16xi32>
          %select_n3A_286 = arith.select %and3A_283, %broadcast_in_dim3A_284, %broadcast_in_dim3A_285 : vector<16xi1>, vector<16xi32>
          %add3A_287 = arith.addi %while3A_270, %select_n3A_286 : vector<16xi32>
          scf.yield %add3A_287 : vector<16xi32>
        }
        %xor3A_174 = arith.constant 8 : i32
        %xor3A_175 = vector.broadcast %xor3A_174 : i32 to vector<16xi32>
        %xor3A_176 = arith.xori %iota3A, %xor3A_175 : vector<16xi32>
        %broadcast_in_dim3A_177 = vector.shape_cast %xor3A_176 : vector<16xi32> to vector<16x1xi32>
        %gather3A_178 = vector.shape_cast %broadcast_in_dim3A_177 : vector<16x1xi32> to vector<16xi32>
        %gather3A_179 = tpu.dynamic_gather %while3A_173[%gather3A_178] in [0] : vector<16xi32>, vector<16xi32> -> vector<16xi32>
        %add3A_180 = arith.addi %while3A_173, %gather3A_179 : vector<16xi32>
        %xor3A_181 = arith.constant 4 : i32
        %xor3A_182 = vector.broadcast %xor3A_181 : i32 to vector<16xi32>
        %xor3A_183 = arith.xori %iota3A, %xor3A_182 : vector<16xi32>
        %broadcast_in_dim3A_184 = vector.shape_cast %xor3A_183 : vector<16xi32> to vector<16x1xi32>
        %gather3A_185 = vector.shape_cast %broadcast_in_dim3A_184 : vector<16x1xi32> to vector<16xi32>
        %gather3A_186 = tpu.dynamic_gather %add3A_180[%gather3A_185] in [0] : vector<16xi32>, vector<16xi32> -> vector<16xi32>
        %add3A_187 = arith.addi %add3A_180, %gather3A_186 : vector<16xi32>
        %xor3A_188 = arith.constant 2 : i32
        %xor3A_189 = vector.broadcast %xor3A_188 : i32 to vector<16xi32>
        %xor3A_190 = arith.xori %iota3A, %xor3A_189 : vector<16xi32>
        %broadcast_in_dim3A_191 = vector.shape_cast %xor3A_190 : vector<16xi32> to vector<16x1xi32>
        %gather3A_192 = vector.shape_cast %broadcast_in_dim3A_191 : vector<16x1xi32> to vector<16xi32>
        %gather3A_193 = tpu.dynamic_gather %add3A_187[%gather3A_192] in [0] : vector<16xi32>, vector<16xi32> -> vector<16xi32>
        %add3A_194 = arith.addi %add3A_187, %gather3A_193 : vector<16xi32>
        %xor3A_195 = arith.constant 1 : i32
        %xor3A_196 = vector.broadcast %xor3A_195 : i32 to vector<16xi32>
        %xor3A_197 = arith.xori %iota3A, %xor3A_196 : vector<16xi32>
        %broadcast_in_dim3A_198 = vector.shape_cast %xor3A_197 : vector<16xi32> to vector<16x1xi32>
        %gather3A_199 = vector.shape_cast %broadcast_in_dim3A_198 : vector<16x1xi32> to vector<16xi32>
        %gather3A_200 = tpu.dynamic_gather %add3A_194[%gather3A_199] in [0] : vector<16xi32>, vector<16xi32> -> vector<16xi32>
        %add3A_201 = arith.addi %add3A_194, %gather3A_200 : vector<16xi32>
        %sub3A = arith.subi %broadcast_in_dim3A_27, %add3A_201 : vector<16xi32>
        %while3A_202 = arith.constant 0 : i32
        %while3A_203 = arith.subi %mul3A_154, %while3A_202 : i32
        %while3A_204 = arith.addi %while3A_202, %while3A_203 : i32
        %while3A_205 = arith.constant 1 : i32
        %while3A_206 = arith.divsi %while3A_203, %while3A_205 : i32
        %while3A_207 = arith.muli %while3A_206, %while3A_205 : i32
        %while3A_208 = arith.addi %while3A_202, %while3A_207 : i32
        %while3A_209 = arith.constant 1 : i32
        %while3A_210:3 = scf.for %while3A_269 = %while3A_202 to %while3A_208 step %while3A_209 iter_args(%while3A_270 = %broadcast_in_dim3A_3, %while3A_271 = %broadcast_in_dim3A_3, %while3A_272 = %broadcast_in_dim3A_1) -> (vector<16xf32>, vector<16xf32>, vector<16xi32>)  : i32 {
          %shift_right_arithmetic3A = arith.constant 3 : i32
          %shift_right_arithmetic3A_273 = arith.shrsi %while3A_269, %shift_right_arithmetic3A : i32
          %and3A = arith.constant 7 : i32
          %and3A_274 = arith.andi %while3A_269, %and3A : i32
          %mul3A_275 = arith.constant 16 : i32
          %mul3A_276 = arith.muli %and3A_274, %mul3A_275 : i32
          %get3A_277 = arith.index_cast %shift_right_arithmetic3A_273 : i32 to index
          %get3A_278 = arith.index_cast %mul3A_276 : i32 to index
          %get3A_279 = tpu.vector_load %arg10[%get3A_277, %get3A_278] {strides = array<i32>} : memref<400x128xf32, #tpu.memory_space<vmem>>, vector<16xf32>,
          %shift_right_arithmetic3A_280 = arith.constant 3 : i32
          %shift_right_arithmetic3A_281 = arith.shrsi %while3A_269, %shift_right_arithmetic3A_280 : i32
          %and3A_282 = arith.constant 7 : i32
          %and3A_283 = arith.andi %while3A_269, %and3A_282 : i32
          %mul3A_284 = arith.constant 16 : i32
          %mul3A_285 = arith.muli %and3A_283, %mul3A_284 : i32
          %get3A_286 = arith.index_cast %shift_right_arithmetic3A_281 : i32 to index
          %get3A_287 = arith.index_cast %mul3A_285 : i32 to index
          %get3A_288 = tpu.vector_load %arg11[%get3A_286, %get3A_287] {strides = array<i32>} : memref<400x128xf32, #tpu.memory_space<vmem>>, vector<16xf32>,
          %mul3A_289 = arith.constant 16 : i32
          %mul3A_290 = arith.muli %while3A_269, %mul3A_289 : i32
          %add3A_291 = vector.broadcast %mul3A_290 : i32 to vector<16xi32>
          %add3A_292 = arith.addi %add3A_291, %iota3A : vector<16xi32>
          %lt3A = arith.cmpi slt, %add3A_292, %mul3A_152 : vector<16xi32>
          %eq3A_293 = arith.cmpf oeq, %get3A_279, %bitcast_convert_type3A_161 : vector<16xf32>
          %and3A_294 = arith.andi %eq3A_293, %lt3A : vector<16xi1>
          %broadcast_in_dim3A_295 = vector.broadcast %scan3A : i32 to vector<16xi32>
          %broadcast_in_dim3A_296 = vector.broadcast %scan3A_4 : i32 to vector<16xi32>
          %select_n3A_297 = arith.select %and3A_294, %broadcast_in_dim3A_295, %broadcast_in_dim3A_296 : vector<16xi1>, vector<16xi32>
          %broadcast_in_dim3A_298 = arith.constant true
          %broadcast_in_dim3A_299 = vector.broadcast %broadcast_in_dim3A_298 : i1 to vector<16xi1>
          %masked_cumsum3A = tpu.scan <sum>, %select_n3A_297 masked %broadcast_in_dim3A_299 : vector<16xi32>, vector<16xi1> -> vector<16xi32>
          %add3A_300 = arith.addi %masked_cumsum3A, %while3A_272 : vector<16xi32>
          %lt3A_301 = arith.cmpf olt, %get3A_279, %bitcast_convert_type3A_161 : vector<16xf32>
          %and3A_302 = arith.andi %lt3A_301, %lt3A : vector<16xi1>
          %le3A_303 = arith.cmpi sle, %add3A_300, %sub3A : vector<16xi32>
          %and3A_304 = arith.andi %and3A_294, %le3A_303 : vector<16xi1>
          %or3A = arith.ori %and3A_302, %and3A_304 : vector<16xi1>
          %max3A_305 = arith.constant 9.99999996E-13 : f32
          %max3A_306 = vector.broadcast %max3A_305 : f32 to vector<16xf32>
          %max3A_307 = arith.maximumf %get3A_279, %max3A_306 : vector<16xf32>
          %bitcast_convert_type3A_308 = tpu.bitcast %max3A_307 : vector<16xf32> -> vector<16xi32>
          %broadcast_in_dim3A_309 = arith.constant 1597463007 : i32
          %broadcast_in_dim3A_310 = vector.broadcast %broadcast_in_dim3A_309 : i32 to vector<16xi32>
          %shift_right_arithmetic3A_311 = arith.constant 1 : i32
          %shift_right_arithmetic3A_312 = vector.broadcast %shift_right_arithmetic3A_311 : i32 to vector<16xi32>
          %shift_right_arithmetic3A_313 = arith.shrsi %bitcast_convert_type3A_308, %shift_right_arithmetic3A_312 : vector<16xi32>
          %sub3A_314 = arith.subi %broadcast_in_dim3A_310, %shift_right_arithmetic3A_313 : vector<16xi32>
          %bitcast_convert_type3A_315 = tpu.bitcast %sub3A_314 : vector<16xi32> -> vector<16xf32>
          %mul3A_316 = arith.constant 5.000000e-01 : f32
          %mul3A_317 = vector.broadcast %mul3A_316 : f32 to vector<16xf32>
          %mul3A_318 = arith.mulf %mul3A_317, %max3A_307 : vector<16xf32>
          %mul3A_319 = arith.mulf %mul3A_318, %bitcast_convert_type3A_315 : vector<16xf32>
          %mul3A_320 = arith.mulf %mul3A_319, %bitcast_convert_type3A_315 : vector<16xf32>
          %sub3A_321 = arith.constant 1.500000e+00 : f32
          %sub3A_322 = vector.broadcast %sub3A_321 : f32 to vector<16xf32>
          %sub3A_323 = arith.subf %sub3A_322, %mul3A_320 : vector<16xf32>
          %mul3A_324 = arith.mulf %bitcast_convert_type3A_315, %sub3A_323 : vector<16xf32>
          %mul3A_325 = arith.constant 5.000000e-01 : f32
          %mul3A_326 = vector.broadcast %mul3A_325 : f32 to vector<16xf32>
          %mul3A_327 = arith.mulf %mul3A_326, %max3A_307 : vector<16xf32>
          %mul3A_328 = arith.mulf %mul3A_327, %mul3A_324 : vector<16xf32>
          %mul3A_329 = arith.mulf %mul3A_328, %mul3A_324 : vector<16xf32>
          %sub3A_330 = arith.constant 1.500000e+00 : f32
          %sub3A_331 = vector.broadcast %sub3A_330 : f32 to vector<16xf32>
          %sub3A_332 = arith.subf %sub3A_331, %mul3A_329 : vector<16xf32>
          %mul3A_333 = arith.mulf %mul3A_324, %sub3A_332 : vector<16xf32>
          %mul3A_334 = arith.constant 5.000000e-01 : f32
          %mul3A_335 = vector.broadcast %mul3A_334 : f32 to vector<16xf32>
          %mul3A_336 = arith.mulf %mul3A_335, %max3A_307 : vector<16xf32>
          %mul3A_337 = arith.mulf %mul3A_336, %mul3A_333 : vector<16xf32>
          %mul3A_338 = arith.mulf %mul3A_337, %mul3A_333 : vector<16xf32>
          %sub3A_339 = arith.constant 1.500000e+00 : f32
          %sub3A_340 = vector.broadcast %sub3A_339 : f32 to vector<16xf32>
          %sub3A_341 = arith.subf %sub3A_340, %mul3A_338 : vector<16xf32>
          %mul3A_342 = arith.mulf %mul3A_333, %sub3A_341 : vector<16xf32>
          %mul3A_343 = arith.constant 5.000000e-01 : f32
          %mul3A_344 = vector.broadcast %mul3A_343 : f32 to vector<16xf32>
          %mul3A_345 = arith.mulf %mul3A_344, %max3A_307 : vector<16xf32>
          %mul3A_346 = arith.mulf %mul3A_345, %mul3A_342 : vector<16xf32>
          %mul3A_347 = arith.mulf %mul3A_346, %mul3A_342 : vector<16xf32>
          %sub3A_348 = arith.constant 1.500000e+00 : f32
          %sub3A_349 = vector.broadcast %sub3A_348 : f32 to vector<16xf32>
          %sub3A_350 = arith.subf %sub3A_349, %mul3A_347 : vector<16xf32>
          %mul3A_351 = arith.mulf %mul3A_342, %sub3A_350 : vector<16xf32>
          %mul3A_352 = arith.mulf %max3A_307, %mul3A_351 : vector<16xf32>
          %add3A_353 = arith.constant 1.000000e-03 : f32
          %add3A_354 = vector.broadcast %add3A_353 : f32 to vector<16xf32>
          %add3A_355 = arith.addf %mul3A_352, %add3A_354 : vector<16xf32>
          %div3A_356 = arith.constant 1.000000e+00 : f32
          %div3A_357 = vector.broadcast %div3A_356 : f32 to vector<16xf32>
          %div3A_358 = arith.divf %div3A_357, %add3A_355 : vector<16xf32>
          %jit3A_359 = arith.constant 0.000000e+00 : f32
          %broadcast_in_dim3A_360 = vector.broadcast %jit3A_359 : f32 to vector<16xf32>
          %select_n3A_361 = arith.select %or3A, %div3A_358, %broadcast_in_dim3A_360 : vector<16xi1>, vector<16xf32>
          %jit3A_362 = arith.constant 0.000000e+00 : f32
          %broadcast_in_dim3A_363 = vector.broadcast %jit3A_362 : f32 to vector<16xf32>
          %select_n3A_364 = arith.select %or3A, %get3A_288, %broadcast_in_dim3A_363 : vector<16xi1>, vector<16xf32>
          %mul3A_365 = arith.mulf %select_n3A_361, %select_n3A_364 : vector<16xf32>
          %add3A_366 = arith.addf %while3A_270, %mul3A_365 : vector<16xf32>
          %add3A_367 = arith.addf %while3A_271, %select_n3A_361 : vector<16xf32>
          %all_reduce_population_count3A = tpu.all_reduce %and3A_294 {dim = 0 : i64, kind = #tpu.reduction_kind<sum>} : vector<16xi1> -> vector<16xi32>
          %add3A_368 = arith.addi %while3A_272, %all_reduce_population_count3A : vector<16xi32>
          scf.yield %add3A_366, %add3A_367, %add3A_368 : vector<16xf32>, vector<16xf32>, vector<16xi32>
        }
        %while3A_211 = arith.constant 1 : i32
        %while3A_212:3 = scf.for %while3A_269 = %while3A_208 to %while3A_204 step %while3A_211 iter_args(%while3A_270 = %while3A_210#0, %while3A_271 = %while3A_210#1, %while3A_272 = %while3A_210#2) -> (vector<16xf32>, vector<16xf32>, vector<16xi32>)  : i32 {
          %shift_right_arithmetic3A = arith.constant 3 : i32
          %shift_right_arithmetic3A_273 = arith.shrsi %while3A_269, %shift_right_arithmetic3A : i32
          %and3A = arith.constant 7 : i32
          %and3A_274 = arith.andi %while3A_269, %and3A : i32
          %mul3A_275 = arith.constant 16 : i32
          %mul3A_276 = arith.muli %and3A_274, %mul3A_275 : i32
          %get3A_277 = arith.index_cast %shift_right_arithmetic3A_273 : i32 to index
          %get3A_278 = arith.index_cast %mul3A_276 : i32 to index
          %get3A_279 = tpu.vector_load %arg10[%get3A_277, %get3A_278] {strides = array<i32>} : memref<400x128xf32, #tpu.memory_space<vmem>>, vector<16xf32>,
          %shift_right_arithmetic3A_280 = arith.constant 3 : i32
          %shift_right_arithmetic3A_281 = arith.shrsi %while3A_269, %shift_right_arithmetic3A_280 : i32
          %and3A_282 = arith.constant 7 : i32
          %and3A_283 = arith.andi %while3A_269, %and3A_282 : i32
          %mul3A_284 = arith.constant 16 : i32
          %mul3A_285 = arith.muli %and3A_283, %mul3A_284 : i32
          %get3A_286 = arith.index_cast %shift_right_arithmetic3A_281 : i32 to index
          %get3A_287 = arith.index_cast %mul3A_285 : i32 to index
          %get3A_288 = tpu.vector_load %arg11[%get3A_286, %get3A_287] {strides = array<i32>} : memref<400x128xf32, #tpu.memory_space<vmem>>, vector<16xf32>,
          %mul3A_289 = arith.constant 16 : i32
          %mul3A_290 = arith.muli %while3A_269, %mul3A_289 : i32
          %add3A_291 = vector.broadcast %mul3A_290 : i32 to vector<16xi32>
          %add3A_292 = arith.addi %add3A_291, %iota3A : vector<16xi32>
          %lt3A = arith.cmpi slt, %add3A_292, %mul3A_152 : vector<16xi32>
          %eq3A_293 = arith.cmpf oeq, %get3A_279, %bitcast_convert_type3A_161 : vector<16xf32>
          %and3A_294 = arith.andi %eq3A_293, %lt3A : vector<16xi1>
          %broadcast_in_dim3A_295 = vector.broadcast %scan3A : i32 to vector<16xi32>
          %broadcast_in_dim3A_296 = vector.broadcast %scan3A_4 : i32 to vector<16xi32>
          %select_n3A_297 = arith.select %and3A_294, %broadcast_in_dim3A_295, %broadcast_in_dim3A_296 : vector<16xi1>, vector<16xi32>
          %broadcast_in_dim3A_298 = arith.constant true
          %broadcast_in_dim3A_299 = vector.broadcast %broadcast_in_dim3A_298 : i1 to vector<16xi1>
          %masked_cumsum3A = tpu.scan <sum>, %select_n3A_297 masked %broadcast_in_dim3A_299 : vector<16xi32>, vector<16xi1> -> vector<16xi32>
          %add3A_300 = arith.addi %masked_cumsum3A, %while3A_272 : vector<16xi32>
          %lt3A_301 = arith.cmpf olt, %get3A_279, %bitcast_convert_type3A_161 : vector<16xf32>
          %and3A_302 = arith.andi %lt3A_301, %lt3A : vector<16xi1>
          %le3A_303 = arith.cmpi sle, %add3A_300, %sub3A : vector<16xi32>
          %and3A_304 = arith.andi %and3A_294, %le3A_303 : vector<16xi1>
          %or3A = arith.ori %and3A_302, %and3A_304 : vector<16xi1>
          %max3A_305 = arith.constant 9.99999996E-13 : f32
          %max3A_306 = vector.broadcast %max3A_305 : f32 to vector<16xf32>
          %max3A_307 = arith.maximumf %get3A_279, %max3A_306 : vector<16xf32>
          %bitcast_convert_type3A_308 = tpu.bitcast %max3A_307 : vector<16xf32> -> vector<16xi32>
          %broadcast_in_dim3A_309 = arith.constant 1597463007 : i32
          %broadcast_in_dim3A_310 = vector.broadcast %broadcast_in_dim3A_309 : i32 to vector<16xi32>
          %shift_right_arithmetic3A_311 = arith.constant 1 : i32
          %shift_right_arithmetic3A_312 = vector.broadcast %shift_right_arithmetic3A_311 : i32 to vector<16xi32>
          %shift_right_arithmetic3A_313 = arith.shrsi %bitcast_convert_type3A_308, %shift_right_arithmetic3A_312 : vector<16xi32>
          %sub3A_314 = arith.subi %broadcast_in_dim3A_310, %shift_right_arithmetic3A_313 : vector<16xi32>
          %bitcast_convert_type3A_315 = tpu.bitcast %sub3A_314 : vector<16xi32> -> vector<16xf32>
          %mul3A_316 = arith.constant 5.000000e-01 : f32
          %mul3A_317 = vector.broadcast %mul3A_316 : f32 to vector<16xf32>
          %mul3A_318 = arith.mulf %mul3A_317, %max3A_307 : vector<16xf32>
          %mul3A_319 = arith.mulf %mul3A_318, %bitcast_convert_type3A_315 : vector<16xf32>
          %mul3A_320 = arith.mulf %mul3A_319, %bitcast_convert_type3A_315 : vector<16xf32>
          %sub3A_321 = arith.constant 1.500000e+00 : f32
          %sub3A_322 = vector.broadcast %sub3A_321 : f32 to vector<16xf32>
          %sub3A_323 = arith.subf %sub3A_322, %mul3A_320 : vector<16xf32>
          %mul3A_324 = arith.mulf %bitcast_convert_type3A_315, %sub3A_323 : vector<16xf32>
          %mul3A_325 = arith.constant 5.000000e-01 : f32
          %mul3A_326 = vector.broadcast %mul3A_325 : f32 to vector<16xf32>
          %mul3A_327 = arith.mulf %mul3A_326, %max3A_307 : vector<16xf32>
          %mul3A_328 = arith.mulf %mul3A_327, %mul3A_324 : vector<16xf32>
          %mul3A_329 = arith.mulf %mul3A_328, %mul3A_324 : vector<16xf32>
          %sub3A_330 = arith.constant 1.500000e+00 : f32
          %sub3A_331 = vector.broadcast %sub3A_330 : f32 to vector<16xf32>
          %sub3A_332 = arith.subf %sub3A_331, %mul3A_329 : vector<16xf32>
          %mul3A_333 = arith.mulf %mul3A_324, %sub3A_332 : vector<16xf32>
          %mul3A_334 = arith.constant 5.000000e-01 : f32
          %mul3A_335 = vector.broadcast %mul3A_334 : f32 to vector<16xf32>
          %mul3A_336 = arith.mulf %mul3A_335, %max3A_307 : vector<16xf32>
          %mul3A_337 = arith.mulf %mul3A_336, %mul3A_333 : vector<16xf32>
          %mul3A_338 = arith.mulf %mul3A_337, %mul3A_333 : vector<16xf32>
          %sub3A_339 = arith.constant 1.500000e+00 : f32
          %sub3A_340 = vector.broadcast %sub3A_339 : f32 to vector<16xf32>
          %sub3A_341 = arith.subf %sub3A_340, %mul3A_338 : vector<16xf32>
          %mul3A_342 = arith.mulf %mul3A_333, %sub3A_341 : vector<16xf32>
          %mul3A_343 = arith.constant 5.000000e-01 : f32
          %mul3A_344 = vector.broadcast %mul3A_343 : f32 to vector<16xf32>
          %mul3A_345 = arith.mulf %mul3A_344, %max3A_307 : vector<16xf32>
          %mul3A_346 = arith.mulf %mul3A_345, %mul3A_342 : vector<16xf32>
          %mul3A_347 = arith.mulf %mul3A_346, %mul3A_342 : vector<16xf32>
          %sub3A_348 = arith.constant 1.500000e+00 : f32
          %sub3A_349 = vector.broadcast %sub3A_348 : f32 to vector<16xf32>
          %sub3A_350 = arith.subf %sub3A_349, %mul3A_347 : vector<16xf32>
          %mul3A_351 = arith.mulf %mul3A_342, %sub3A_350 : vector<16xf32>
          %mul3A_352 = arith.mulf %max3A_307, %mul3A_351 : vector<16xf32>
          %add3A_353 = arith.constant 1.000000e-03 : f32
          %add3A_354 = vector.broadcast %add3A_353 : f32 to vector<16xf32>
          %add3A_355 = arith.addf %mul3A_352, %add3A_354 : vector<16xf32>
          %div3A_356 = arith.constant 1.000000e+00 : f32
          %div3A_357 = vector.broadcast %div3A_356 : f32 to vector<16xf32>
          %div3A_358 = arith.divf %div3A_357, %add3A_355 : vector<16xf32>
          %jit3A_359 = arith.constant 0.000000e+00 : f32
          %broadcast_in_dim3A_360 = vector.broadcast %jit3A_359 : f32 to vector<16xf32>
          %select_n3A_361 = arith.select %or3A, %div3A_358, %broadcast_in_dim3A_360 : vector<16xi1>, vector<16xf32>
          %jit3A_362 = arith.constant 0.000000e+00 : f32
          %broadcast_in_dim3A_363 = vector.broadcast %jit3A_362 : f32 to vector<16xf32>
          %select_n3A_364 = arith.select %or3A, %get3A_288, %broadcast_in_dim3A_363 : vector<16xi1>, vector<16xf32>
          %mul3A_365 = arith.mulf %select_n3A_361, %select_n3A_364 : vector<16xf32>
          %add3A_366 = arith.addf %while3A_270, %mul3A_365 : vector<16xf32>
          %add3A_367 = arith.addf %while3A_271, %select_n3A_361 : vector<16xf32>
          %all_reduce_population_count3A = tpu.all_reduce %and3A_294 {dim = 0 : i64, kind = #tpu.reduction_kind<sum>} : vector<16xi1> -> vector<16xi32>
          %add3A_368 = arith.addi %while3A_272, %all_reduce_population_count3A : vector<16xi32>
          scf.yield %add3A_366, %add3A_367, %add3A_368 : vector<16xf32>, vector<16xf32>, vector<16xi32>
        }
        %xor3A_213 = arith.constant 8 : i32
        %xor3A_214 = vector.broadcast %xor3A_213 : i32 to vector<16xi32>
        %xor3A_215 = arith.xori %iota3A, %xor3A_214 : vector<16xi32>
        %broadcast_in_dim3A_216 = vector.shape_cast %xor3A_215 : vector<16xi32> to vector<16x1xi32>
        %gather3A_217 = vector.shape_cast %broadcast_in_dim3A_216 : vector<16x1xi32> to vector<16xi32>
        %gather3A_218 = tpu.dynamic_gather %while3A_212#0[%gather3A_217] in [0] : vector<16xf32>, vector<16xi32> -> vector<16xf32>
        %add3A_219 = arith.addf %while3A_212#0, %gather3A_218 : vector<16xf32>
        %xor3A_220 = arith.constant 4 : i32
        %xor3A_221 = vector.broadcast %xor3A_220 : i32 to vector<16xi32>
        %xor3A_222 = arith.xori %iota3A, %xor3A_221 : vector<16xi32>
        %broadcast_in_dim3A_223 = vector.shape_cast %xor3A_222 : vector<16xi32> to vector<16x1xi32>
        %gather3A_224 = vector.shape_cast %broadcast_in_dim3A_223 : vector<16x1xi32> to vector<16xi32>
        %gather3A_225 = tpu.dynamic_gather %add3A_219[%gather3A_224] in [0] : vector<16xf32>, vector<16xi32> -> vector<16xf32>
        %add3A_226 = arith.addf %add3A_219, %gather3A_225 : vector<16xf32>
        %xor3A_227 = arith.constant 2 : i32
        %xor3A_228 = vector.broadcast %xor3A_227 : i32 to vector<16xi32>
        %xor3A_229 = arith.xori %iota3A, %xor3A_228 : vector<16xi32>
        %broadcast_in_dim3A_230 = vector.shape_cast %xor3A_229 : vector<16xi32> to vector<16x1xi32>
        %gather3A_231 = vector.shape_cast %broadcast_in_dim3A_230 : vector<16x1xi32> to vector<16xi32>
        %gather3A_232 = tpu.dynamic_gather %add3A_226[%gather3A_231] in [0] : vector<16xf32>, vector<16xi32> -> vector<16xf32>
        %add3A_233 = arith.addf %add3A_226, %gather3A_232 : vector<16xf32>
        %xor3A_234 = arith.constant 1 : i32
        %xor3A_235 = vector.broadcast %xor3A_234 : i32 to vector<16xi32>
        %xor3A_236 = arith.xori %iota3A, %xor3A_235 : vector<16xi32>
        %broadcast_in_dim3A_237 = vector.shape_cast %xor3A_236 : vector<16xi32> to vector<16x1xi32>
        %gather3A_238 = vector.shape_cast %broadcast_in_dim3A_237 : vector<16x1xi32> to vector<16xi32>
        %gather3A_239 = tpu.dynamic_gather %add3A_233[%gather3A_238] in [0] : vector<16xf32>, vector<16xi32> -> vector<16xf32>
        %add3A_240 = arith.addf %add3A_233, %gather3A_239 : vector<16xf32>
        %xor3A_241 = arith.constant 8 : i32
        %xor3A_242 = vector.broadcast %xor3A_241 : i32 to vector<16xi32>
        %xor3A_243 = arith.xori %iota3A, %xor3A_242 : vector<16xi32>
        %broadcast_in_dim3A_244 = vector.shape_cast %xor3A_243 : vector<16xi32> to vector<16x1xi32>
        %gather3A_245 = vector.shape_cast %broadcast_in_dim3A_244 : vector<16x1xi32> to vector<16xi32>
        %gather3A_246 = tpu.dynamic_gather %while3A_212#1[%gather3A_245] in [0] : vector<16xf32>, vector<16xi32> -> vector<16xf32>
        %add3A_247 = arith.addf %while3A_212#1, %gather3A_246 : vector<16xf32>
        %xor3A_248 = arith.constant 4 : i32
        %xor3A_249 = vector.broadcast %xor3A_248 : i32 to vector<16xi32>
        %xor3A_250 = arith.xori %iota3A, %xor3A_249 : vector<16xi32>
        %broadcast_in_dim3A_251 = vector.shape_cast %xor3A_250 : vector<16xi32> to vector<16x1xi32>
        %gather3A_252 = vector.shape_cast %broadcast_in_dim3A_251 : vector<16x1xi32> to vector<16xi32>
        %gather3A_253 = tpu.dynamic_gather %add3A_247[%gather3A_252] in [0] : vector<16xf32>, vector<16xi32> -> vector<16xf32>
        %add3A_254 = arith.addf %add3A_247, %gather3A_253 : vector<16xf32>
        %xor3A_255 = arith.constant 2 : i32
        %xor3A_256 = vector.broadcast %xor3A_255 : i32 to vector<16xi32>
        %xor3A_257 = arith.xori %iota3A, %xor3A_256 : vector<16xi32>
        %broadcast_in_dim3A_258 = vector.shape_cast %xor3A_257 : vector<16xi32> to vector<16x1xi32>
        %gather3A_259 = vector.shape_cast %broadcast_in_dim3A_258 : vector<16x1xi32> to vector<16xi32>
        %gather3A_260 = tpu.dynamic_gather %add3A_254[%gather3A_259] in [0] : vector<16xf32>, vector<16xi32> -> vector<16xf32>
        %add3A_261 = arith.addf %add3A_254, %gather3A_260 : vector<16xf32>
        %xor3A_262 = arith.constant 1 : i32
        %xor3A_263 = vector.broadcast %xor3A_262 : i32 to vector<16xi32>
        %xor3A_264 = arith.xori %iota3A, %xor3A_263 : vector<16xi32>
        %broadcast_in_dim3A_265 = vector.shape_cast %xor3A_264 : vector<16xi32> to vector<16x1xi32>
        %gather3A_266 = vector.shape_cast %broadcast_in_dim3A_265 : vector<16x1xi32> to vector<16xi32>
        %gather3A_267 = tpu.dynamic_gather %add3A_261[%gather3A_266] in [0] : vector<16xf32>, vector<16xi32> -> vector<16xf32>
        %add3A_268 = arith.addf %add3A_261, %gather3A_267 : vector<16xf32>
        scf.yield %add3A_240, %add3A_268 : vector<16xf32>, vector<16xf32>
      }
      %broadcast_in_dim3A_143 = vector.broadcast %scan3A_18 : i32 to vector<16xi32>
      %eq3A = arith.cmpi eq, %iota3A, %broadcast_in_dim3A_143 : vector<16xi32>
      %jit3A = arith.constant 0.000000e+00 : f32
      %broadcast_in_dim3A_144 = vector.broadcast %jit3A : f32 to vector<16xf32>
      %select_n3A = arith.select %eq3A, %cond3A_142#0, %broadcast_in_dim3A_144 : vector<16xi1>, vector<16xf32>
      %add3A_145 = arith.addf %scan3A_19, %select_n3A : vector<16xf32>
      %jit3A_146 = arith.constant 0.000000e+00 : f32
      %broadcast_in_dim3A_147 = vector.broadcast %jit3A_146 : f32 to vector<16xf32>
      %select_n3A_148 = arith.select %eq3A, %cond3A_142#1, %broadcast_in_dim3A_147 : vector<16xi1>, vector<16xf32>
      %add3A_149 = arith.addf %scan3A_20, %select_n3A_148 : vector<16xf32>
      scf.yield %add3A_145, %add3A_149 : vector<16xf32>, vector<16xf32>
    }
    %scan3A_10 = arith.constant 16 : i32
    %swap3A = arith.constant 0 : index
    %swap3A_11 = tpu.vector_load %arg18[%swap3A] {strides = array<i32>} : memref<16xf32, #tpu.memory_space<vmem>>, vector<16xf32>,
    tpu.vector_store %arg18[%swap3A], %scan3A_9#0 {strides = array<i32>} : memref<16xf32, #tpu.memory_space<vmem>>, vector<16xf32>,
    %swap3A_12 = arith.constant 0 : index
    %swap3A_13 = tpu.vector_load %arg19[%swap3A_12] {strides = array<i32>} : memref<16xf32, #tpu.memory_space<vmem>>, vector<16xf32>,
    tpu.vector_store %arg19[%swap3A_12], %scan3A_9#1 {strides = array<i32>} : memref<16xf32, #tpu.memory_space<vmem>>, vector<16xf32>,
    %mul3A_14 = arith.constant 16 : i32
    %mul3A_15 = arith.muli %add3A, %mul3A_14 : i32
    "tpu.region"() ({
      %run_scoped3A = tpu.sem_alloc : memref<!tpu.dma_semaphore, #tpu.memory_space<semaphore_mem>>
      %dma_start3A = tpu.memref_slice %arg5[%mul3A_15] : memref<512xf32, #tpu.memory_space<hbm>> -> memref<16xf32, #tpu.memory_space<hbm>>
      %dma_start3A_18 = tpu.memref_slice %arg5[%mul3A_15] : memref<512xf32, #tpu.memory_space<hbm>> -> memref<16xf32, #tpu.memory_space<hbm>>
      tpu.enqueue_dma source(%arg18 : memref<16xf32, #tpu.memory_space<vmem>>) target(%dma_start3A_18 : memref<16xf32, #tpu.memory_space<hbm>>) target_semaphore(%run_scoped3A : memref<!tpu.dma_semaphore, #tpu.memory_space<semaphore_mem>>)
      %dma_wait3A = tpu.memref_slice %arg5[%mul3A_15] : memref<512xf32, #tpu.memory_space<hbm>> -> memref<16xf32, #tpu.memory_space<hbm>>
      %dma_wait3A_19 = tpu.memref_slice %arg5[%mul3A_15] : memref<512xf32, #tpu.memory_space<hbm>> -> memref<16xf32, #tpu.memory_space<hbm>>
      tpu.wait_dma2 semaphore(%run_scoped3A : memref<!tpu.dma_semaphore, #tpu.memory_space<semaphore_mem>>) src(%arg18 : memref<16xf32, #tpu.memory_space<vmem>>) dst(%dma_wait3A_19 : memref<16xf32, #tpu.memory_space<hbm>>)
      tpu.yield
    }) : () -> ()
    %mul3A_16 = arith.constant 16 : i32
    %mul3A_17 = arith.muli %add3A, %mul3A_16 : i32
    "tpu.region"() ({
      %run_scoped3A = tpu.sem_alloc : memref<!tpu.dma_semaphore, #tpu.memory_space<semaphore_mem>>
      %dma_start3A = tpu.memref_slice %arg6[%mul3A_17] : memref<512xf32, #tpu.memory_space<hbm>> -> memref<16xf32, #tpu.memory_space<hbm>>
      %dma_start3A_18 = tpu.memref_slice %arg6[%mul3A_17] : memref<512xf32, #tpu.memory_space<hbm>> -> memref<16xf32, #tpu.memory_space<hbm>>
      tpu.enqueue_dma source(%arg19 : memref<16xf32, #tpu.memory_space<vmem>>) target(%dma_start3A_18 : memref<16xf32, #tpu.memory_space<hbm>>) target_semaphore(%run_scoped3A : memref<!tpu.dma_semaphore, #tpu.memory_space<semaphore_mem>>)
      %dma_wait3A = tpu.memref_slice %arg6[%mul3A_17] : memref<512xf32, #tpu.memory_space<hbm>> -> memref<16xf32, #tpu.memory_space<hbm>>
      %dma_wait3A_19 = tpu.memref_slice %arg6[%mul3A_17] : memref<512xf32, #tpu.memory_space<hbm>> -> memref<16xf32, #tpu.memory_space<hbm>>
      tpu.wait_dma2 semaphore(%run_scoped3A : memref<!tpu.dma_semaphore, #tpu.memory_space<semaphore_mem>>) src(%arg19 : memref<16xf32, #tpu.memory_space<vmem>>) dst(%dma_wait3A_19 : memref<16xf32, #tpu.memory_space<hbm>>)
      tpu.yield
    }) : () -> ()
    return
  }
}

module attributes {stable_mosaic.version = 14 : i64} {
  func.func @_mlp_body(%arg0: memref<512x256xf32, #tpu.memory_space<vmem>>, %arg1: memref<256x256xf32, #tpu.memory_space<vmem>>, %arg2: memref<1x256xf32, #tpu.memory_space<vmem>>, %arg3: memref<256x18xf32, #tpu.memory_space<vmem>>, %arg4: memref<1x18xf32, #tpu.memory_space<vmem>>, %arg5: memref<256x256xf32, #tpu.memory_space<vmem>>, %arg6: memref<1x256xf32, #tpu.memory_space<vmem>>, %arg7: memref<512x18xf32, #tpu.memory_space<vmem>>, %arg8: memref<512x256xf32, #tpu.memory_space<vmem>>) attributes {dimension_semantics = [], scalar_prefetch = 0 : i64, scratch_operands = 0 : i64, tpu.core_type = #tpu.core_type<tc>} {
    %get3A = arith.constant 0 : index
    %get3A_0 = arith.constant 0 : index
    %get3A_1 = vector.load %arg0[%get3A, %get3A_0] : memref<512x256xf32, #tpu.memory_space<vmem>>, vector<512x256xf32>
    %get3A_2 = arith.constant 0 : index
    %get3A_3 = arith.constant 0 : index
    %get3A_4 = vector.load %arg1[%get3A_2, %get3A_3] : memref<256x256xf32, #tpu.memory_space<vmem>>, vector<256x256xf32>
    %dot_general3A = arith.constant dense<0.000000e+00> : vector<512x256xf32>
    %dot_general3A_5 = tpu.matmul %get3A_1, %get3A_4, %dot_general3A {dimension_numbers = #tpu.dot_dimension_numbers<[1], [0], [0], [1], [0, 0, 1, 1], [], []>, transpose_lhs_hint = false} : vector<512x256xf32>, vector<256x256xf32>, vector<512x256xf32> -> vector<512x256xf32>
    %get3A_6 = arith.constant 0 : index
    %get3A_7 = arith.constant 0 : index
    %get3A_8 = vector.load %arg2[%get3A_6, %get3A_7] : memref<1x256xf32, #tpu.memory_space<vmem>>, vector<1x256xf32>
    %add3A = vector.broadcast %get3A_8 : vector<1x256xf32> to vector<512x256xf32>
    %add3A_9 = arith.addf %dot_general3A_5, %add3A : vector<512x256xf32>
    %max3A = arith.constant 0.000000e+00 : f32
    %max3A_10 = vector.broadcast %max3A : f32 to vector<512x256xf32>
    %max3A_11 = arith.maximumf %add3A_9, %max3A_10 : vector<512x256xf32>
    %get3A_12 = arith.constant 0 : index
    %get3A_13 = arith.constant 0 : index
    %get3A_14 = vector.load %arg3[%get3A_12, %get3A_13] : memref<256x18xf32, #tpu.memory_space<vmem>>, vector<256x18xf32>
    %dot_general3A_15 = arith.constant dense<0.000000e+00> : vector<512x18xf32>
    %dot_general3A_16 = tpu.matmul %max3A_11, %get3A_14, %dot_general3A_15 {dimension_numbers = #tpu.dot_dimension_numbers<[1], [0], [0], [1], [0, 0, 1, 1], [], []>, transpose_lhs_hint = false} : vector<512x256xf32>, vector<256x18xf32>, vector<512x18xf32> -> vector<512x18xf32>
    %get3A_17 = arith.constant 0 : index
    %get3A_18 = arith.constant 0 : index
    %get3A_19 = vector.load %arg4[%get3A_17, %get3A_18] : memref<1x18xf32, #tpu.memory_space<vmem>>, vector<1x18xf32>
    %add3A_20 = vector.broadcast %get3A_19 : vector<1x18xf32> to vector<512x18xf32>
    %add3A_21 = arith.addf %dot_general3A_16, %add3A_20 : vector<512x18xf32>
    %swap3A = arith.constant 0 : index
    %swap3A_22 = arith.constant 0 : index
    %swap3A_23 = vector.load %arg7[%swap3A, %swap3A_22] : memref<512x18xf32, #tpu.memory_space<vmem>>, vector<512x18xf32>
    tpu.vector_store %arg7[%swap3A, %swap3A_22], %add3A_21 {strides = array<i32>} : memref<512x18xf32, #tpu.memory_space<vmem>>, vector<512x18xf32>,
    %get3A_24 = arith.constant 0 : index
    %get3A_25 = arith.constant 0 : index
    %get3A_26 = vector.load %arg5[%get3A_24, %get3A_25] : memref<256x256xf32, #tpu.memory_space<vmem>>, vector<256x256xf32>
    %dot_general3A_27 = arith.constant dense<0.000000e+00> : vector<512x256xf32>
    %dot_general3A_28 = tpu.matmul %max3A_11, %get3A_26, %dot_general3A_27 {dimension_numbers = #tpu.dot_dimension_numbers<[1], [0], [0], [1], [0, 0, 1, 1], [], []>, transpose_lhs_hint = false} : vector<512x256xf32>, vector<256x256xf32>, vector<512x256xf32> -> vector<512x256xf32>
    %get3A_29 = arith.constant 0 : index
    %get3A_30 = arith.constant 0 : index
    %get3A_31 = vector.load %arg6[%get3A_29, %get3A_30] : memref<1x256xf32, #tpu.memory_space<vmem>>, vector<1x256xf32>
    %add3A_32 = vector.broadcast %get3A_31 : vector<1x256xf32> to vector<512x256xf32>
    %add3A_33 = arith.addf %dot_general3A_28, %add3A_32 : vector<512x256xf32>
    %swap3A_34 = arith.constant 0 : index
    %swap3A_35 = arith.constant 0 : index
    %swap3A_36 = vector.load %arg8[%swap3A_34, %swap3A_35] : memref<512x256xf32, #tpu.memory_space<vmem>>, vector<512x256xf32>
    tpu.vector_store %arg8[%swap3A_34, %swap3A_35], %add3A_33 {strides = array<i32>} : memref<512x256xf32, #tpu.memory_space<vmem>>, vector<512x256xf32>,
    return
  }
}

module attributes {stable_mosaic.version = 14 : i64} {
  func.func @_dist_body(%arg0: i32, %arg1: memref<512x256xf32, #tpu.memory_space<vmem>>, %arg2: memref<2048x256xf32, #tpu.memory_space<vmem>>, %arg3: memref<512x2048xf32, #tpu.memory_space<vmem>>) attributes {dimension_semantics = [#tpu.dimension_semantics<arbitrary>], iteration_bounds = array<i64: 25>, scalar_prefetch = 0 : i64, scratch_operands = 0 : i64, tpu.core_type = #tpu.core_type<tc>, window_params = [{pipeline_mode = #tpu.pipeline_mode<synchronous>, transform_indices = @transform_0, window_bounds = array<i64: 512, 256>}, {transform_indices = @transform_1, window_bounds = array<i64: 2048, 256>}, {transform_indices = @transform_2, window_bounds = array<i64: 512, 2048>}]} {
    %get3A = arith.constant 0 : index
    %get3A_0 = arith.constant 0 : index
    %get3A_1 = vector.load %arg1[%get3A, %get3A_0] : memref<512x256xf32, #tpu.memory_space<vmem>>, vector<512x256xf32>
    %get3A_2 = arith.constant 0 : index
    %get3A_3 = arith.constant 0 : index
    %get3A_4 = vector.load %arg2[%get3A_2, %get3A_3] : memref<2048x256xf32, #tpu.memory_space<vmem>>, vector<2048x256xf32>
    %dot_general3A = arith.constant dense<0.000000e+00> : vector<512x2048xf32>
    %dot_general3A_5 = tpu.matmul %get3A_1, %get3A_4, %dot_general3A {dimension_numbers = #tpu.dot_dimension_numbers<[1], [1], [0], [0], [0, 0, 1, 0], [], []>, transpose_lhs_hint = false} : vector<512x256xf32>, vector<2048x256xf32>, vector<512x2048xf32> -> vector<512x2048xf32>
    %mul3A = arith.mulf %get3A_1, %get3A_1 : vector<512x256xf32>
    %reduce_sum3A = arith.constant dense<0.000000e+00> : vector<512xf32>
    %reduce_sum3A_6 = vector.multi_reduction <add>, %mul3A, %reduce_sum3A [1] : vector<512x256xf32> to vector<512xf32>
    %broadcast_in_dim3A = vector.shape_cast %reduce_sum3A_6 : vector<512xf32> to vector<512x1xf32>
    %mul3A_7 = arith.mulf %get3A_4, %get3A_4 : vector<2048x256xf32>
    %reduce_sum3A_8 = arith.constant dense<0.000000e+00> : vector<2048xf32>
    %reduce_sum3A_9 = vector.multi_reduction <add>, %mul3A_7, %reduce_sum3A_8 [1] : vector<2048x256xf32> to vector<2048xf32>
    %broadcast_in_dim3A_10 = vector.shape_cast %reduce_sum3A_9 : vector<2048xf32> to vector<1x2048xf32>
    %add3A = vector.broadcast %broadcast_in_dim3A : vector<512x1xf32> to vector<512x2048xf32>
    %add3A_11 = vector.broadcast %broadcast_in_dim3A_10 : vector<1x2048xf32> to vector<512x2048xf32>
    %add3A_12 = arith.addf %add3A, %add3A_11 : vector<512x2048xf32>
    %mul3A_13 = arith.constant 2.000000e+00 : f32
    %mul3A_14 = vector.broadcast %mul3A_13 : f32 to vector<512x2048xf32>
    %mul3A_15 = arith.mulf %mul3A_14, %dot_general3A_5 : vector<512x2048xf32>
    %sub3A = arith.subf %add3A_12, %mul3A_15 : vector<512x2048xf32>
    %max3A = arith.constant 0.000000e+00 : f32
    %max3A_16 = vector.broadcast %max3A : f32 to vector<512x2048xf32>
    %max3A_17 = arith.maximumf %sub3A, %max3A_16 : vector<512x2048xf32>
    %iota3A = tpu.iota {dimensions = array<i32: 1>} : vector<512x2048xi32>
    %mul3A_18 = arith.constant 2048 : i32
    %mul3A_19 = arith.muli %arg0, %mul3A_18 : i32
    %add3A_20 = vector.broadcast %mul3A_19 : i32 to vector<512x2048xi32>
    %add3A_21 = arith.addi %iota3A, %add3A_20 : vector<512x2048xi32>
    %lt3A = arith.constant 50000 : i32
    %lt3A_22 = vector.broadcast %lt3A : i32 to vector<512x2048xi32>
    %lt3A_23 = arith.cmpi slt, %add3A_21, %lt3A_22 : vector<512x2048xi32>
    %jit3A = arith.constant 0x7F800000 : f32
    %broadcast_in_dim3A_24 = vector.broadcast %jit3A : f32 to vector<512x2048xf32>
    %select_n3A = arith.select %lt3A_23, %max3A_17, %broadcast_in_dim3A_24 : vector<512x2048xi1>, vector<512x2048xf32>
    %swap3A = arith.constant 0 : index
    %swap3A_25 = arith.constant 0 : index
    %swap3A_26 = vector.load %arg3[%swap3A, %swap3A_25] : memref<512x2048xf32, #tpu.memory_space<vmem>>, vector<512x2048xf32>
    tpu.vector_store %arg3[%swap3A, %swap3A_25], %select_n3A {strides = array<i32>} : memref<512x2048xf32, #tpu.memory_space<vmem>>, vector<512x2048xf32>,
    return
  }
  func.func @transform_0(%arg0: i32) -> (i32, i32) {
    %c0_i32 = arith.constant 0 : i32
    %c0_i32_0 = arith.constant 0 : i32
    %c0_i32_1 = arith.constant 0 : i32
    return %c0_i32, %c0_i32_0 : i32, i32
  }
  func.func @transform_1(%arg0: i32) -> (i32, i32) {
    %c0_i32 = arith.constant 0 : i32
    %c0_i32_0 = arith.constant 0 : i32
    return %arg0, %c0_i32 : i32, i32
  }
  func.func @transform_2(%arg0: i32) -> (i32, i32) {
    %c0_i32 = arith.constant 0 : i32
    %c0_i32_0 = arith.constant 0 : i32
    return %c0_i32, %arg0 : i32, i32
  }
}

module attributes {stable_mosaic.version = 14 : i64} {
  func.func @_chunkmin_body(%arg0: i32, %arg1: memref<64x51200xf32, #tpu.memory_space<vmem>>, %arg2: memref<64x400xf32, #tpu.memory_space<vmem>>) attributes {dimension_semantics = [#tpu.dimension_semantics<arbitrary>], iteration_bounds = array<i64: 8>, scalar_prefetch = 0 : i64, scratch_operands = 0 : i64, tpu.core_type = #tpu.core_type<tc>, window_params = [{transform_indices = @transform_0, window_bounds = array<i64: 64, 51200>}, {transform_indices = @transform_1, window_bounds = array<i64: 64, 400>}]} {
    %get3A = arith.constant 0 : index
    %get3A_0 = arith.constant 0 : index
    %get3A_1 = vector.load %arg1[%get3A, %get3A_0] : memref<64x51200xf32, #tpu.memory_space<vmem>>, vector<64x51200xf32>
    %reshape3A = vector.shape_cast %get3A_1 : vector<64x51200xf32> to vector<64x400x128xf32>
    %reduce_min3A = arith.constant dense<0x7F800000> : vector<64x400xf32>
    %reduce_min3A_2 = vector.multi_reduction <minimumf>, %reshape3A, %reduce_min3A [2] : vector<64x400x128xf32> to vector<64x400xf32>
    %swap3A = arith.constant 0 : index
    %swap3A_3 = arith.constant 0 : index
    %swap3A_4 = vector.load %arg2[%swap3A, %swap3A_3] : memref<64x400xf32, #tpu.memory_space<vmem>>, vector<64x400xf32>
    tpu.vector_store %arg2[%swap3A, %swap3A_3], %reduce_min3A_2 {strides = array<i32>} : memref<64x400xf32, #tpu.memory_space<vmem>>, vector<64x400xf32>,
    return
  }
  func.func @transform_0(%arg0: i32) -> (i32, i32) {
    %c0_i32 = arith.constant 0 : i32
    %c0_i32_0 = arith.constant 0 : i32
    return %arg0, %c0_i32 : i32, i32
  }
  func.func @transform_1(%arg0: i32) -> (i32, i32) {
    %c0_i32 = arith.constant 0 : i32
    %c0_i32_0 = arith.constant 0 : i32
    return %arg0, %c0_i32 : i32, i32
  }
}

module attributes {stable_mosaic.version = 14 : i64} {
  func.func @_norm_body(%arg0: memref<512x1xf32, #tpu.memory_space<vmem>>, %arg1: memref<512x1xf32, #tpu.memory_space<vmem>>, %arg2: memref<512x1xf32, #tpu.memory_space<vmem>>) attributes {dimension_semantics = [], scalar_prefetch = 0 : i64, scratch_operands = 0 : i64, tpu.core_type = #tpu.core_type<tc>} {
    %get3A = arith.constant 0 : index
    %get3A_0 = arith.constant 0 : index
    %get3A_1 = vector.load %arg0[%get3A, %get3A_0] : memref<512x1xf32, #tpu.memory_space<vmem>>, vector<512x1xf32>
    %get3A_2 = arith.constant 0 : index
    %get3A_3 = arith.constant 0 : index
    %get3A_4 = vector.load %arg1[%get3A_2, %get3A_3] : memref<512x1xf32, #tpu.memory_space<vmem>>, vector<512x1xf32>
    %reduce_sum3A = vector.shape_cast %get3A_4 : vector<512x1xf32> to vector<1x512x1xf32>
    %reduce_sum3A_5 = arith.constant dense<0.000000e+00> : vector<1xf32>
    %reduce_sum3A_6 = vector.multi_reduction <add>, %reduce_sum3A, %reduce_sum3A_5 [1, 2] : vector<1x512x1xf32> to vector<1xf32>
    %reduce_sum3A_7 = vector.shape_cast %reduce_sum3A_6 : vector<1xf32> to vector<1x1x1xf32>
    %reduce_sum3A_8 = vector.extract %reduce_sum3A_7[0, 0, 0] : f32 from vector<1x1x1xf32>
    %div3A = vector.broadcast %reduce_sum3A_8 : f32 to vector<512x1xf32>
    %div3A_9 = arith.divf %get3A_1, %div3A : vector<512x1xf32>
    %swap3A = arith.constant 0 : index
    %swap3A_10 = arith.constant 0 : index
    %swap3A_11 = vector.load %arg2[%swap3A, %swap3A_10] : memref<512x1xf32, #tpu.memory_space<vmem>>, vector<512x1xf32>
    tpu.vector_store %arg2[%swap3A, %swap3A_10], %div3A_9 {strides = array<i32>} : memref<512x1xf32, #tpu.memory_space<vmem>>, vector<512x1xf32>,
    return
  }
}

</mosaic_0001>

<sc_bundles>
// kernel: kernel.7.cloned.1.call-start
scs
__scs_entry_jumppad:
0x0: {  	(pc) =	sbr.rel $0x88, $3  }
0x1: {  	(tag) =	ssettag $0x0;
	lr =	simm.s32 $0x1  }
0x2: {  	[smem:$0x3F98] =	sst lr;
	_ =	strace $0xD0000000  }
0x3: {  	_ = 	snop  }
0x4: {  	_ = 	snop  }
0x5: {  	_ = 	snop  }
0x6: {  	_ = 	snop  }
0x7: {  	_ = 	snop  }
__scs_overlays_trampoline_lowered:
0x8: {  	[smem:$0x3FA7] =	sst s0  }
0x9: {  	[smem:$0x3FA8] =	sst s1  }
0xa: {  	[smem:$0x3FA9] =	sst s2  }
0xb: {  	[smem:$0x3FAA] =	sst s3  }
0xc: {  	[smem:$0x3FAB] =	sst s4  }
0xd: {  	[smem:$0x3FAC] =	sst s5  }
0xe: {  	[smem:$0x3FAD] =	sst s6  }
0xf: {  	[smem:$0x3FAE] =	sst s7  }
0x10: {  	[smem:$0x3FAF] =	sst s8  }
0x11: {  	[smem:$0x3FB0] =	sst s9;
	s0 =	simm.s32 @!p0 $0x0  }
0x12: {  	s1 =	sld [smem:$0x3F96];
	s0 =	simm.s32 @p0 $0x1  }
0x13: {  	[smem:$0x3FB1] =	sst s0;
	s0 =	simm.s32 @!p1 $0x0  }
0x14: {  	s2 =	sld [smem:$0x3F95];
	s0 =	simm.s32 @p1 $0x1  }
0x15: {  	[smem:$0x3FB2] =	sst s0;
	s0 =	simm.s32 @!p2 $0x0  }
0x16: {  	s3 =	sld [smem:$0x3FDB];
	s0 =	simm.s32 @p2 $0x1  }
0x17: {  	s4 =	simm.s32 $0x1BF5;
	[smem:$0x3FB4] =	sst s0  }
0x18: {  	s0 =	sld [smem:$0x3F97];
	_ =	swait.ge [sflag:s4], $0x0  }
0x19: {  	s7 =	sld [smem:$0x3F98]  }
0x1a: {  	s8 =	sadd.s32 $0xFFFFE003, lr  }
0x1b: {  	s9 =	sadd.s32 $0xFFFFFEF7, lr;
	s5 =	simm.s32 $0xFFFFFFFF;
	p2 =	slt.u32 s8, $0xFFFFF086  }
0x1c: {  	p1 =	slt.u32 s9, $0xF7A;
	s5 =	simm.s32 @!p2 $0x0  }
0x1d: {  	s5 =	simm.s32 @p1 $0x1;
	p0 =	seq.s32 s7, s2  }
0x1e: {  	s7 =	smul.u32 @!p0 $0xF7A, s2;
	p2 =	seq.s32 @!p0 s5, $0x0  }
0x1f: {  	s9 =	smul.u32 $0xF7A, s1;
	s8 =	simm.s32 @!p0 $0x1BF5;
	p2 =	por !p2, p0  }
0x20: {  	[sflag:s8] =	ssyncset.s32 @!p0 $0xFFFFF086;
	s6 =	sadd.s32 @!p0 s3, s7;
	s7 =	simm.s32 @!p0 $0x108  }
0x21: {  	s3 =	sadd.s32 s3, s9;
	s6 =	sadd.s32 @!p0 $0x88, s6;
	s7 =	simm.s32 @p2 $0x1082  }
0x22: {  	[simem:s7], [sflag:s8] =	dma.local @!p0 [hbm:s6], $0xF7A  }
0x23: {  	s9 =	sor.u32 $0xD0000000, s2;
	s6 =	simm.s32 $0x108;
	_ =	swait.ge @!p0 [sflag:s8], $0x0  }
0x24: {  	s3 =	sadd.s32 $0x88, s3;
	s6 =	simm.s32 @!p1 $0x1082;
	[sflag:s4] =	ssyncset.s32 $0xFFFFF086  }
0x25: {  	[simem:s6], [sflag:s4] =	dma.local [hbm:s3], $0xF7A  }
0x26: {  	[smem:$0x3F98] =	sst s1;
	(tag) =	ssettag s2;
	_ =	strace s9  }
0x27: {  	s1 =	sld [smem:$0x3FA8]  }
0x28: {  	s2 =	sld [smem:$0x3FA9]  }
0x29: {  	s4 =	sld [smem:$0x3FAB]  }
0x2a: {  	p0 =	seq.s32 s5, $0x0;
	s5 =	sld [smem:$0x3FAC]  }
0x2b: {  	s6 =	sld [smem:$0x3FAD]  }
0x2c: {  	s7 =	sld [smem:$0x3FAE]  }
0x2d: {  	s3 =	simm.s32 $0x108;
	s8 =	sld [smem:$0x3FAF]  }
0x2e: {  	s3 =	simm.s32 @!p0 $0x1082;
	s9 =	sld [smem:$0x3FB0]  }
0x2f: {  	lr =	sadd.s32 s0, s3;
	s0 =	sld [smem:$0x3FA7]  }
0x30: {  	s3 =	sld [smem:$0x3FAA]  }
0x31: {  	[smem:$0x3FB3] =	sst s10  }
0x32: {  	s10 =	sld [smem:$0x3FB1];
	_ =	sdelay $0x3  }
0x33: {  	p0 =	seq.s32 s10, $0x1;
	s10 =	sld [smem:$0x3FB3];
	_ =	sdelay $0x3  }
0x34: {  	[smem:$0x3FB3] =	sst s10  }
0x35: {  	s10 =	sld [smem:$0x3FB2];
	_ =	sdelay $0x3  }
0x36: {  	p1 =	seq.s32 s10, $0x1;
	s10 =	sld [smem:$0x3FB3];
	_ =	sdelay $0x3  }
0x37: {  	[smem:$0x3FB3] =	sst s10  }
0x38: {  	s10 =	sld [smem:$0x3FB4]  }
0x39: {  	_ = 	snop;
	(pc) =	sbr.ind lr, $3  }
0x3a: {  	_ = 	snop  }
0x3b: {  	_ = 	snop  }
0x3c: {  	p2 =	seq.s32 s10, $0x1;
	s10 =	sld [smem:$0x3FB3]  }
0x3d: {  	_ =	shalt  }
0x3e: {  	_ =	shalt  }
0x3f: {  	_ =	shalt  }
0x40: {  	_ =	shalt  }
0x41: {  	_ =	shalt  }
0x42: {  	_ =	shalt  }
0x43: {  	_ =	shalt  }
0x44: {  	_ =	shalt  }
0x45: {  	_ =	shalt  }
0x46: {  	_ =	shalt  }
0x47: {  	_ =	shalt  }
0x48: {  	_ =	shalt  }
0x49: {  	_ =	shalt  }
0x4a: {  	_ =	shalt  }
0x4b: {  	_ =	shalt  }
0x4c: {  	_ =	shalt  }
0x4d: {  	_ =	shalt  }
0x4e: {  	_ =	shalt  }
0x4f: {  	_ =	shalt  }
0x50: {  	_ =	shalt  }
0x51: {  	_ =	shalt  }
0x52: {  	_ =	shalt  }
0x53: {  	_ =	shalt  }
0x54: {  	_ =	shalt  }
0x55: {  	_ =	shalt  }
0x56: {  	_ =	shalt  }
0x57: {  	_ =	shalt  }
0x58: {  	_ =	shalt  }
0x59: {  	_ =	shalt  }
0x5a: {  	_ =	shalt  }
0x5b: {  	_ =	shalt  }
0x5c: {  	_ =	shalt  }
0x5d: {  	_ =	shalt  }
0x5e: {  	_ =	shalt  }
0x5f: {  	_ =	shalt  }
0x60: {  	_ =	shalt  }
0x61: {  	_ =	shalt  }
0x62: {  	_ =	shalt  }
0x63: {  	_ =	shalt  }
0x64: {  	_ =	shalt  }
0x65: {  	_ =	shalt  }
0x66: {  	_ =	shalt  }
0x67: {  	_ =	shalt  }
0x68: {  	_ =	shalt  }
0x69: {  	_ =	shalt  }
0x6a: {  	_ =	shalt  }
0x6b: {  	_ =	shalt  }
0x6c: {  	_ =	shalt  }
0x6d: {  	_ =	shalt  }
0x6e: {  	_ =	shalt  }
0x6f: {  	_ =	shalt  }
0x70: {  	_ =	shalt  }
0x71: {  	_ =	shalt  }
0x72: {  	_ =	shalt  }
0x73: {  	_ =	shalt  }
0x74: {  	_ =	shalt  }
0x75: {  	_ =	shalt  }
0x76: {  	_ =	shalt  }
0x77: {  	_ =	shalt  }
0x78: {  	_ =	shalt  }
0x79: {  	_ =	shalt  }
0x7a: {  	_ =	shalt  }
0x7b: {  	_ =	shalt  }
0x7c: {  	_ =	shalt  }
0x7d: {  	_ =	shalt  }
0x7e: {  	_ =	shalt  }
0x7f: {  	_ =	shalt  }
0x80: {  	_ =	shalt  }
0x81: {  	_ =	shalt  }
0x82: {  	_ =	shalt  }
0x83: {  	_ =	shalt  }
0x84: {  	_ =	shalt  }
0x85: {  	_ =	shalt  }
0x86: {  	_ =	shalt  }
0x87: {  	_ =	shalt  }
.Lfunc_end0:
.L_simem_size_0:
called_computation_lowered:
.L_overlay_start_0:
0x88: {  	s2 =	sld [smem:$0x3FD9]  }
0x89: {  	s3 =	sld [smem:$0x3FFE];
	_ =	sdelay $0x1  }
0x8a: {  	s1 =	srdreg.scid  }
0x8b: {  	s0 =	sand.u32 $0x1, s1  }
0x8c: {  	s14 =	sshll.u32 s0, $0xA;
	s2 =	sadd.s32 s3, s2  }
0x8d: {  	s2 =	sadd.s32 s2, s14  }
0x8e: {  	[smem:$0x3FBF] =	sst s2  }
0x8f: {  	_ = 	snop  }
0x90: {  	s2 =	sld [smem:$0x3FD0];
	_ =	sdelay $0x2  }
0x91: {  	s15 =	simm.s32 $0xA;
	s4 =	simm.s32 $0x10  }
0x92: {  	[smem:s4], [sflag:s15] =	dma.local [hbm:s2], $0x1  }
0x93: {  	_ =	swait.eq [sflag:s15], $0x1  }
0x94: {  	[sflag:s15] =	ssyncset.done $0x0  }
0x95: {  	[sflag:s15] =	ssyncadd.s32 $0xFFFFFFFF  }
0x96: {  	s16 =	sld [smem:$0x11];
	(tm) =	ssettm $0x1  }
0x97: {  	s17 =	sld [smem:$0x3FFB];
	_ =	sdelay $0x3  }
0x98: {  	_ =	strace s17  }
0x99: {  	s3 =	sld [smem:$0x3FFC];
	_ =	sdelay $0x3  }
0x9a: {  	_ =	strace s3  }
0x9b: {  	s3 =	sld [smem:$0x3FFD];
	_ =	sdelay $0x3  }
0x9c: {  	_ =	strace s3  }
0x9d: {  	_ =	strace $0x8FFFFFFF  }
0x9e: {  	s18 =	sld [smem:$0x3FDB];
	_ =	sdelay $0x1  }
0x9f: {  	s19 =	simm.s32 $_scs_section_size  }
0xa0: {  	s5 =	simm.s32 $_size__tile_overlayer_lowered;
	s6 =	simm.s32 $_tile_overlayer_lowered  }
0xa1: {  	s22 =	simm.s32 $0x1BFF;
	s21 =	sshll.u32 s6, $0x1;
	s3 =	sadd.s32 s19, s18  }
0xa2: {  	s7 =	simm.s32 $0x0;
	s20 =	sshll.u32 s5, $0x1;
	s5 =	sadd.s32 s21, s3  }
0xa3: {  	[timem:s7], [sflag:s22] =	dma.local [hbm:s5], s20  }
0xa4: {  	_ =	swait.ge [sflag:s22], s20  }
0xa5: {  	s4 =	ssub.s32 $0x0, s20;
	[sflag:s22] =	ssyncset.done $0x0  }
0xa6: {  	[sflag:s22] =	ssyncadd.s32 s4;
	_ =	sdelay $0x1  }
0xa7: {  	s23 =	simm.s32 $0x1B8B  }
0xa8: {  	_ =	swait.ge [sflag:s23], $0x1  }
0xa9: {  	[sflag:s23] =	ssyncset.done $0x0  }
0xaa: {  	s25 =	simm.s32 $0x1B8E;
	s24 =	sld [smem:$0x3FFE];
	[sflag:s23] =	ssyncadd.s32 $0xFFFFFFFF  }
0xab: {  	s26 =	simm.s32 $execute0_lowered;
	[smem:$0x3FD2] =	sst s25  }
0xac: {  	s5 =	sshll.u32 s26, $0x1;
	_ =	strace $0x80000046;
	[dreg:$0x1] =	wrdreg $0xFFFFFFFF  }
0xad: {  	s28 =	simm.s32 $_size_execute0_lowered;
	s3 =	sadd.s32 s3, s5;
	[dreg:$0x0] =	wrdreg $0x0  }
0xae: {  	s5 =	sshll.u32 s28, $0x1;
	[dreg:$0x2] =	wrdreg s3  }
0xaf: {  	[dreg:$0x3] =	wrdreg s5  }
0xb0: {  	[dreg:$0x4] =	wrdreg $0xC0  }
0xb1: {  	_ =	task [dreg:s7], $0x5FFFF  }
0xb2: {  	[dreg:$0x1] =	wrdreg $0xFFFFFFFF  }
0xb3: {  	[dreg:$0x0] =	wrdreg $0x60  }
0xb4: {  	[dreg:$0x2] =	wrdreg s24  }
0xb5: {  	[dreg:$0x3] =	wrdreg s16  }
0xb6: {  	[dreg:$0x4] =	wrdreg $0x9  }
0xb7: {  	_ =	task.clear_ibuf [dreg:s7], $0x5FFFF;
	_ =	strace $0x90000046  }
0xb8: {  	s29 =	simm.s32 $0x9;
	_ =	strace $0x80000048  }
0xb9: {  	_ =	swait.ge [sflag:s29], $0x1  }
0xba: {  	[sflag:s29] =	ssyncadd.s32 $0xFFFFFFFF  }
0xbb: {  	_ =	strace $0x90000048  }
0xbc: {  	_ =	sfence  }
0xbd: {  	s30 =	sld [smem:$0x0];
	_ =	sdelay $0x2  }
0xbe: {  	s31 =	sshll.u32 s1, $0xD;
	s1 =	sshrl.u32 s1, $0x2  }
0xbf: {  	s3 =	sand.u32 $0x4000, s31;
	s1 =	sadd.s32 s1, s30  }
0xc0: {  	s0 =	sor.u32 s3, s0;
	s1 =	sshll.u32 s1, $0x11  }
0xc1: {  	s0 =	sor.u32 s1, s0  }
0xc2: {  	s0 =	sadd.s32 $0x8F2B, s0  }
0xc3: {  	[sflag:s0] =	ssyncadd.remote.s32 $0x1  }
0xc4: {  	_ =	sfence.sel $0xFFFF  }
0xc5: {  	[dreg:$0x0] =	wrdreg $0xFFFFFFFF;
	(pc) =	sbr.abs _section_cstart, $3  }
0xc6: {  	[dreg:$0x1] =	wrdreg $0xFFFFFFFF  }
0xc7: {  	_ =	task.clear_ibuf [dreg:s7], $0x2FFFF;
	_ =	strace $0x9FFFFFFF  }
0xc8: {  	(tm) =	ssettm $0x7FFFFFFF  }
0xc9: {  	_ =	shalt  }
tec
execute0_lowered:
.L_overlay_start_1:
0x0: {  	(tag) =	ssettag $0x1  }
0x1: {  	s6 =	rddreg [dreg:$0x0]  }
0x2: {  	s7 =	rddreg [dreg:$0x1];
	v0 =	vimm.s32 $0x76543210;
	v1 =	vimm.s32 $0xFEDCBA98  }
0x3: {  	s0 =	rddreg [dreg:$0x2];
	s1 =	simm.s32 $0x0;
	v2 =	vimm.s32 $0xBA98FEDC;
	s3 =	srdreg.scid;
	v3 =	vimm.s32 $0x32107654;
	v4 =	vimm.s32 $0xDCFE98BA  }
0x4: {  	s2 =	stileid.u32;
	v5 =	vimm.s32 $0x54761032;
	v6 =	vimm.s32 $0xEFCDAB89;
	v7 =	vimm.s32 $0x67452301;
	s13 =	simm.s32 $0x40;
	s14 =	simm.s32 $0x1  }
0x5: {  	s15 =	simm.s32 $0x2;
	s16 =	simm.s32 $0x19600;
	s17 =	simm.s32 $0x19700;
	v0 =	vunpack.c.l.s4.s8 v0;
	v1 =	vunpack.c.l.s4.s8 v1;
	v2 =	vunpack.c.l.s4.s8 v2  }
0x6: {  	s18 =	simm.s32 $0x19800;
	s19 =	simm.s32 $0x19880;
	s20 =	simm.s32 $0x0;
	v3 =	vunpack.c.l.s4.s8 v3;
	v4 =	vunpack.c.l.s4.s8 v4;
	v5 =	vunpack.c.l.s4.s8 v5  }
0x7: {  	[smem:$0x7FF] =	sst s1;
	s4 =	sand.u32 $0x1, s3;
	s5 =	sshll.u32 s2, $0x1;
	v6 =	vunpack.c.l.s4.s8 v6;
	v7 =	vunpack.c.l.s4.s8 v7;
	v2 =	vunpack.c.0.s8.s32 v2  }
0x8: {  	s3 =	sadd.s32 $0x4B3800, s6;
	_ =	strace $0x80000047;
	s8 =	sor.u32 s4, s5;
	v3 =	vunpack.c.0.s8.s32 v3;
	v4 =	vunpack.c.0.s8.s32 v4;
	v5 =	vunpack.c.0.s8.s32 v5  }
.Ltmp0:
0x9: {  	s9 =	ssub.s32 $0x2, s4;
	s4 =	sadd.s32 $0x3200, s6;
	v8 =	vunpack.c.0.s8.s32 v1;
	v6 =	vunpack.c.0.s8.s32 v6;
	v7 =	vunpack.c.0.s8.s32 v7;
	(pc) =	sbr.rel .LBB2_1-.Ltmp0, $4  }
0xa: {  	s5 =	sadd.s32 $0x1800, s6;
	s10 =	sshll.u32 s8, $0x1;
	s11 =	sshrl.u32 s9, $0x1;
	v9 =	vunpack.c.0.s8.s32 v0;
	v0 =	vcombine.low v3, v2  }
0xb: {  	s12 =	sadd.s32 s10, s6;
	s9 =	ssub.s32 s9, s11;
	s6 =	sshll.u32 s8, $0x4;
	v1 =	vcombine.low v5, v4;
	v3 =	vand.u32 $0xF, v8;
	v2 =	vcombine.low v7, v6  }
0xc: {  	s7 =	sadd.s32 s7, s10;
	s10 =	simm.s32 $0x3;
	s11 =	simm.s32 $0x400;
	v7 =	vimm.s32 $0x0;
	v8 =	vlaneseq.u32;
	v3 =	vcombine.low v3, v9  }
0xd: {  	s8 =	sadd.s32 $0x9600, s12;
	s9 =	smax.u32 s9, $0x1;
	s12 =	simm.s32 $0x200;
	v4 =	vand.u32 $0xF, v0;
	v5 =	vand.u32 $0xF, v1;
	v6 =	vand.u32 $0xF, v2  }
.LBB2_69:
0xe: {  	[tilespmem:$0x19800] =	vst v10  }
0xf: {  	[tilespmem:$0x19880] =	vst v9  }
0x10: {  	[hbm4b:s7+s1] =	stream.linear.scatter [tilespmem:s18], [sflag:$0x3], $0x10, $0x38;
	[tilespmem:$0x19900] =	vst v63  }
0x11: {  	s20 =	sadd.s32 $0x1, s20;
	_ =	swait.ge [sflag:s10], $0x10  }
0x12: {  	p0 =	sne.s32 s20, s9;
	[sflag:s10] =	ssyncset.done $0x0  }
.Ltmp1:
0x13: {  	[sflag:s10] =	ssyncadd.s32 $0xFFFFFFF0;
	(pc) =	sbr.rel @!p0 .LBB2_70-.Ltmp1, $4  }
0x14: {  	[hbm4b:s8+s1] =	stream.linear.scatter [tilespmem:s19], [sflag:$0x3], $0x10, $0x38;
	[tilespmem:$0x19900] =	vst v63  }
0x15: {  	_ =	swait.ge [sflag:s10], $0x10  }
0x16: {  	[sflag:s10] =	ssyncset.done $0x0  }
0x17: {  	[sflag:s10] =	ssyncadd.s32 $0xFFFFFFF0  }
.LBB2_1:
.Ltmp2:
0x18: {  	(pc) =	sbr.rel .LBB2_2-.Ltmp2, $2  }
0x19: {  	_ =	sdelay $0x2  }
0x1a: {  	v9 =	vimm.f32 $0.0e+00;
	v10 =	vimm.f32 $0.0e+00;
	s21 =	simm.s32 $0x0  }
.LBB2_67:
0x1b: {  	v11 =	vimm.f32 $0.0e+00;
	v12 =	vimm.f32 $0.0e+00  }
.LBB2_68:
0x1c: {  	v13 =	vperm.xlane v11, v3  }
0x1d: {  	v14 =	vperm.xlane v12, v3  }
0x1e: {  	v11 =	vadd.f32 v13, v11  }
0x1f: {  	v12 =	vadd.f32 v14, v12  }
0x20: {  	v13 =	vperm.xlane v11, v4  }
0x21: {  	v14 =	vperm.xlane v12, v4  }
0x22: {  	v11 =	vadd.f32 v13, v11  }
0x23: {  	v12 =	vadd.f32 v14, v12  }
0x24: {  	v13 =	vperm.xlane v11, v5  }
0x25: {  	v14 =	vperm.xlane v12, v5  }
0x26: {  	v11 =	vadd.f32 v13, v11  }
0x27: {  	v12 =	vadd.f32 v14, v12  }
0x28: {  	v63 =	vmov s21;
	s21 =	sadd.s32 $0x1, s21;
	v13 =	vperm.xlane v11, v6  }
0x29: {  	p0 =	sne.s32 s21, $0x10;
	v14 =	vperm.xlane v12, v6  }
.Ltmp3:
0x2a: {  	v11 =	vadd.f32 v13, v11;
	(pc) =	sbr.rel @!p0 .LBB2_69-.Ltmp3, $4  }
0x2b: {  	vm0 =	veq.s32 v63, v8;
	v12 =	vadd.f32 v14, v12  }
0x2c: {  	v11 =	vnsel vm0, $0x0, v11  }
0x2d: {  	v12 =	vnsel vm0, $0x0, v12;
	v10 =	vadd.f32 v11, v10  }
0x2e: {  	v9 =	vadd.f32 v12, v9  }
.LBB2_2:
0x2f: {  	s22 =	sadd.s32 s6, s21  }
0x30: {  	s22 =	smul.u32 $0x190, s22;
	_ =	sdelay $0x1  }
0x31: {  	s23 =	sshrl.u32 s22, $0x3  }
0x32: {  	s24 =	sadd.s32 s4, s23;
	s23 =	simm.s32 $0x0  }
0x33: {  	[tilespmem:s23], [sflag:$0x3] =	stream.linear.gather [hbm4b:s24+s23], $0x190, $0x38;
	[tilespmem:$0x19900] =	vst v63  }
0x34: {  	_ =	swait.ge [sflag:s10], $0x190  }
0x35: {  	[sflag:s10] =	ssyncset.done $0x0  }
0x36: {  	[sflag:s10] =	ssyncadd.s32 $0xFFFFFE70  }
0x37: {  	v11 =	vld [tilespmem:$0x0]  }
0x38: {  	v12 =	vld [tilespmem:$0x10]  }
0x39: {  	v13 =	vld [tilespmem:$0x20]  }
0x3a: {  	v14 =	vld [tilespmem:$0x30]  }
0x3b: {  	v15 =	vld [tilespmem:$0x40]  }
0x3c: {  	v16 =	vld [tilespmem:$0x50]  }
0x3d: {  	v18 =	vld [tilespmem:$0x60];
	v17 =	vmin.f32 v11, v12  }
0x3e: {  	v19 =	vld [tilespmem:$0x70];
	v11 =	vmax.f32 v11, $0.0e+00;
	v17 =	vmin.f32 v17, v13  }
0x3f: {  	v55 =	vld [tilespmem:$0x80];
	v11 =	vmax.f32 v11, v12;
	v12 =	vmin.f32 v17, v14  }
0x40: {  	v11 =	vmax.f32 v11, v13;
	v13 =	vld [tilespmem:$0x90];
	v12 =	vmin.f32 v12, v15  }
0x41: {  	v11 =	vmax.f32 v11, v14;
	v14 =	vld [tilespmem:$0xA0];
	v12 =	vmin.f32 v12, v16  }
0x42: {  	v11 =	vmax.f32 v11, v15;
	v15 =	vld [tilespmem:$0xB0];
	v12 =	vmin.f32 v12, v18  }
0x43: {  	v56 =	vld [tilespmem:$0xC0];
	v11 =	vmax.f32 v11, v16;
	v12 =	vmin.f32 v12, v19  }
0x44: {  	v57 =	vld [tilespmem:$0xD0];
	v11 =	vmax.f32 v11, v18;
	v12 =	vmin.f32 v12, v55  }
0x45: {  	v58 =	vld [tilespmem:$0xE0];
	v11 =	vmax.f32 v11, v19;
	v12 =	vmin.f32 v12, v13  }
0x46: {  	v59 =	vld [tilespmem:$0xF0];
	v11 =	vmax.f32 v11, v55;
	v12 =	vmin.f32 v12, v14  }
0x47: {  	v11 =	vmax.f32 v11, v13;
	v13 =	vld [tilespmem:$0x100];
	v12 =	vmin.f32 v12, v15  }
0x48: {  	v11 =	vmax.f32 v11, v14;
	v14 =	vld [tilespmem:$0x110];
	v12 =	vmin.f32 v12, v56  }
0x49: {  	v11 =	vmax.f32 v11, v15;
	v15 =	vld [tilespmem:$0x120];
	v12 =	vmin.f32 v12, v57  }
0x4a: {  	v60 =	vld [tilespmem:$0x130];
	v11 =	vmax.f32 v11, v56;
	v12 =	vmin.f32 v12, v58  }
0x4b: {  	v61 =	vld [tilespmem:$0x140];
	v11 =	vmax.f32 v11, v57;
	v12 =	vmin.f32 v12, v59  }
0x4c: {  	v62 =	vld [tilespmem:$0x150];
	v11 =	vmax.f32 v11, v58;
	v12 =	vmin.f32 v12, v13  }
0x4d: {  	v63 =	vld [tilespmem:$0x160];
	v11 =	vmax.f32 v11, v59;
	v12 =	vmin.f32 v12, v14  }
0x4e: {  	v11 =	vmax.f32 v11, v13;
	v13 =	vld [tilespmem:$0x170];
	v12 =	vmin.f32 v12, v15  }
0x4f: {  	v11 =	vmax.f32 v11, v14;
	v14 =	vld [tilespmem:$0x180];
	v12 =	vmin.f32 v12, v60  }
0x50: {  	v11 =	vmax.f32 v11, v15;
	v12 =	vmin.f32 v12, v61  }
0x51: {  	v11 =	vmax.f32 v11, v60;
	v12 =	vmin.f32 v12, v62  }
0x52: {  	v11 =	vmax.f32 v11, v61;
	v12 =	vmin.f32 v12, v63  }
0x53: {  	v11 =	vmax.f32 v11, v62;
	v12 =	vmin.f32 v12, v13  }
0x54: {  	v11 =	vmax.f32 v11, v63;
	v12 =	vmin.f32 v12, v14  }
0x55: {  	v11 =	vmax.f32 v11, v13;
	v13 =	vperm.xlane v12, v3  }
0x56: {  	v14 =	vperm.xlane v11, v3  }
0x57: {  	v12 =	vmin.f32 v12, v13  }
0x58: {  	v11 =	vmax.f32 v11, v14;
	v13 =	vperm.xlane v12, v4  }
0x59: {  	v14 =	vperm.xlane v11, v4  }
0x5a: {  	v12 =	vmin.f32 v12, v13  }
0x5b: {  	v11 =	vmax.f32 v11, v14;
	v13 =	vperm.xlane v12, v5  }
0x5c: {  	v14 =	vperm.xlane v11, v5  }
0x5d: {  	v12 =	vmin.f32 v12, v13  }
0x5e: {  	v11 =	vmax.f32 v11, v14;
	v13 =	vperm.xlane v12, v6  }
0x5f: {  	v14 =	vperm.xlane v11, v6  }
0x60: {  	v13 =	vmin.f32 v12, v13  }
0x61: {  	v11 =	vmax.f32 v11, v14;
	v12 =	vmov v13  }
.LBB2_3:
0x62: {  	v14 =	vsub.s32 v11, v12;
	s25 =	simm.s32 $0x0  }
0x63: {  	v14 =	vshra.s32 v14, $0x1;
	v16 =	vld [tilespmem:s25+$0x0]  }
0x64: {  	v15 =	vimm.s32 $0x0;
	s24 =	simm.s32 $0x40;
	v14 =	vadd.s32 v12, v14  }
.LBB2_4:
0x65: {  	p0 =	sne.s32 s24, $0x600  }
.Ltmp4:
0x66: {  	_ = 	snop;
	(pc) =	sbr.rel @p0 .LBB2_4-.Ltmp4, $4  }
0x67: {  	_ = 	snop  }
0x68: {  	s25 =	sshra.s32 s24, $0x2;
	s24 =	sadd.s32 $0x40, s24;
	vm0 =	vle.f32 v16, v14  }
0x69: {  	v16 =	vld [tilespmem:s25+$0x0];
	v17 =	vsel vm0, $0x1, v7  }
0x6a: {  	v15 =	vadd.s32 v17, v15  }
0x6b: {  	_ =	sdelay $0x2  }
0x6c: {  	vm0 =	vle.f32 v16, v14  }
0x6d: {  	v16 =	vsel vm0, $0x1, v7  }
0x6e: {  	v15 =	vadd.s32 v16, v15  }
0x6f: {  	v16 =	vperm.xlane v15, v3;
	_ =	sdelay $0x1  }
0x70: {  	v15 =	vadd.s32 v15, v16  }
0x71: {  	v16 =	vperm.xlane v15, v0;
	_ =	sdelay $0x1  }
0x72: {  	v15 =	vadd.s32 v16, v15  }
0x73: {  	v16 =	vperm.xlane v15, v1  }
0x74: {  	s23 =	sadd.s32 $0x1, s23  }
0x75: {  	p0 =	seq.s32 s23, $0x8;
	v15 =	vadd.s32 v16, v15  }
.Ltmp5:
0x76: {  	v16 =	vperm.xlane v15, v2;
	(pc) =	sbr.rel @!p0 .LBB2_3-.Ltmp5, $4  }
0x77: {  	_ = 	snop  }
0x78: {  	v15 =	vadd.s32 v16, v15  }
0x79: {  	vm15 =	vgt.s32 v15, $0x31;
	v15 =	vadd.s32 $0x1, v14  }
0x7a: {  	v12 =	vsel vm15, v12, v15;
	v11 =	vsel vm15, v14, v11  }
0x7b: {  	s23 =	simm.s32 $0x40;
	s24 =	simm.s32 $0x0  }
.LBB2_7:
0x7c: {  	p0 =	seq.s32 s23, $0x600;
	[tilespmem:s24+$0x200] =	vst v7;
	s25 =	smov.u32 s23;
	s23 =	sadd.s32 $0x40, s23  }
.Ltmp6:
0x7d: {  	[tilespmem:s24+$0x400] =	vst v7;
	(pc) =	sbr.rel @!p0 .LBB2_7-.Ltmp6, $2  }
0x7e: {  	_ =	sdelay $0x2  }
0x7f: {  	s24 =	sshra.s32 s25, $0x2  }
0x80: {  	[tilespmem:s24+$0x200] =	vst v7  }
0x81: {  	[tilespmem:s24+$0x400] =	vst v7;
	s23 =	simm.s32 $0x0  }
0x82: {  	v16 =	vld [tilespmem:s23+$0x0]  }
0x83: {  	v12 =	vmov s22;
	v14 =	vimm.s32 $0x0;
	s22 =	simm.s32 $0x10;
	v15 =	vimm.s32 $0x0;
	s24 =	simm.s32 $0x0  }
.LBB2_9:
0x84: {  	p0 =	sne.s32 s22, $0x180;
	_ =	sdelay $0x2  }
0x85: {  	vm0 =	vle.f32 v16, v11  }
0x86: {  	v16 =	vsel vm0, $0x1, v7;
	v17 =	vmpcnt.ones.xlane vm0  }
0x87: {  	(xrf0) =	vadd.scan.msk.s32 $0xffff, v16  }
0x88: {  	v14 =	vadd.s32 v14, v17;
	_ =	sdelay $0x4  }
0x89: {  	v16, _, _ =	vpop (xrf0)  }
0x8a: {  	v16 =	vadd.s32 v16, v15;
	v15 =	vmov v14  }
0x8b: {  	v16 =	vadd.s32 $0xFFFFFFFF, v16  }
0x8c: {  	vm1 =	vgt.s32 v16, $0x0  }
0x8d: {  	v16 =	vnsel vm1, $0x0, v16;
	_ =	sdelay $0x3  }
.Ltmp7:
0x8e: {  	v17 =	vor.u32 s23, v8;
	s23 =	smov.u32 s22;
	(pc) =	sbr.rel @p0 .LBB2_9-.Ltmp7, $4  }
0x8f: {  	[tilespmem:v16+s11+$0x0] =	vst.idx.msk vm0, v17;
	v17 =	vadd.s32 v12, v17  }
0x90: {  	s24 =	sadd.s32 $0x10, s24;
	[tilespmem:v16+s12+$0x0] =	vst.idx.msk vm0, v17  }
0x91: {  	v16 =	vld [tilespmem:s24+$0x0]  }
0x92: {  	s22 =	sadd.s32 $0x10, s22  }
0x93: {  	_ =	sdelay $0x2  }
0x94: {  	vm0 =	vle.f32 v16, v11  }
0x95: {  	v16 =	vmpcnt.ones.xlane vm0;
	_ =	sdelay $0x1  }
0x96: {  	v14 =	vadd.s32 v14, v16  }
0x97: {  	(v2sf) =	vpush v14, $0x0;
	_ =	sdelay $0x4  }
0x98: {  	v62 =	vsel vm0, $0x1, v7  }
0x99: {  	(xrf0) =	vadd.scan.msk.s32 $0xffff, v62;
	_ =	sdelay $0x5  }
0x9a: {  	v16, _, _ =	vpop (xrf0)  }
0x9b: {  	v15 =	vadd.s32 v16, v15  }
0x9c: {  	v15 =	vadd.s32 $0xFFFFFFFF, v15  }
0x9d: {  	vm1 =	vgt.s32 v15, $0x0;
	s22 =	spop (v2sf)  }
0x9e: {  	v63 =	vor.u32 s23, v8;
	v15 =	vnsel vm1, $0x0, v15;
	s23 =	sadd.s32 $0x3F, s22  }
0x9f: {  	p0 =	sgt.s32 s23, $0x3F  }
.Ltmp8:
0xa0: {  	_ = 	snop;
	(pc) =	sbr.rel @!p0 .LBB2_16-.Ltmp8, $3  }
0xa1: {  	_ =	sdelay $0x1  }
0xa2: {  	v12 =	vadd.s32 v12, v63;
	[tilespmem:v15+s11+$0x0] =	vst.idx.msk vm0, v63  }
0xa3: {  	[tilespmem:v15+s12+$0x0] =	vst.idx.msk vm0, v12  }
0xa4: {  	s24 =	sshra.s32 s23, $0x1F  }
0xa5: {  	s24 =	sshrl.u32 s24, $0x1A  }
0xa6: {  	s31 =	sadd.s32 s24, s23  }
0xa7: {  	s28 =	simm.s32 $0x200;
	s24 =	simm.s32 $0x600;
	s25 =	sshra.s32 s31, $0x6  }
0xa8: {  	[tilespmem:s24], [sflag:$0x1] =	stream.indirect.gather [hbm4b:s3+s13], $0x80, s28, s13, $0xb8;
	[tilespmem:$0x19900] =	vst v63  }
0xa9: {  	s26 =	simm.s32 $0x400;
	s23 =	simm.s32 $0xCE00;
	p0 =	sne.s32 s25, $0x1  }
0xaa: {  	[tilespmem:s23], [sflag:$0x2] =	stream.indirect.gather [hbm4b:s5+s13], $0x80, s26, s13, $0xb8;
	[tilespmem:$0x19900] =	vst v63  }
.Ltmp9:
0xab: {  	_ =	swait.ge [sflag:s14], $0x2000;
	(pc) =	sbr.rel @!p0 .LBB2_13-.Ltmp9, $4  }
0xac: {  	[sflag:s14] =	ssyncset.done $0x0  }
0xad: {  	[sflag:s14] =	ssyncadd.s32 $0xFFFFE000  }
0xae: {  	s28 =	simm.s32 $0x440;
	_ =	swait.ge [sflag:s15], $0x2000  }
0xaf: {  	s25 =	sadd.s32 $0xFFFFFFFF, s25;
	s26 =	simm.s32 $0x240;
	[sflag:s15] =	ssyncset.done $0x0  }
.LBB2_12:
0xb0: {  	[sflag:s15] =	ssyncadd.s32 $0xFFFFE000;
	s23 =	sadd.s32 $0x2000, s23;
	s24 =	sadd.s32 $0x2000, s24  }
0xb1: {  	[tilespmem:s24], [sflag:$0x1] =	stream.indirect.gather [hbm4b:s3+s13], $0x80, s26, s13, $0xb8;
	[tilespmem:$0x19900] =	vst v63  }
0xb2: {  	p0 =	sne.s32 s25, $0x1;
	s25 =	sadd.s32 $0xFFFFFFFF, s25  }
0xb3: {  	[tilespmem:s23], [sflag:$0x2] =	stream.indirect.gather [hbm4b:s5+s13], $0x80, s28, s13, $0xb8;
	[tilespmem:$0x19900] =	vst v63  }
.Ltmp10:
0xb4: {  	_ =	swait.ge [sflag:s14], $0x2000;
	(pc) =	sbr.rel @p0 .LBB2_12-.Ltmp10, $4  }
0xb5: {  	[sflag:s14] =	ssyncset.done $0x0  }
0xb6: {  	[sflag:s14] =	ssyncadd.s32 $0xFFFFE000  }
0xb7: {  	_ =	swait.ge [sflag:s15], $0x2000  }
0xb8: {  	s26 =	sadd.s32 $0x40, s26;
	s28 =	sadd.s32 $0x40, s28;
	[sflag:s15] =	ssyncset.done $0x0  }
.LBB2_13:
.Ltmp11:
0xb9: {  	(pc) =	sbr.rel .LBB2_14-.Ltmp11, $2  }
0xba: {  	_ =	sdelay $0x2  }
0xbb: {  	[sflag:s15] =	ssyncadd.s32 $0xFFFFE000  }
.LBB2_16:
0xbc: {  	p0 =	sgt.s32 s22, $0x0  }
.Ltmp12:
0xbd: {  	_ = 	snop;
	(pc) =	sbr.rel @!p0 .LBB2_17-.Ltmp12, $1  }
0xbe: {  	_ =	sdelay $0x3  }
.LBB2_14:
0xbf: {  	v12 =	vimm.s32 $0x0;
	s23 =	simm.s32 $0x640;
	s24 =	simm.s32 $0xCE40;
	s25 =	smov.u32 s22  }
.LBB2_15:
0xc0: {  	v15 =	vld [tilespmem:s23+$0xFFFFFFC0];
	_ =	sdelay $0x4  }
0xc1: {  	vm0 =	vle.f32 v15, v11  }
0xc2: {  	v16 =	vsel vm0, $0x1, v7  }
0xc3: {  	(xrf0) =	vadd.scan.msk.s32 $0xffff, v16;
	_ =	sdelay $0x5  }
0xc4: {  	v16, _, _ =	vpop (xrf0)  }
0xc5: {  	v16 =	vadd.s32 v16, v12  }
0xc6: {  	v16 =	vadd.s32 $0xFFFFFFFF, v16  }
0xc7: {  	vm1 =	vlt.s32 v16, $0x100;
	vm2 =	vgt.s32 v16, $0x0  }
0xc8: {  	vm1 =	vmand vm0, vm1;
	v16 =	vnsel vm2, $0x0, v16  }
0xc9: {  	v16 =	vmin.u32 v16, $0xFF  }
0xca: {  	v17 =	vld [tilespmem:s24+$0xFFFFFFC0];
	_ =	sdelay $0x3  }
0xcb: {  	[tilespmem:v16+s16+$0x0] =	vst.idx.msk vm1, v15  }
0xcc: {  	[tilespmem:v16+s17+$0x0] =	vst.idx.msk vm1, v17  }
0xcd: {  	v15 =	vld [tilespmem:s23+$0xFFFFFFD0];
	_ =	sdelay $0x4  }
0xce: {  	vm7 =	vle.f32 v15, v11  }
0xcf: {  	v43 =	vsel vm7, $0x1, v7  }
0xd0: {  	(xrf0) =	vadd.scan.msk.s32 $0xffff, v43;
	_ =	sdelay $0x3  }
0xd1: {  	v44 =	vmpcnt.ones.xlane vm0;
	_ =	sdelay $0x1  }
0xd2: {  	v12 =	vadd.s32 v12, v44;
	v45, _, _ =	vpop (xrf0)  }
0xd3: {  	v16 =	vadd.s32 v45, v12  }
0xd4: {  	v16 =	vadd.s32 $0xFFFFFFFF, v16  }
0xd5: {  	vm8 =	vlt.s32 v16, $0x100;
	vm9 =	vgt.s32 v16, $0x0  }
0xd6: {  	vm0 =	vmand vm7, vm8;
	v16 =	vnsel vm9, $0x0, v16  }
0xd7: {  	v16 =	vmin.u32 v16, $0xFF  }
0xd8: {  	v17 =	vld [tilespmem:s24+$0xFFFFFFD0];
	_ =	sdelay $0x3  }
0xd9: {  	[tilespmem:v16+s16+$0x0] =	vst.idx.msk vm0, v15  }
0xda: {  	[tilespmem:v16+s17+$0x0] =	vst.idx.msk vm0, v17  }
0xdb: {  	v15 =	vld [tilespmem:s23+$0xFFFFFFE0];
	_ =	sdelay $0x4  }
0xdc: {  	vm10 =	vle.f32 v15, v11  }
0xdd: {  	v46 =	vsel vm10, $0x1, v7  }
0xde: {  	(xrf0) =	vadd.scan.msk.s32 $0xffff, v46;
	_ =	sdelay $0x3  }
0xdf: {  	v47 =	vmpcnt.ones.xlane vm7;
	_ =	sdelay $0x1  }
0xe0: {  	v12 =	vadd.s32 v12, v47;
	v48, _, _ =	vpop (xrf0)  }
0xe1: {  	v16 =	vadd.s32 v48, v12  }
0xe2: {  	v16 =	vadd.s32 $0xFFFFFFFF, v16  }
0xe3: {  	vm11 =	vlt.s32 v16, $0x100;
	vm12 =	vgt.s32 v16, $0x0  }
0xe4: {  	vm1 =	vmand vm10, vm11;
	v16 =	vnsel vm12, $0x0, v16  }
0xe5: {  	v16 =	vmin.u32 v16, $0xFF  }
0xe6: {  	v17 =	vld [tilespmem:s24+$0xFFFFFFE0];
	_ =	sdelay $0x3  }
0xe7: {  	[tilespmem:v16+s16+$0x0] =	vst.idx.msk vm1, v15  }
0xe8: {  	[tilespmem:v16+s17+$0x0] =	vst.idx.msk vm1, v17  }
0xe9: {  	v15 =	vld [tilespmem:s23+$0xFFFFFFF0];
	_ =	sdelay $0x4  }
0xea: {  	vm13 =	vle.f32 v15, v11  }
0xeb: {  	v49 =	vsel vm13, $0x1, v7  }
0xec: {  	(xrf0) =	vadd.scan.msk.s32 $0xffff, v49;
	_ =	sdelay $0x3  }
0xed: {  	v50 =	vmpcnt.ones.xlane vm10;
	_ =	sdelay $0x1  }
0xee: {  	v12 =	vadd.s32 v12, v50;
	v51, _, _ =	vpop (xrf0)  }
0xef: {  	v16 =	vadd.s32 v51, v12  }
0xf0: {  	v16 =	vadd.s32 $0xFFFFFFFF, v16  }
0xf1: {  	vm14 =	vlt.s32 v16, $0x100;
	vm15 =	vgt.s32 v16, $0x0  }
0xf2: {  	vm0 =	vmand vm13, vm14;
	v16 =	vnsel vm15, $0x0, v16  }
0xf3: {  	v16 =	vmin.u32 v16, $0xFF  }
0xf4: {  	v17 =	vld [tilespmem:s24+$0xFFFFFFF0];
	_ =	sdelay $0x3  }
0xf5: {  	[tilespmem:v16+s16+$0x0] =	vst.idx.msk vm0, v15  }
0xf6: {  	[tilespmem:v16+s17+$0x0] =	vst.idx.msk vm0, v17  }
0xf7: {  	v15 =	vld [tilespmem:s23+$0x0];
	_ =	sdelay $0x4  }
0xf8: {  	vm4 =	vle.f32 v15, v11  }
0xf9: {  	v52 =	vsel vm4, $0x1, v7  }
0xfa: {  	(xrf0) =	vadd.scan.msk.s32 $0xffff, v52;
	_ =	sdelay $0x3  }
0xfb: {  	v53 =	vmpcnt.ones.xlane vm13;
	_ =	sdelay $0x1  }
0xfc: {  	v12 =	vadd.s32 v12, v53;
	v54, _, _ =	vpop (xrf0)  }
0xfd: {  	v16 =	vadd.s32 v54, v12  }
0xfe: {  	v16 =	vadd.s32 $0xFFFFFFFF, v16  }
0xff: {  	vm5 =	vlt.s32 v16, $0x100;
	vm6 =	vgt.s32 v16, $0x0  }
0x100: {  	vm1 =	vmand vm4, vm5;
	v16 =	vnsel vm6, $0x0, v16  }
0x101: {  	v16 =	vmin.u32 v16, $0xFF  }
0x102: {  	v17 =	vld [tilespmem:s24+$0x0];
	_ =	sdelay $0x3  }
0x103: {  	[tilespmem:v16+s16+$0x0] =	vst.idx.msk vm1, v15  }
0x104: {  	[tilespmem:v16+s17+$0x0] =	vst.idx.msk vm1, v17  }
0x105: {  	v15 =	vld [tilespmem:s23+$0x10];
	_ =	sdelay $0x4  }
0x106: {  	vm7 =	vle.f32 v15, v11  }
0x107: {  	v55 =	vsel vm7, $0x1, v7  }
0x108: {  	(xrf0) =	vadd.scan.msk.s32 $0xffff, v55;
	_ =	sdelay $0x3  }
0x109: {  	v56 =	vmpcnt.ones.xlane vm4;
	_ =	sdelay $0x1  }
0x10a: {  	v12 =	vadd.s32 v12, v56;
	v57, _, _ =	vpop (xrf0)  }
0x10b: {  	v16 =	vadd.s32 v57, v12  }
0x10c: {  	v16 =	vadd.s32 $0xFFFFFFFF, v16  }
0x10d: {  	vm8 =	vlt.s32 v16, $0x100;
	vm9 =	vgt.s32 v16, $0x0  }
0x10e: {  	vm0 =	vmand vm7, vm8;
	v16 =	vnsel vm9, $0x0, v16  }
0x10f: {  	v16 =	vmin.u32 v16, $0xFF  }
0x110: {  	v17 =	vld [tilespmem:s24+$0x10];
	_ =	sdelay $0x3  }
0x111: {  	[tilespmem:v16+s16+$0x0] =	vst.idx.msk vm0, v15  }
0x112: {  	[tilespmem:v16+s17+$0x0] =	vst.idx.msk vm0, v17  }
0x113: {  	v15 =	vld [tilespmem:s23+$0x20];
	_ =	sdelay $0x4  }
0x114: {  	vm10 =	vle.f32 v15, v11  }
0x115: {  	v58 =	vsel vm10, $0x1, v7  }
0x116: {  	(xrf0) =	vadd.scan.msk.s32 $0xffff, v58;
	_ =	sdelay $0x3  }
0x117: {  	v59 =	vmpcnt.ones.xlane vm7;
	_ =	sdelay $0x1  }
0x118: {  	v12 =	vadd.s32 v12, v59;
	v60, _, _ =	vpop (xrf0)  }
0x119: {  	v16 =	vadd.s32 v60, v12  }
0x11a: {  	v16 =	vadd.s32 $0xFFFFFFFF, v16  }
0x11b: {  	vm11 =	vlt.s32 v16, $0x100;
	vm12 =	vgt.s32 v16, $0x0  }
0x11c: {  	vm1 =	vmand vm10, vm11;
	v16 =	vnsel vm12, $0x0, v16  }
0x11d: {  	v16 =	vmin.u32 v16, $0xFF  }
0x11e: {  	v17 =	vld [tilespmem:s24+$0x20];
	_ =	sdelay $0x3  }
0x11f: {  	[tilespmem:v16+s16+$0x0] =	vst.idx.msk vm1, v15  }
0x120: {  	[tilespmem:v16+s17+$0x0] =	vst.idx.msk vm1, v17  }
0x121: {  	v15 =	vld [tilespmem:s23+$0x30];
	_ =	sdelay $0x4  }
0x122: {  	vm13 =	vle.f32 v15, v11  }
0x123: {  	v61 =	vsel vm13, $0x1, v7  }
0x124: {  	(xrf0) =	vadd.scan.msk.s32 $0xffff, v61;
	_ =	sdelay $0x3  }
0x125: {  	v62 =	vmpcnt.ones.xlane vm10;
	_ =	sdelay $0x1  }
0x126: {  	v12 =	vadd.s32 v12, v62;
	v63, _, _ =	vpop (xrf0)  }
0x127: {  	v16 =	vadd.s32 v63, v12  }
0x128: {  	v16 =	vadd.s32 $0xFFFFFFFF, v16  }
0x129: {  	vm14 =	vlt.s32 v16, $0x100;
	vm15 =	vgt.s32 v16, $0x0  }
0x12a: {  	vm0 =	vmand vm13, vm14;
	v16 =	vnsel vm15, $0x0, v16  }
0x12b: {  	v16 =	vmin.u32 v16, $0xFF  }
0x12c: {  	p0 =	sne.s32 s25, $0x1;
	v17 =	vld [tilespmem:s24+$0x30]  }
.Ltmp13:
0x12d: {  	_ = 	snop;
	(pc) =	sbr.rel @p0 .LBB2_15-.Ltmp13, $4  }
0x12e: {  	_ = 	snop  }
0x12f: {  	v18 =	vmpcnt.ones.xlane vm13  }
0x130: {  	[tilespmem:v16+s16+$0x0] =	vst.idx.msk vm0, v15  }
0x131: {  	s25 =	sadd.s32 $0xFFFFFFFF, s25;
	s23 =	sadd.s32 $0x80, s23;
	s24 =	sadd.s32 $0x80, s24;
	v12 =	vadd.s32 v12, v18;
	[tilespmem:v16+s17+$0x0] =	vst.idx.msk vm0, v17  }
.LBB2_18:
0x132: {  	(v2sf) =	vpush v12, $0x0;
	_ =	sdelay $0xe  }
0x133: {  	s24 =	spop (v2sf)  }
0x134: {  	p0 =	sgt.s32 s24, $0x100  }
.Ltmp14:
0x135: {  	_ = 	snop;
	(pc) =	sbr.rel @p0 .LBB2_45-.Ltmp14, $1  }
0x136: {  	_ =	sdelay $0x3  }
0x137: {  	s22 =	sadd.s32 $0xF, s24  }
0x138: {  	s23 =	sshra.s32 s22, $0x1F  }
0x139: {  	s23 =	sshrl.u32 s23, $0x1C  }
.Ltmp15:
0x13a: {  	s22 =	sadd.s32 s23, s22;
	(pc) =	sbr.rel .LBB2_20-.Ltmp15, $4  }
0x13b: {  	s22 =	sshra.s32 s22, $0x4  }
0x13c: {  	p0 =	sgt.s32 s22, $0x1  }
0x13d: {  	s22 =	simm.s32 @!p0 $0x1;
	p0 =	slt.s32 s24, $0x1  }
0x13e: {  	s24 =	simm.s32 $0x0;
	s23 =	sshll.u32 s22, $0x4;
	s22 =	simm.s32 $0x0  }
.LBB2_45:
.Ltmp16:
0x13f: {  	(pc) =	sbr.rel .LBB2_46-.Ltmp16, $3  }
0x140: {  	_ =	sdelay $0x1  }
0x141: {  	s24 =	sshll.u32 s22, $0x3  }
0x142: {  	v12 =	vshll.u32 v14, $0x7;
	s22 =	simm.s32 $0x0;
	s23 =	simm.s32 $0x0;
	p0 =	slt.s32 s24, $0x1  }
.LBB2_49:
0x143: {  	vm0 =	vle.f32 v16, v14;
	vm1 =	vlt.s32 v17, v12  }
0x144: {  	vm0 =	vmand vm1, vm0  }
0x145: {  	v16 =	vsel vm0, $0x1, v7  }
0x146: {  	v15 =	vadd.s32 v16, v15  }
.LBB2_50:
0x147: {  	v16 =	vperm.xlane v15, v3;
	_ =	sdelay $0x1  }
0x148: {  	v15 =	vadd.s32 v15, v16  }
0x149: {  	v16 =	vperm.xlane v15, v0;
	_ =	sdelay $0x1  }
0x14a: {  	v15 =	vadd.s32 v16, v15  }
0x14b: {  	v16 =	vperm.xlane v15, v1  }
0x14c: {  	s23 =	sadd.s32 $0x1, s23  }
0x14d: {  	p1 =	sne.s32 s23, $0x1F;
	v15 =	vadd.s32 v16, v15  }
.Ltmp17:
0x14e: {  	v16 =	vperm.xlane v15, v2;
	(pc) =	sbr.rel @!p1 .LBB2_51-.Ltmp17, $4  }
0x14f: {  	_ = 	snop  }
0x150: {  	v15 =	vadd.s32 v16, v15  }
0x151: {  	vm0 =	vgt.s32 v15, $0x31;
	v15 =	vadd.s32 $0x1, v14  }
0x152: {  	v13 =	vsel vm0, v13, v15;
	v11 =	vsel vm0, v14, v11  }
.LBB2_46:
.Ltmp18:
0x153: {  	(pc) =	sbr.rel @p0 .LBB2_50-.Ltmp18, $4  }
0x154: {  	_ = 	snop  }
0x155: {  	v14 =	vsub.s32 v11, v13  }
0x156: {  	v14 =	vshra.s32 v14, $0x1  }
0x157: {  	v15 =	vimm.s32 $0x0;
	v14 =	vadd.s32 v13, v14  }
0x158: {  	s26 =	sand.u32 $0xFFFFFFF0, s22;
	p1 =	sne.s32 s24, $0x1  }
.Ltmp19:
0x159: {  	v16 =	vld [tilespmem:s26+$0x600];
	(pc) =	sbr.rel @!p1 .LBB2_49-.Ltmp19, $2  }
0x15a: {  	_ =	sdelay $0x2  }
0x15b: {  	s25 =	sadd.s32 $0xFFFFFFFF, s24;
	v17 =	vor.u32 s22, v8;
	s26 =	sadd.s32 $0x10, s22  }
.LBB2_48:
0x15c: {  	s28 =	sand.u32 $0xFFFFFFF0, s26;
	p1 =	sne.s32 s25, $0x1;
	s25 =	sadd.s32 $0xFFFFFFFF, s25;
	vm0 =	vle.f32 v16, v14;
	vm1 =	vlt.s32 v17, v12  }
.Ltmp20:
0x15d: {  	v16 =	vld [tilespmem:s28+$0x600];
	vm0 =	vmand vm1, vm0;
	(pc) =	sbr.rel @p1 .LBB2_48-.Ltmp20, $3  }
0x15e: {  	v17 =	vsel vm0, $0x1, v7  }
0x15f: {  	v15 =	vadd.s32 v17, v15;
	_ =	sdelay $0x1  }
0x160: {  	v17 =	vor.u32 s26, v8;
	s26 =	sadd.s32 $0x10, s26  }
.Ltmp21:
0x161: {  	_ = 	snop;
	(pc) =	sbr.rel .LBB2_49-.Ltmp21, $1  }
0x162: {  	_ =	sdelay $0x3  }
.LBB2_51:
.Ltmp22:
0x163: {  	(pc) =	sbr.rel @p0 .LBB2_67-.Ltmp22, $1  }
0x164: {  	_ =	sdelay $0x3  }
0x165: {  	s22 =	simm.s32 $0x0  }
0x166: {  	p0 =	sne.s32 s24, $0x1;
	s25 =	sand.u32 $0xFFFFFFF0, s22  }
.Ltmp23:
0x167: {  	v15 =	vld [tilespmem:s25+$0x600];
	(pc) =	sbr.rel @!p0 .LBB2_54-.Ltmp23, $2  }
0x168: {  	_ =	sdelay $0x2  }
0x169: {  	v13 =	vimm.s32 $0x0;
	s23 =	sadd.s32 $0xFFFFFFFF, s24;
	v14 =	vimm.s32 $0x0;
	v16 =	vor.u32 s22, v8;
	s25 =	simm.s32 $0x10  }
.LBB2_53:
0x16a: {  	s26 =	sand.u32 $0xFFFFFFF0, s25;
	p0 =	sne.s32 s23, $0x1;
	s23 =	sadd.s32 $0xFFFFFFFF, s23;
	vm0 =	vlt.f32 v15, v11;
	vm1 =	vlt.s32 v16, v12  }
.Ltmp24:
0x16b: {  	v15 =	vld [tilespmem:s26+$0x600];
	vm0 =	vmand vm1, vm0;
	(pc) =	sbr.rel @p0 .LBB2_53-.Ltmp24, $3  }
0x16c: {  	v16 =	vsel vm0, $0x1, v7  }
0x16d: {  	v14 =	vadd.s32 v16, v14;
	_ =	sdelay $0x1  }
0x16e: {  	v16 =	vor.u32 s25, v8;
	s25 =	sadd.s32 $0x10, s25  }
.LBB2_54:
0x16f: {  	vm0 =	vlt.f32 v15, v11;
	vm1 =	vlt.s32 v16, v12  }
0x170: {  	vm0 =	vmand vm1, vm0  }
0x171: {  	v15 =	vsel vm0, $0x1, v7  }
0x172: {  	v14 =	vadd.s32 v15, v14  }
0x173: {  	v15 =	vperm.xlane v14, v3;
	_ =	sdelay $0x1  }
0x174: {  	v14 =	vadd.s32 v14, v15  }
0x175: {  	v15 =	vperm.xlane v14, v0;
	_ =	sdelay $0x1  }
0x176: {  	v14 =	vadd.s32 v15, v14  }
0x177: {  	v15 =	vperm.xlane v14, v1  }
0x178: {  	p4 =	seq.s32 s24, $0x1  }
.Ltmp25:
0x179: {  	v14 =	vadd.s32 v15, v14;
	(pc) =	sbr.rel @p4 .LBB2_55-.Ltmp25, $4  }
0x17a: {  	v15 =	vperm.xlane v14, v2  }
0x17b: {  	s25 =	simm.s32 $0x600  }
0x17c: {  	s23 =	simm.s32 $0xCE00;
	s24 =	sadd.s32 $0xFFFFFFFF, s24;
	p0 =	por $0x0, $0x0;
	v14 =	vadd.s32 v14, v15  }
0x17d: {  	p1 =	por $0x0, $0x0;
	p2 =	por $0x0, $0x0;
	p3 =	por $0x0, $0x0;
	v18 =	vld [tilespmem:s25+$0x0];
	v15 =	vsub.s32 $0x32, v14;
	v14 =	vimm.f32 $0.0e+00  }
0x17e: {  	_ =	sdelay $0x3  }
0x17f: {  	v17 =	vmax.f32 v18, $9.999999960e-13  }
0x180: {  	v16 =	vshra.s32 v17, $0x1;
	v23 =	vmul.f32 $5.000000000e-01, v17  }
0x181: {  	v16 =	vsub.s32 $0x5F3759DF, v16  }
0x182: {  	v19 =	vmul.f32 v16, v23  }
0x183: {  	p4 =	seq.s32 s24, $0x1  }
.Ltmp26:
0x184: {  	v19 =	vmul.f32 v16, v19;
	(pc) =	sbr.rel @p4 .LBB2_57-.Ltmp26, $4  }
0x185: {  	_ = 	snop  }
0x186: {  	v19 =	vsub.f32 $1.500000000e+00, v19  }
0x187: {  	s25 =	simm.s32 $0x610  }
0x188: {  	s24 =	sadd.s32 $0xFFFFFFFF, s24;
	p0 =	por $0x1, $0x1;
	v20 =	vld [tilespmem:s25+$0x0];
	v24 =	vmul.f32 v16, v19  }
0x189: {  	_ = 	snop  }
0x18a: {  	v16 =	vmul.f32 v24, v23;
	_ =	sdelay $0x1  }
0x18b: {  	v16 =	vmul.f32 v16, v24  }
0x18c: {  	v21 =	vmax.f32 v20, $9.999999960e-13  }
0x18d: {  	v19 =	vshra.s32 v21, $0x1;
	v22 =	vmul.f32 $5.000000000e-01, v21;
	v16 =	vsub.f32 $1.500000000e+00, v16  }
0x18e: {  	v25 =	vsub.s32 $0x5F3759DF, v19  }
0x18f: {  	v19 =	vmul.f32 v25, v22;
	v29 =	vmul.f32 v16, v24  }
0x190: {  	p4 =	seq.s32 s24, $0x1  }
.Ltmp27:
0x191: {  	v16 =	vmul.f32 v25, v19;
	v19 =	vmul.f32 v29, v23;
	(pc) =	sbr.rel @p4 .LBB2_59-.Ltmp27, $4  }
0x192: {  	_ = 	snop  }
0x193: {  	v16 =	vsub.f32 $1.500000000e+00, v16;
	v26 =	vmul.f32 v19, v29  }
0x194: {  	s25 =	simm.s32 $0x620  }
0x195: {  	s24 =	sadd.s32 $0xFFFFFFFF, s24;
	p1 =	por $0x1, $0x1;
	v19 =	vld [tilespmem:s25+$0x0];
	v24 =	vmul.f32 v25, v16;
	v37 =	vsub.f32 $1.500000000e+00, v26  }
0x196: {  	_ =	sdelay $0x1  }
0x197: {  	v16 =	vmul.f32 v24, v22;
	v26 =	vmul.f32 v37, v29;
	_ =	sdelay $0x1  }
0x198: {  	v16 =	vmul.f32 v16, v24;
	v25 =	vmul.f32 v26, v23;
	v31 =	vmax.f32 v19, $9.999999960e-13  }
0x199: {  	v27 =	vshra.s32 v31, $0x1;
	v23 =	vmul.f32 $5.000000000e-01, v31  }
0x19a: {  	v16 =	vsub.f32 $1.500000000e+00, v16;
	v28 =	vmul.f32 v25, v26;
	v27 =	vsub.s32 $0x5F3759DF, v27  }
0x19b: {  	v29 =	vmul.f32 v27, v23  }
0x19c: {  	v25 =	vmul.f32 v16, v24;
	v16 =	vsub.f32 $1.500000000e+00, v28  }
0x19d: {  	vm0 =	veq.f32 v18, v11;
	p4 =	seq.s32 s24, $0x1;
	v28 =	vor.u32 s22, v8;
	v24 =	vmul.f32 v27, v29  }
.Ltmp28:
0x19e: {  	vm1 =	vlt.s32 v28, v12;
	v16 =	vmul.f32 v16, v26;
	v26 =	vmul.f32 v25, v22;
	(pc) =	sbr.rel @p4 .LBB2_61-.Ltmp28, $4  }
0x19f: {  	vm0 =	vmand vm1, vm0  }
0x1a0: {  	v24 =	vsub.f32 $1.500000000e+00, v24;
	v26 =	vmul.f32 v26, v25;
	v16 =	vmul.f32 v16, v17  }
0x1a1: {  	s25 =	simm.s32 $0x630;
	vm1 =	vmmov vm1;
	v17 =	vsel vm0, $0x1, v7  }
0x1a2: {  	p2 =	por $0x1, $0x1;
	v35 =	vld [tilespmem:s25+$0x0];
	s25 =	sadd.s32 $0xFFFFFFFF, s24;
	(xrf0) =	vadd.scan.msk.s32 $0xffff, v17;
	v24 =	vmul.f32 v27, v24;
	v27 =	vsub.f32 $1.500000000e+00, v26;
	v28 =	vadd.f32 $1.000000050e-03, v16  }
0x1a3: {  	_ =	sdelay $0x2  }
0x1a4: {  	v16 =	vmul.f32 v24, v23  }
0x1a5: {  	s24 =	simm.s32 $0x10;
	v30 =	vmul.f32 v27, v25;
	(erf) = vrcp.f32 v28;
	v17 =	vmax.f32 v35, $9.999999960e-13  }
0x1a6: {  	v26 =	vor.u32 s24, v8;
	v16 =	vmul.f32 v16, v24;
	v29 =	vshra.s32 v17, $0x1  }
0x1a7: {  	vm3 =	vlt.s32 v26, v12;
	v32 =	vmul.f32 v30, v22;
	v26 =	vmul.f32 $5.000000000e-01, v17  }
0x1a8: {  	v16 =	vsub.f32 $1.500000000e+00, v16;
	v33 =	vsub.s32 $0x5F3759DF, v29  }
0x1a9: {  	vm2 =	vmmov vm0;
	v32 =	vmul.f32 v32, v30;
	v36 =	vmul.f32 v33, v26;
	v29, _, _ =	vpop (xrf0)  }
0x1aa: {  	vm4 =	vlt.f32 v18, v11;
	v34 =	vld [tilespmem:s23+$0x0];
	v37 =	vadd.s32 v13, v29;
	v29 =	vmul.f32 v16, v24  }
0x1ab: {  	v16 =	vsub.f32 $1.500000000e+00, v32;
	v24 =	vmul.f32 v33, v36;
	vm6 =	vle.s32 v37, v15  }
0x1ac: {  	vm5 =	veq.f32 v20, v11;
	vm4 =	vmand vm1, vm4;
	vm6 =	vmand vm2, vm6  }
0x1ad: {  	p4 =	seq.s32 s25, $0x1;
	v61 =	vmul.f32 v29, v23;
	v16 =	vmul.f32 v16, v30;
	v24 =	vsub.f32 $1.500000000e+00, v24  }
.Ltmp29:
0x1ae: {  	vm6 =	vmor vm4, vm6;
	vm4 =	vmand vm3, vm5;
	vm3 =	vmmov vm3;
	(pc) =	sbr.rel @p4 .LBB2_63-.Ltmp29, $4  }
0x1af: {  	v62 =	vpop (erf);
	v30 =	vnsel vm6, $0x0, v34;
	v32 =	vmul.f32 v61, v29;
	v16 =	vmul.f32 v16, v21  }
0x1b0: {  	s26 =	simm.s32 $0x640;
	v36 =	vnsel vm6, $0x0, v62;
	v24 =	vmul.f32 v33, v24;
	v63 =	vsel vm4, $0x1, v7  }
0x1b1: {  	v34 =	vimm.s32 $0x0;
	v38 =	vmul.f32 v36, v30;
	v39 =	vadd.f32 $1.000000050e-03, v16;
	v16 =	vld [tilespmem:s26+$0x0]  }
0x1b2: {  	s28 =	sadd.s32 $0xFFFFFFFF, s25;
	p3 =	por $0x1, $0x1;
	s25 =	simm.s32 $0xCE00;
	v33 =	vmovc v20;
	(xrf0) =	vadd.scan.msk.s32 $0xffff, v63;
	v30 =	vimm.f32 $0.0e+00;
	v37 =	vsub.f32 $1.500000000e+00, v32;
	v32 =	vimm.f32 $0.0e+00  }
.LBB2_64:
0x1b3: {  	v40 =	vmul.f32 v24, v26;
	v30 =	vadd.f32 v38, v30  }
0x1b4: {  	p4 =	seq.s32 s28, $0x1;
	s24 =	sadd.s32 $0x10, s24;
	v32 =	vadd.f32 v36, v32;
	vm6 =	vmmov vm2;
	vm2 =	vmmov vm4  }
0x1b5: {  	v36 =	vor.u32 s24, v8;
	v37 =	vmul.f32 v37, v29;
	(erf) = vrcp.f32 v39  }
0x1b6: {  	v29 =	vmpcnt.ones.xlane vm6;
	v38 =	vmax.f32 v16, $9.999999960e-13;
	vm5 =	vlt.s32 v36, v12  }
0x1b7: {  	v39 =	vmul.f32 v40, v24;
	v36 =	vshra.s32 v38, $0x1;
	v40 =	vmul.f32 v37, v23;
	v23 =	vmovc v26  }
0x1b8: {  	vm4 =	vlt.f32 v33, v11;
	s25 =	sadd.s32 $0x10, s25;
	v33 =	vmovc v19;
	v19 =	vmovc v35;
	v26 =	vmul.f32 $5.000000000e-01, v38;
	v41 =	vsub.s32 $0x5F3759DF, v36  }
0x1b9: {  	v34 =	vadd.s32 v34, v29;
	v36 =	vsub.f32 $1.500000000e+00, v39;
	v39 =	vmul.f32 v40, v37;
	v40 =	vld [tilespmem:s25+$0x0];
	v35, _, _ =	vpop (xrf0)  }
0x1ba: {  	vm6 =	veq.f32 v33, v11;
	v42 =	vmul.f32 v41, v26;
	v43 =	vadd.s32 v34, v35;
	v35 =	vmovc v16  }
0x1bb: {  	v29 =	vmul.f32 v36, v24;
	v16 =	vsub.f32 $1.500000000e+00, v39;
	vm7 =	vle.s32 v43, v15  }
0x1bc: {  	vm3 =	vmand vm3, vm4;
	v24 =	vmul.f32 v41, v42;
	vm4 =	vmand vm2, vm7  }
.Ltmp30:
0x1bd: {  	v36 =	vmul.f32 v29, v23;
	v37 =	vmul.f32 v16, v37;
	vm3 =	vmor vm3, vm4;
	(pc) =	sbr.rel @!p4 .LBB2_64-.Ltmp30, $4  }
0x1be: {  	s26 =	sadd.s32 $0x10, s26;
	v24 =	vsub.f32 $1.500000000e+00, v24;
	vm4 =	vmand vm5, vm6;
	v39 =	vnsel vm3, $0x0, v40;
	v40 =	vpop (erf)  }
0x1bf: {  	v42 =	vmul.f32 v36, v29;
	v16 =	vld [tilespmem:s26+$0x0];
	v43 =	vmul.f32 v37, v31;
	v36 =	vnsel vm3, $0x0, v40;
	v31 =	vmovc v17;
	v17 =	vmovc v38  }
0x1c0: {  	v24 =	vmul.f32 v41, v24;
	v40 =	vsel vm4, $0x1, v7;
	v38 =	vmul.f32 v36, v39  }
0x1c1: {  	s28 =	sadd.s32 $0xFFFFFFFF, s28;
	vm3 =	vmmov vm5;
	v37 =	vsub.f32 $1.500000000e+00, v42;
	v39 =	vadd.f32 $1.000000050e-03, v43;
	(xrf0) =	vadd.scan.msk.s32 $0xffff, v40  }
0x1c2: {  	v40 =	vmov v19;
	v19 =	vmov v35;
	v35 =	vmov v31  }
.LBB2_66:
0x1c3: {  	v31 =	vmul.f32 @p0 v24, v26;
	v30 =	vadd.f32 @p3 v38, v30;
	v32 =	vadd.f32 @p3 v36, v32  }
0x1c4: {  	vm5 =	vmmov @p3 vm2;
	vm2 =	vmmov @p2 vm4;
	v37 =	vmul.f32 @p1 v37, v29  }
0x1c5: {  	(erf) = vrcp.f32 @p2 v39;
	v22 =	vpsel p0, v26, v22;
	v51 =	vmax.f32 v16, $9.999999960e-13  }
0x1c6: {  	v19 =	vpsel p0, v19, v20;
	v52 =	vshra.s32 v51, $0x1;
	v41 =	vmul.f32 $5.000000000e-01, v51  }
0x1c7: {  	s26 =	sadd.s32 @p2 $0x10, s24;
	s24 =	simm.s32 $0x0;
	v17 =	vpsel p0, v17, v21;
	v38 =	vmpcnt.ones.xlane @p3 vm5;
	v39 =	vsub.s32 $0x5F3759DF, v52  }
0x1c8: {  	s24 =	smov.u32 @p2 s26;
	vm5 =	vlt.f32 @p2 v33, v11;
	vm12 =	veq.f32 v16, v11;
	v53 =	vmul.f32 v39, v41  }
0x1c9: {  	vm14 =	vlt.f32 v16, v11;
	v36 =	vor.u32 @p1 s24, v8;
	v31 =	vmul.f32 @p0 v31, v24  }
0x1ca: {  	s26 =	sadd.s32 @p3 $0x10, s25;
	s25 =	simm.s32 $0xCE00;
	v23 =	vmul.f32 @p1 v37, v23;
	vm3 =	vmand @p2 vm3, vm5;
	v33 =	vmul.f32 v39, v53  }
0x1cb: {  	s25 =	smov.u32 @p3 s26;
	v30 =	vpsel p3, v30, v14;
	v32 =	vpsel p3, v32, v14;
	s24 =	sadd.s32 @p1 $0x10, s24;
	s26 =	simm.s32 $0x0;
	vm4 =	vlt.s32 @p1 v36, v12  }
0x1cc: {  	v34 =	vadd.s32 @p3 v34, v38;
	v38 =	vld @p2 [tilespmem:s25+$0x0];
	s26 =	smov.u32 @p1 s24;
	s24 =	sadd.s32 @p2 $0x10, s25;
	s25 =	simm.s32 $0xCE00;
	v31 =	vsub.f32 @p0 $1.500000000e+00, v31;
	v36 =	vmovc @p1 v40;
	v54 =	vsub.f32 $1.500000000e+00, v33  }
0x1cd: {  	v23 =	vmul.f32 @p1 v23, v37;
	v34 =	vpsel p3, v34, v13;
	s25 =	smov.u32 @p2 s24;
	s24 =	sadd.s32 @p0 $0x10, s26;
	v40, _, _ =	vpop @p2 (xrf0);
	vm6 =	veq.f32 @p1 v36, v11  }
0x1ce: {  	s22 =	smov.u32 @p0 s24;
	v40 =	vadd.s32 @p2 v34, v40;
	v24 =	vmul.f32 @p0 v31, v24;
	v31 =	vmul.f32 v39, v54  }
0x1cf: {  	v23 =	vsub.f32 @p1 $1.500000000e+00, v23;
	v18 =	vpsel p1, v36, v18;
	v60 =	vor.u32 s22, v8  }
0x1d0: {  	vm7 =	vle.s32 @p2 v40, v15;
	vm11 =	vlt.s32 v60, v12;
	v39 =	vmul.f32 v31, v41  }
0x1d1: {  	vm5 =	vmand @p2 vm2, vm7;
	v33 =	vmul.f32 @p0 v24, v26;
	v23 =	vmul.f32 @p1 v23, v37  }
0x1d2: {  	vm2 =	vmmov @p2 vm2;
	v26 =	vor.u32 @p0 s26, v8;
	v39 =	vmul.f32 v39, v31  }
0x1d3: {  	vm13 =	vmand vm11, vm12;
	vm3 =	vmor @p2 vm3, vm5;
	v33 =	vmul.f32 @p0 v33, v24  }
0x1d4: {  	vm5 =	vmand @p1 vm4, vm6;
	vm2 =	vmmov @p2 vm2;
	v39 =	vsub.f32 $1.500000000e+00, v39  }
0x1d5: {  	v37 =	vnsel @p2 vm3, $0x0, v38;
	v38 =	vpop @p2 (erf);
	v23 =	vmul.f32 @p1 v23, v35;
	v33 =	vsub.f32 @p0 $1.500000000e+00, v33  }
0x1d6: {  	v35 =	vnsel @p2 vm3, $0x0, v38;
	v38 =	vsel @p1 vm5, $0x1, v7;
	v55 =	vmul.f32 v39, v31  }
0x1d7: {  	v24 =	vpsel p0, v24, v25;
	v21 =	vmpcnt.ones.xlane @p2 vm2;
	(xrf0) =	vadd.scan.msk.s32 @p1 $0xffff, v38;
	v25 =	vpsel p0, v33, v27  }
0x1d8: {  	vm0 =	vmmov @p1 vm5;
	v24 =	vmul.f32 @p0 v25, v24;
	v56 =	vmul.f32 v55, v41  }
0x1d9: {  	vm2 =	vlt.s32 @p0 v26, v12;
	vm3 =	vmmov @p1 vm4;
	vm0 =	vmmov @p1 vm0  }
0x1da: {  	v23 =	vadd.f32 @p1 $1.000000050e-03, v23;
	v20 =	vmul.f32 @p0 v24, v22;
	v22 =	vmul.f32 v56, v55  }
0x1db: {  	v37 =	vmul.f32 @p2 v35, v37;
	vm1 =	vmmov @p1 vm3;
	v21 =	vadd.s32 @p2 v34, v21  }
0x1dc: {  	v23 =	vpsel p1, v23, v28;
	v20 =	vmul.f32 @p0 v20, v24;
	v22 =	vsub.f32 $1.500000000e+00, v22  }
0x1dd: {  	vm3 =	vlt.f32 @p1 v18, v11;
	v21 =	vpsel p2, v21, v13;
	(erf) = vrcp.f32 @p1 v23;
	v28, _, _ =	vpop @p1 (xrf0)  }
0x1de: {  	v18 =	vadd.s32 @p1 v21, v28;
	v20 =	vsub.f32 @p0 $1.500000000e+00, v20;
	v57 =	vmul.f32 v22, v55  }
0x1df: {  	vm1 =	vmand @p1 vm1, vm3;
	v37 =	vpsel p2, v37, v0;
	vm4 =	vle.s32 @p1 v18, v15  }
0x1e0: {  	v27 =	vld @p1 [tilespmem:s25+$0x0];
	vm3 =	vmand @p1 vm0, vm4;
	v18 =	vmul.f32 @p0 v20, v24;
	v58 =	vmul.f32 v57, v41  }
0x1e1: {  	vm5 =	veq.f32 @p0 v19, v11;
	v23 =	vadd.f32 @p2 v37, v30;
	vm1 =	vmor @p1 vm1, vm3  }
0x1e2: {  	vm3 =	vmand @p0 vm2, vm5;
	v17 =	vmul.f32 @p0 v18, v17;
	v18 =	vmul.f32 v58, v57  }
0x1e3: {  	v61 =	vsel vm13, $0x1, v7;
	v35 =	vpsel p2, v35, v0;
	v26 =	vsel @p0 vm3, $0x1, v7  }
0x1e4: {  	v23 =	vpsel p2, v23, v14;
	vm0 =	vmmov @p1 vm0;
	(xrf0) =	vadd.scan.msk.s32 @p0 $0xffff, v26;
	v18 =	vsub.f32 $1.500000000e+00, v18  }
0x1e5: {  	vm0 =	vmmov @p1 vm0;
	v24 =	vnsel @p1 vm1, $0x0, v27;
	v17 =	vadd.f32 @p0 $1.000000050e-03, v17  }
0x1e6: {  	v20 =	vmpcnt.ones.xlane @p1 vm0;
	vm0 =	vmmov vm11;
	v25 =	vpop @p1 (erf);
	v59 =	vmul.f32 v18, v57  }
0x1e7: {  	vm0 =	vmand vm0, vm14;
	v25 =	vnsel @p1 vm1, $0x0, v25;
	v17 =	vpsel p0, v17, v0  }
0x1e8: {  	vm1 =	vmmov @p0 vm2;
	(erf) = vrcp.f32 @p0 v17;
	v12 =	vmul.f32 v59, v51  }
0x1e9: {  	vm2 =	vmmov @p0 vm3;
	v22 =	vadd.f32 @p2 v35, v32;
	v24 =	vmul.f32 @p1 v25, v24  }
0x1ea: {  	vm4 =	vmmov @p0 vm1;
	v17 =	vadd.s32 @p1 v21, v20;
	v20, _, _ =	vpop @p0 (xrf0);
	(xrf0) =	vadd.scan.msk.s32 $0xffff, v61;
	v12 =	vadd.f32 $1.000000050e-03, v12  }
0x1eb: {  	s24 =	simm.s32 $0xCE00;
	s22 =	sadd.s32 @p1 $0x10, s25;
	vm2 =	vmmov @p0 vm2;
	vm1 =	vmmov vm13;
	v18 =	vpsel p0, v19, v0  }
0x1ec: {  	s24 =	smov.u32 @p1 s22;
	vm6 =	vmmov @p0 vm2;
	vm3 =	vlt.f32 @p0 v18, v11;
	(erf) = vrcp.f32 v12  }
0x1ed: {  	v17 =	vpsel p1, v17, v13;
	v19 =	vld @p0 [tilespmem:s24+$0x0];
	vm3 =	vmand @p0 vm4, vm3;
	vm4 =	vmmov @p0 vm6  }
0x1ee: {  	v24 =	vpsel p1, v24, v0;
	v18 =	vadd.s32 @p0 v17, v20;
	v20 =	vmpcnt.ones.xlane @p0 vm4  }
0x1ef: {  	s22 =	sadd.s32 @p0 $0x10, s24;
	v21 =	vpsel p1, v25, v0;
	vm5 =	vle.s32 @p0 v18, v15;
	v18 =	vpsel p2, v22, v14  }
0x1f0: {  	s23 =	smov.u32 @p0 s22;
	v22 =	vadd.f32 @p1 v24, v23;
	v63, _, _ =	vpop (xrf0);
	vm2 =	vmand @p0 vm2, vm5;
	v17 =	vadd.s32 @p0 v17, v20  }
0x1f1: {  	v62 =	vld [tilespmem:s23+$0x0];
	v18 =	vadd.f32 @p1 v21, v18;
	vm2 =	vmor @p0 vm3, vm2;
	v13 =	vpsel p0, v17, v13;
	v12 =	vpop @p0 (erf)  }
0x1f2: {  	v19 =	vnsel @p0 vm2, $0x0, v19;
	v13 =	vadd.s32 v13, v63;
	v12 =	vnsel @p0 vm2, $0x0, v12  }
0x1f3: {  	v11 =	vpsel p1, v18, v14;
	vm15 =	vle.s32 v13, v15;
	v19 =	vmul.f32 @p0 v12, v19  }
0x1f4: {  	v17 =	vpsel p1, v22, v14;
	vm1 =	vmand vm1, vm15;
	v12 =	vpsel p0, v12, v0  }
0x1f5: {  	vm0 =	vmor vm0, vm1;
	v11 =	vadd.f32 @p0 v12, v11;
	v19 =	vpsel p0, v19, v0;
	v15 =	vpop (erf)  }
.Ltmp31:
0x1f6: {  	v12 =	vnsel vm0, $0x0, v62;
	v13 =	vadd.f32 @p0 v19, v17;
	v15 =	vnsel vm0, $0x0, v15;
	(pc) =	sbr.rel .LBB2_68-.Ltmp31, $4  }
0x1f7: {  	v12 =	vmul.f32 v15, v12  }
0x1f8: {  	v13 =	vpsel p0, v13, v14  }
0x1f9: {  	v14 =	vpsel p0, v11, v14;
	v11 =	vadd.f32 v12, v13  }
0x1fa: {  	v12 =	vadd.f32 v15, v14  }
.LBB2_17:
.Ltmp32:
0x1fb: {  	(pc) =	sbr.rel .LBB2_18-.Ltmp32, $2  }
0x1fc: {  	_ =	sdelay $0x2  }
0x1fd: {  	v12 =	vimm.s32 $0x0  }
.LBB2_22:
0x1fe: {  	v17 =	vimm.s32 $0x0;
	s25 =	simm.s32 $0x0  }
.LBB2_26:
0x1ff: {  	v19 =	vor.u32 s25, v8  }
0x200: {  	vm0 =	vle.f32 v16, v14;
	vm1 =	vlt.s32 v19, v12  }
0x201: {  	v16 =	vadd.s32 @p1 v18, v17;
	vm0 =	vmand vm1, vm0  }
0x202: {  	v15 =	vpsel p1, v16, v15;
	v17 =	vsel vm0, $0x1, v7  }
0x203: {  	v15 =	vadd.s32 v17, v15  }
.LBB2_27:
0x204: {  	v16 =	vperm.xlane v15, v3;
	_ =	sdelay $0x1  }
0x205: {  	v15 =	vadd.s32 v15, v16  }
0x206: {  	v16 =	vperm.xlane v15, v0;
	_ =	sdelay $0x1  }
0x207: {  	v15 =	vadd.s32 v16, v15  }
0x208: {  	v16 =	vperm.xlane v15, v1  }
0x209: {  	s24 =	sadd.s32 $0x1, s24  }
0x20a: {  	p1 =	sne.s32 s24, $0x1F;
	v15 =	vadd.s32 v16, v15  }
.Ltmp33:
0x20b: {  	v16 =	vperm.xlane v15, v2;
	(pc) =	sbr.rel @!p1 .LBB2_28-.Ltmp33, $4  }
0x20c: {  	_ = 	snop  }
0x20d: {  	v15 =	vadd.s32 v16, v15  }
0x20e: {  	vm0 =	vgt.s32 v15, $0x31;
	v15 =	vadd.s32 $0x1, v14  }
0x20f: {  	v13 =	vsel vm0, v13, v15;
	v11 =	vsel vm0, v14, v11  }
.LBB2_20:
.Ltmp34:
0x210: {  	(pc) =	sbr.rel @p0 .LBB2_27-.Ltmp34, $4  }
0x211: {  	_ = 	snop  }
0x212: {  	v14 =	vsub.s32 v11, v13  }
0x213: {  	v14 =	vshra.s32 v14, $0x1  }
0x214: {  	v15 =	vimm.s32 $0x0;
	s26 =	simm.s32 $0x19600;
	v14 =	vadd.s32 v13, v14  }
0x215: {  	p2 =	sne.s32 s23, $0x10  }
.Ltmp35:
0x216: {  	_ = 	snop;
	(pc) =	sbr.rel @!p2 .LBB2_22-.Ltmp35, $2  }
0x217: {  	v16 =	vld [tilespmem:s26+$0x0];
	_ =	sdelay $0x2  }
0x218: {  	s25 =	simm.s32 $0x10;
	p1 =	por $0x0, $0x0  }
0x219: {  	p2 =	sne.s32 s23, $0x20  }
.Ltmp36:
0x21a: {  	s26 =	simm.s32 $0x19610;
	(pc) =	sbr.rel @!p2 .LBB2_24-.Ltmp36, $4  }
0x21b: {  	v17 =	vor.u32 s22, v8;
	vm0 =	vle.f32 v16, v14;
	v16 =	vld [tilespmem:s26+$0x0]  }
0x21c: {  	vm1 =	vlt.s32 v17, v12  }
0x21d: {  	vm0 =	vmand vm1, vm0  }
0x21e: {  	s28 =	simm.s32 $0x20;
	p1 =	por $0x1, $0x1;
	v17 =	vimm.s32 $0x0;
	v18 =	vsel vm0, $0x1, v7  }
.LBB2_25:
0x21f: {  	s29 =	smov.u32 s28;
	s28 =	sadd.s32 $0x10, s28  }
0x220: {  	v17 =	vadd.s32 v18, v17;
	p2 =	sne.s32 s23, s28  }
.Ltmp37:
0x221: {  	(pc) =	sbr.rel @p2 .LBB2_25-.Ltmp37, $4  }
0x222: {  	v18 =	vor.u32 s25, v8;
	s25 =	smov.u32 s29  }
0x223: {  	vm0 =	vle.f32 v16, v14;
	s26 =	sadd.s32 $0x10, s26;
	vm1 =	vlt.s32 v18, v12  }
0x224: {  	vm0 =	vmand vm1, vm0;
	v16 =	vld [tilespmem:s26+$0x0]  }
0x225: {  	v18 =	vsel vm0, $0x1, v7  }
.Ltmp38:
0x226: {  	_ = 	snop;
	(pc) =	sbr.rel .LBB2_26-.Ltmp38, $1  }
0x227: {  	_ =	sdelay $0x3  }
.LBB2_24:
.Ltmp39:
0x228: {  	(pc) =	sbr.rel .LBB2_26-.Ltmp39, $2  }
0x229: {  	_ =	sdelay $0x2  }
0x22a: {  	v17 =	vimm.s32 $0x0  }
.LBB2_28:
.Ltmp40:
0x22b: {  	(pc) =	sbr.rel @p0 .LBB2_67-.Ltmp40, $1  }
0x22c: {  	_ =	sdelay $0x3  }
0x22d: {  	p1 =	sne.s32 s23, $0x10  }
.Ltmp41:
0x22e: {  	_ = 	snop;
	(pc) =	sbr.rel @!p1 .LBB2_30-.Ltmp41, $3  }
0x22f: {  	_ =	sdelay $0x1  }
0x230: {  	s22 =	simm.s32 $0x19600  }
0x231: {  	v13 =	vimm.s32 $0x0;
	s25 =	simm.s32 $0x0;
	s26 =	simm.s32 $0x10;
	p0 =	por $0x0, $0x0;
	v14 =	vld [tilespmem:s22+$0x0]  }
0x232: {  	_ = 	snop  }
0x233: {  	p2 =	sne.s32 s23, $0x20  }
.Ltmp42:
0x234: {  	_ = 	snop;
	(pc) =	sbr.rel @!p2 .LBB2_32-.Ltmp42, $4  }
0x235: {  	v15 =	vor.u32 s25, v8  }
0x236: {  	vm1 =	vlt.s32 v15, v12;
	vm0 =	vlt.f32 v14, v11  }
0x237: {  	s24 =	simm.s32 $0x19610;
	vm0 =	vmand vm1, vm0  }
0x238: {  	s29 =	simm.s32 $0x20;
	p1 =	por $0x1, $0x1;
	s28 =	simm.s32 $0x10;
	v15 =	vimm.s32 $0x0;
	v14 =	vld [tilespmem:s24+$0x0];
	v16 =	vsel vm0, $0x1, v7  }
.LBB2_33:
0x239: {  	s30 =	smov.u32 s29;
	s29 =	sadd.s32 $0x10, s29  }
0x23a: {  	v15 =	vadd.s32 v16, v15;
	p2 =	sne.s32 s23, s29  }
.Ltmp43:
0x23b: {  	(pc) =	sbr.rel @p2 .LBB2_33-.Ltmp43, $4  }
0x23c: {  	v16 =	vor.u32 s28, v8;
	s28 =	smov.u32 s30  }
0x23d: {  	s24 =	sadd.s32 $0x10, s24;
	vm1 =	vlt.s32 v16, v12;
	vm0 =	vlt.f32 v14, v11  }
0x23e: {  	v14 =	vld [tilespmem:s24+$0x0];
	vm0 =	vmand vm1, vm0  }
0x23f: {  	v16 =	vsel vm0, $0x1, v7  }
.LBB2_34:
0x240: {  	_ =	sdelay $0x1  }
0x241: {  	v17 =	vor.u32 s28, v8  }
0x242: {  	vm1 =	vlt.s32 v17, v12;
	vm0 =	vlt.f32 v14, v11  }
0x243: {  	v14 =	vadd.s32 @p1 v16, v15;
	vm0 =	vmand vm1, vm0  }
0x244: {  	v14 =	vpsel p1, v14, v13;
	v15 =	vsel vm0, $0x1, v7  }
0x245: {  	v14 =	vadd.s32 v15, v14  }
0x246: {  	v17 =	vld [tilespmem:s22+$0x0];
	v15 =	vperm.xlane v14, v3;
	_ =	sdelay $0x1  }
0x247: {  	v14 =	vadd.s32 v14, v15  }
0x248: {  	v15 =	vperm.xlane v14, v0;
	_ =	sdelay $0x1  }
0x249: {  	v26 =	vmax.f32 v17, $9.999999960e-13;
	v14 =	vadd.s32 v15, v14  }
0x24a: {  	v16 =	vshra.s32 v26, $0x1;
	v18 =	vmul.f32 $5.000000000e-01, v26;
	v15 =	vperm.xlane v14, v1  }
0x24b: {  	p1 =	seq.s32 s23, $0x10;
	v21 =	vsub.s32 $0x5F3759DF, v16  }
.Ltmp44:
0x24c: {  	v14 =	vadd.s32 v15, v14;
	v15 =	vmul.f32 v21, v18;
	(pc) =	sbr.rel @p1 .LBB2_35-.Ltmp44, $4  }
0x24d: {  	v16 =	vperm.xlane v14, v2  }
0x24e: {  	v19 =	vmul.f32 v21, v15  }
0x24f: {  	v14 =	vadd.s32 v14, v16  }
0x250: {  	s24 =	simm.s32 $0x19610;
	s22 =	simm.s32 $0x19700;
	v15 =	vsub.s32 $0x32, v14;
	v14 =	vimm.f32 $0.0e+00;
	v29 =	vsub.f32 $1.500000000e+00, v19  }
0x251: {  	_ = 	snop  }
0x252: {  	v20 =	vld [tilespmem:s24+$0x0];
	v16 =	vmul.f32 v21, v29;
	_ =	sdelay $0x1  }
0x253: {  	v19 =	vmul.f32 v16, v18;
	_ =	sdelay $0x1  }
0x254: {  	v19 =	vmul.f32 v19, v16  }
0x255: {  	v35 =	vmax.f32 v20, $9.999999960e-13  }
0x256: {  	v21 =	vshra.s32 v35, $0x1;
	v34 =	vmul.f32 $5.000000000e-01, v35;
	v19 =	vsub.f32 $1.500000000e+00, v19  }
0x257: {  	p2 =	seq.s32 s23, $0x20;
	v21 =	vsub.s32 $0x5F3759DF, v21  }
.Ltmp45:
0x258: {  	v22 =	vmul.f32 v21, v34;
	v25 =	vmul.f32 v19, v16;
	(pc) =	sbr.rel @p2 .LBB2_37-.Ltmp45, $3  }
0x259: {  	_ = 	snop  }
0x25a: {  	v16 =	vmul.f32 v21, v22;
	v19 =	vmul.f32 v25, v18;
	_ =	sdelay $0x1  }
0x25b: {  	s24 =	simm.s32 $0x20;
	s28 =	simm.s32 $0x19620;
	p1 =	por $0x1, $0x1;
	v29 =	vsub.f32 $1.500000000e+00, v16;
	v36 =	vmul.f32 v19, v25  }
0x25c: {  	_ = 	snop  }
0x25d: {  	v19 =	vsub.f32 $1.500000000e+00, v36  }
0x25e: {  	v16 =	vld [tilespmem:s28+$0x0];
	v22 =	vmul.f32 v21, v29  }
0x25f: {  	v19 =	vmul.f32 v19, v25  }
0x260: {  	v21 =	vmul.f32 v22, v34  }
0x261: {  	v23 =	vmul.f32 v19, v18  }
0x262: {  	v21 =	vmul.f32 v21, v22  }
0x263: {  	v18 =	vmax.f32 v16, $9.999999960e-13;
	v23 =	vmul.f32 v23, v19  }
0x264: {  	v24 =	vshra.s32 v18, $0x1;
	v27 =	vmul.f32 $5.000000000e-01, v18;
	v25 =	vsub.f32 $1.500000000e+00, v21  }
0x265: {  	p3 =	seq.s32 s23, $0x30;
	v21 =	vsub.s32 $0x5F3759DF, v24;
	v23 =	vsub.f32 $1.500000000e+00, v23  }
.Ltmp46:
0x266: {  	v24 =	vmul.f32 v21, v27;
	v25 =	vmul.f32 v25, v22;
	(pc) =	sbr.rel @p3 .LBB2_39-.Ltmp46, $4  }
0x267: {  	vm0 =	veq.f32 v17, v11;
	v22 =	vor.u32 s25, v8;
	v19 =	vmul.f32 v23, v19  }
0x268: {  	vm1 =	vlt.s32 v22, v12;
	v23 =	vmul.f32 v21, v24;
	v24 =	vmul.f32 v25, v34  }
0x269: {  	vm0 =	vmand vm1, vm0  }
0x26a: {  	s28 =	simm.s32 $0x30;
	p2 =	por $0x1, $0x1;
	s25 =	simm.s32 $0x19630;
	v19 =	vmul.f32 v19, v26;
	v29 =	vsub.f32 $1.500000000e+00, v23;
	v36 =	vmul.f32 v24, v25  }
0x26b: {  	_ = 	snop  }
0x26c: {  	v23 =	vadd.f32 $1.000000050e-03, v19  }
0x26d: {  	v24 =	vsub.f32 $1.500000000e+00, v36;
	v26 =	vmul.f32 v21, v29  }
0x26e: {  	v31 =	vld [tilespmem:s25+$0x0];
	v22 =	vsel vm0, $0x1, v7;
	(erf) = vrcp.f32 v23  }
0x26f: {  	(xrf0) =	vadd.scan.msk.s32 $0xffff, v22;
	v23 =	vmul.f32 v24, v25;
	v22 =	vmul.f32 v26, v27;
	_ =	sdelay $0x1  }
0x270: {  	v24 =	vmul.f32 v23, v34;
	v25 =	vmul.f32 v22, v26  }
0x271: {  	vm4 =	vmmov vm1;
	vm2 =	vmmov vm0;
	v21 =	vor.u32 s26, v8  }
0x272: {  	v32 =	vmax.f32 v31, $9.999999960e-13;
	v24 =	vmul.f32 v24, v23;
	v25 =	vsub.f32 $1.500000000e+00, v25  }
0x273: {  	vm3 =	vlt.s32 v21, v12;
	v21 =	vshra.s32 v32, $0x1;
	v22 =	vmul.f32 $5.000000000e-01, v32  }
0x274: {  	v29 =	vld [tilespmem:s22+$0x0];
	v28, _, _ =	vpop (xrf0);
	v21 =	vsub.s32 $0x5F3759DF, v21;
	v24 =	vsub.f32 $1.500000000e+00, v24;
	v25 =	vmul.f32 v25, v26  }
0x275: {  	vm5 =	vlt.f32 v17, v11;
	v28 =	vadd.s32 v13, v28;
	v30 =	vmul.f32 v21, v22  }
0x276: {  	p3 =	seq.s32 s23, $0x40;
	vm6 =	vle.s32 v28, v15;
	v23 =	vmul.f32 v24, v23;
	v33 =	vmul.f32 v25, v27  }
.Ltmp47:
0x277: {  	vm4 =	vmand vm4, vm5;
	vm5 =	vmand vm2, vm6;
	v26 =	vmul.f32 v21, v30;
	(pc) =	sbr.rel @p3 .LBB2_41-.Ltmp47, $4  }
0x278: {  	vm4 =	vmor vm4, vm5;
	v24 =	vpop (erf);
	v37 =	vmul.f32 v23, v35;
	v36 =	vmul.f32 v33, v25  }
0x279: {  	v23 =	vimm.f32 $0.0e+00;
	v28 =	vnsel vm4, $0x0, v24;
	v24 =	vnsel vm4, $0x0, v29  }
0x27a: {  	s25 =	simm.s32 $0x40;
	v33 =	vimm.s32 $0x0;
	vm4 =	veq.f32 v20, v11;
	v30 =	vmul.f32 v28, v24  }
0x27b: {  	s29 =	simm.s32 $0x19640;
	p0 =	por $0x1, $0x1;
	s26 =	simm.s32 $0x19700;
	v29 =	vsub.f32 $1.500000000e+00, v26;
	vm4 =	vmand vm3, vm4;
	v24 =	vimm.f32 $0.0e+00  }
.LBB2_42:
0x27c: {  	v26 =	vld [tilespmem:s29+$0x0];
	v34 =	vsel vm4, $0x1, v7;
	v35 =	vadd.f32 $1.000000050e-03, v37;
	v24 =	vadd.f32 v30, v24  }
0x27d: {  	v23 =	vadd.f32 v28, v23;
	vm5 =	vmmov vm3;
	v30 =	vsub.f32 $1.500000000e+00, v36;
	(xrf0) =	vadd.scan.msk.s32 $0xffff, v34  }
0x27e: {  	vm6 =	vmmov vm2;
	v28 =	vmul.f32 v21, v29;
	(erf) = vrcp.f32 v35  }
0x27f: {  	vm2 =	vmmov vm4;
	v21 =	vor.u32 s24, v8;
	s24 =	smov.u32 s28;
	s28 =	smov.u32 s25;
	s25 =	sadd.s32 $0x10, s25;
	v29 =	vmul.f32 v30, v25  }
0x280: {  	p3 =	seq.s32 s23, s25;
	vm3 =	vlt.s32 v21, v12;
	v25 =	vmul.f32 v28, v22  }
0x281: {  	v30 =	vmpcnt.ones.xlane vm6;
	v34 =	vmax.f32 v26, $9.999999960e-13;
	v21 =	vmul.f32 v29, v27;
	v27 =	vmovc v22  }
0x282: {  	vm4 =	vlt.f32 v20, v11;
	s26 =	sadd.s32 $0x10, s26;
	v20 =	vmovc v16;
	v16 =	vmovc v31;
	v25 =	vmul.f32 v25, v28;
	v35 =	vshra.s32 v34, $0x1  }
0x283: {  	v33 =	vadd.s32 v33, v30;
	v22 =	vmul.f32 $5.000000000e-01, v34;
	v36 =	vmul.f32 v21, v29;
	v37 =	vld [tilespmem:s26+$0x0];
	v31, _, _ =	vpop (xrf0)  }
0x284: {  	v21 =	vsub.s32 $0x5F3759DF, v35;
	v25 =	vsub.f32 $1.500000000e+00, v25;
	v30 =	vadd.s32 v33, v31;
	v31 =	vmovc v26  }
0x285: {  	v26 =	vmul.f32 v21, v22;
	v35 =	vsub.f32 $1.500000000e+00, v36;
	vm6 =	vle.s32 v30, v15  }
.Ltmp48:
0x286: {  	vm4 =	vmand vm5, vm4;
	v25 =	vmul.f32 v25, v28;
	vm5 =	vmand vm2, vm6;
	(pc) =	sbr.rel @!p3 .LBB2_42-.Ltmp48, $4  }
0x287: {  	v26 =	vmul.f32 v21, v26;
	v29 =	vmul.f32 v35, v29;
	vm4 =	vmor vm4, vm5;
	v28 =	vpop (erf)  }
0x288: {  	v35 =	vmul.f32 v25, v27;
	v28 =	vnsel vm4, $0x0, v28;
	v30 =	vnsel vm4, $0x0, v37  }
0x289: {  	vm4 =	veq.f32 v20, v11;
	v37 =	vmul.f32 v29, v18;
	v30 =	vmul.f32 v28, v30;
	v18 =	vmovc v32  }
0x28a: {  	s29 =	sadd.s32 $0x10, s29;
	v29 =	vsub.f32 $1.500000000e+00, v26;
	v36 =	vmul.f32 v35, v25;
	vm4 =	vmand vm3, vm4;
	v32 =	vmovc v34  }
0x28b: {  	v38 =	vmov v16  }
0x28c: {  	s25 =	smov.u32 s24;
	v26 =	vmovc v18;
	s24 =	smov.u32 s28;
	v34 =	vmovc v27;
	v27 =	vmov v20;
	v16 =	vmov v31;
	v18 =	vmov v32  }
.LBB2_44:
0x28d: {  	v20 =	vmul.f32 v21, v29;
	_ =	sdelay $0x1  }
0x28e: {  	v21 =	vmul.f32 v20, v22;
	_ =	sdelay $0x1  }
0x28f: {  	v21 =	vmul.f32 v21, v20;
	_ =	sdelay $0x1  }
0x290: {  	v29 =	vsub.f32 @p1 $1.500000000e+00, v36;
	v31 =	vsel @p2 vm4, $0x1, v7;
	v21 =	vsub.f32 $1.500000000e+00, v21  }
0x291: {  	v32 =	vadd.f32 @p2 $1.000000050e-03, v37;
	(xrf0) =	vadd.scan.msk.s32 @p2 $0xffff, v31  }
0x292: {  	vm2 =	vmmov @p0 vm2;
	v25 =	vmul.f32 @p1 v29, v25;
	v20 =	vmul.f32 v21, v20  }
0x293: {  	(erf) = vrcp.f32 @p2 v32;
	v29 =	vmpcnt.ones.xlane @p0 vm2  }
0x294: {  	v21 =	vmul.f32 @p1 v25, v34;
	v56 =	vmul.f32 v20, v22  }
0x295: {  	v32 =	vor.u32 @p1 s25, v8  }
0x296: {  	s23 =	sadd.s32 @p0 $0x10, s26;
	s25 =	simm.s32 $0x19700;
	v29 =	vadd.s32 @p0 v33, v29;
	v21 =	vmul.f32 @p1 v21, v25;
	v31 =	vmul.f32 v56, v20  }
0x297: {  	vm2 =	vmmov @p2 vm3;
	vm3 =	vlt.f32 @p2 v27, v11;
	s25 =	smov.u32 @p0 s23;
	v29 =	vpsel p0, v29, v13;
	v27, _, _ =	vpop @p2 (xrf0)  }
0x298: {  	v33 =	vld @p2 [tilespmem:s25+$0x0];
	v27 =	vadd.s32 @p2 v29, v27;
	v21 =	vsub.f32 @p1 $1.500000000e+00, v21;
	v31 =	vsub.f32 $1.500000000e+00, v31  }
0x299: {  	vm4 =	vmmov @p2 vm4;
	vm2 =	vmand @p2 vm2, vm3;
	vm5 =	vle.s32 @p2 v27, v15  }
0x29a: {  	vm3 =	vmand @p2 vm4, vm5;
	v21 =	vmul.f32 @p1 v21, v25;
	v20 =	vmul.f32 v31, v20  }
0x29b: {  	v24 =	vadd.f32 @p0 v30, v24;
	vm5 =	vlt.s32 @p1 v32, v12;
	vm2 =	vmor @p2 vm2, vm3;
	v25 =	vmovc @p1 v38  }
0x29c: {  	v27 =	vpop @p2 (erf);
	vm3 =	veq.f32 @p1 v25, v11;
	v21 =	vmul.f32 @p1 v21, v26;
	v57 =	vmul.f32 v20, v22  }
0x29d: {  	v26 =	vnsel @p2 vm2, $0x0, v27;
	v27 =	vnsel @p2 vm2, $0x0, v33;
	vm2 =	vmand @p1 vm5, vm3  }
0x29e: {  	v23 =	vadd.f32 @p0 v28, v23;
	vm0 =	vmmov @p1 vm2;
	v58 =	vmul.f32 v57, v20  }
0x29f: {  	v60 =	vor.u32 s24, v8;
	v22 =	vmul.f32 @p2 v26, v27;
	v27 =	vsel @p1 vm0, $0x1, v7  }
0x2a0: {  	vm11 =	veq.f32 v16, v11;
	v19 =	vpsel p1, v21, v19;
	(xrf0) =	vadd.scan.msk.s32 @p1 $0xffff, v27;
	v21 =	vsub.f32 $1.500000000e+00, v58  }
0x2a1: {  	vm14 =	vlt.f32 v16, v11;
	vm10 =	vlt.s32 v60, v12;
	v24 =	vpsel p0, v24, v14  }
0x2a2: {  	vm12 =	vmand vm10, vm11;
	v19 =	vadd.f32 @p1 $1.000000050e-03, v19;
	v59 =	vmul.f32 v21, v20  }
0x2a3: {  	vm13 =	vmmov vm10;
	v61 =	vsel vm12, $0x1, v7;
	v17 =	vpsel p1, v25, v17  }
0x2a4: {  	vm2 =	vmmov @p2 vm4;
	(erf) = vrcp.f32 @p1 v19;
	v12 =	vmul.f32 v59, v18  }
0x2a5: {  	vm1 =	vmmov @p1 vm5;
	vm3 =	vlt.f32 @p1 v17, v11;
	vm2 =	vmmov @p2 vm2  }
0x2a6: {  	vm4 =	vmmov @p1 vm1;
	v21 =	vmpcnt.ones.xlane @p2 vm2;
	v20, _, _ =	vpop @p1 (xrf0);
	(xrf0) =	vadd.scan.msk.s32 $0xffff, v61;
	v12 =	vadd.f32 $1.000000050e-03, v12  }
0x2a7: {  	s24 =	simm.s32 $0x19700;
	s23 =	sadd.s32 @p2 $0x10, s25;
	vm1 =	vmmov vm12;
	vm0 =	vmmov @p1 vm0;
	vm3 =	vmand @p1 vm4, vm3  }
0x2a8: {  	s24 =	smov.u32 @p2 s23;
	vm6 =	vmmov @p1 vm0;
	v18 =	vadd.s32 @p2 v29, v21;
	(erf) = vrcp.f32 v12  }
0x2a9: {  	v22 =	vpsel p2, v22, v0;
	vm4 =	vmmov @p1 vm6;
	v19 =	vld @p1 [tilespmem:s24+$0x0];
	v18 =	vpsel p2, v18, v13  }
0x2aa: {  	v21 =	vadd.f32 @p2 v22, v24;
	v17 =	vadd.s32 @p1 v18, v20;
	v20 =	vmpcnt.ones.xlane @p1 vm4  }
0x2ab: {  	s23 =	sadd.s32 @p1 $0x10, s24;
	v22 =	vpsel p2, v26, v0;
	vm5 =	vle.s32 @p1 v17, v15;
	v17 =	vpsel p0, v23, v14  }
0x2ac: {  	s22 =	smov.u32 @p1 s23;
	vm0 =	vmand @p1 vm0, vm5;
	v18 =	vadd.s32 @p1 v18, v20;
	v17 =	vadd.f32 @p2 v22, v17;
	v63, _, _ =	vpop (xrf0)  }
0x2ad: {  	v62 =	vld [tilespmem:s22+$0x0];
	v20 =	vpsel p2, v21, v14;
	vm0 =	vmor @p1 vm3, vm0;
	v13 =	vpsel p1, v18, v13;
	v12 =	vpop @p1 (erf)  }
0x2ae: {  	v19 =	vnsel @p1 vm0, $0x0, v19;
	v13 =	vadd.s32 v13, v63;
	v12 =	vnsel @p1 vm0, $0x0, v12  }
0x2af: {  	v11 =	vpsel p2, v17, v14;
	vm15 =	vle.s32 v13, v15;
	v19 =	vmul.f32 @p1 v12, v19  }
0x2b0: {  	vm0 =	vmand vm13, vm14;
	vm1 =	vmand vm1, vm15;
	v12 =	vpsel p1, v12, v0  }
0x2b1: {  	vm0 =	vmor vm0, vm1;
	v11 =	vadd.f32 @p1 v12, v11;
	v18 =	vpsel p1, v19, v0;
	v15 =	vpop (erf)  }
.Ltmp49:
0x2b2: {  	v13 =	vadd.f32 @p1 v18, v20;
	v12 =	vnsel vm0, $0x0, v15;
	v15 =	vnsel vm0, $0x0, v62;
	(pc) =	sbr.rel .LBB2_68-.Ltmp49, $4  }
0x2b3: {  	v15 =	vmul.f32 v12, v15  }
0x2b4: {  	v13 =	vpsel p1, v13, v14  }
0x2b5: {  	v14 =	vpsel p1, v11, v14;
	v11 =	vadd.f32 v15, v13  }
0x2b6: {  	v12 =	vadd.f32 v12, v14  }
.LBB2_55:
.Ltmp50:
0x2b7: {  	_ = 	snop;
	(pc) =	sbr.rel .LBB2_66-.Ltmp50, $2  }
0x2b8: {  	_ =	sdelay $0x2  }
0x2b9: {  	s24 =	simm.s32 $0x0;
	v30 =	vimm.f32 $0.0e+00;
	v32 =	vimm.f32 $0.0e+00;
	s25 =	simm.s32 $0xCE00;
	v34 =	vimm.s32 $0x0;
	v16 =	vmovc v18  }
.LBB2_30:
.Ltmp51:
0x2ba: {  	(pc) =	sbr.rel .LBB2_34-.Ltmp51, $2  }
0x2bb: {  	_ =	sdelay $0x2  }
0x2bc: {  	v15 =	vimm.s32 $0x0;
	s28 =	simm.s32 $0x0;
	p1 =	por $0x0, $0x0  }
.LBB2_35:
.Ltmp52:
0x2bd: {  	(pc) =	sbr.rel .LBB2_44-.Ltmp52, $3  }
0x2be: {  	_ =	sdelay $0x1  }
0x2bf: {  	s24 =	simm.s32 $0x0;
	v16 =	vmov v17  }
0x2c0: {  	v24 =	vimm.f32 $0.0e+00;
	v23 =	vimm.f32 $0.0e+00;
	v22 =	vmovc v18;
	s26 =	simm.s32 $0x19700;
	v33 =	vimm.s32 $0x0;
	v18 =	vmovc v26;
	p1 =	por $0x0, $0x0;
	p2 =	por $0x0, $0x0  }
.LBB2_57:
.Ltmp53:
0x2c1: {  	_ = 	snop;
	(pc) =	sbr.rel .LBB2_66-.Ltmp53, $3  }
0x2c2: {  	_ =	sdelay $0x1  }
0x2c3: {  	v26 =	vmov v23  }
0x2c4: {  	v19 =	vmovc v18;
	s24 =	simm.s32 $0x0;
	v30 =	vimm.f32 $0.0e+00;
	v32 =	vimm.f32 $0.0e+00;
	s25 =	simm.s32 $0xCE00;
	v34 =	vimm.s32 $0x0;
	v16 =	vmovc v20  }
.LBB2_32:
.Ltmp54:
0x2c5: {  	(pc) =	sbr.rel .LBB2_34-.Ltmp54, $2  }
0x2c6: {  	_ =	sdelay $0x2  }
0x2c7: {  	v15 =	vimm.s32 $0x0;
	s28 =	simm.s32 $0x10  }
.LBB2_37:
.Ltmp55:
0x2c8: {  	(pc) =	sbr.rel .LBB2_44-.Ltmp55, $3  }
0x2c9: {  	_ =	sdelay $0x1  }
0x2ca: {  	v22 =	vmov v34;
	v38 =	vmov v17;
	v24 =	vimm.f32 $0.0e+00  }
0x2cb: {  	v23 =	vimm.f32 $0.0e+00;
	s24 =	simm.s32 $0x10;
	v34 =	vmovc v18;
	s26 =	simm.s32 $0x19700;
	v16 =	vmovc v20;
	v33 =	vimm.s32 $0x0;
	v18 =	vmov v35;
	p2 =	por $0x0, $0x0  }
.LBB2_59:
.Ltmp56:
0x2cc: {  	_ = 	snop;
	(pc) =	sbr.rel .LBB2_66-.Ltmp56, $3  }
0x2cd: {  	_ =	sdelay $0x1  }
0x2ce: {  	v35 =	vmovc v17;
	v26 =	vmov v22;
	v40 =	vmov v18;
	v17 =	vmov v21  }
0x2cf: {  	s24 =	simm.s32 $0x0;
	v30 =	vimm.f32 $0.0e+00;
	v32 =	vimm.f32 $0.0e+00;
	s25 =	simm.s32 $0xCE00;
	v34 =	vimm.s32 $0x0;
	v16 =	vmovc v19;
	v19 =	vmovc v20  }
.LBB2_39:
.Ltmp57:
0x2d0: {  	(pc) =	sbr.rel .LBB2_44-.Ltmp57, $4  }
0x2d1: {  	_ = 	snop  }
0x2d2: {  	vm4 =	vmmov vm0  }
0x2d3: {  	v24 =	vimm.f32 $0.0e+00;
	v23 =	vimm.f32 $0.0e+00;
	vm3 =	vmmov vm1;
	v22 =	vmovc v27  }
0x2d4: {  	s25 =	simm.s32 $0x10;
	v27 =	vmovc v17;
	s26 =	simm.s32 $0x19700;
	v38 =	vmovc v20;
	v33 =	vimm.s32 $0x0;
	v26 =	vmov v35;
	v37 =	vmov v19  }
.LBB2_61:
.Ltmp58:
0x2d5: {  	_ = 	snop;
	(pc) =	sbr.rel .LBB2_66-.Ltmp58, $4  }
0x2d6: {  	_ = 	snop  }
0x2d7: {  	v26 =	vmovc v23;
	v30 =	vimm.f32 $0.0e+00;
	v32 =	vimm.f32 $0.0e+00;
	vm4 =	vmmov vm0;
	v29 =	vmovc v25  }
0x2d8: {  	v23 =	vmovc v22;
	v33 =	vmovc v18;
	v40 =	vmov v20;
	v34 =	vimm.s32 $0x0;
	vm3 =	vmmov vm1  }
0x2d9: {  	s24 =	simm.s32 $0x0;
	s25 =	simm.s32 $0xCE00;
	v17 =	vmovc v31;
	v37 =	vmovc v27;
	v39 =	vmov v28;
	v16 =	vmov v35;
	v35 =	vmov v21  }
.LBB2_41:
.Ltmp59:
0x2da: {  	(pc) =	sbr.rel .LBB2_44-.Ltmp59, $3  }
0x2db: {  	_ =	sdelay $0x1  }
0x2dc: {  	v38 =	vmovc v16;
	v26 =	vmov v18;
	v24 =	vimm.f32 $0.0e+00;
	v23 =	vimm.f32 $0.0e+00  }
0x2dd: {  	s25 =	simm.s32 $0x20;
	s24 =	simm.s32 $0x30;
	v34 =	vmovc v27;
	v27 =	vmovc v20;
	s26 =	simm.s32 $0x19700;
	v16 =	vmov v31;
	v33 =	vimm.s32 $0x0;
	v18 =	vmov v32  }
.LBB2_63:
.Ltmp60:
0x2de: {  	(pc) =	sbr.rel .LBB2_66-.Ltmp60, $3  }
0x2df: {  	_ =	sdelay $0x1  }
0x2e0: {  	v40 =	vmov v19;
	v30 =	vimm.f32 $0.0e+00  }
0x2e1: {  	v32 =	vimm.f32 $0.0e+00;
	v33 =	vmovc v20;
	s25 =	simm.s32 $0xCE00;
	v19 =	vmovc v35;
	v34 =	vimm.s32 $0x0;
	v35 =	vmov v31  }
.LBB2_70:
0x2e2: {  	_ =	sfence.sel $0x180000  }
0x2e3: {  	[bflag:$0x0] =	sbarrier.arrive $0xFFFF  }
0x2e4: {  	p0 =	sne.s32 s2, $0x0;
	_ =	strace $0x90000047  }
0x2e5: {  	s0 =	sadd.s32 @!p0 $0x100000, s0;
	[bflag:$0x2] =	sbarrier.arrive $0xFFFF  }
0x2e6: {  	[sflag:s0] =	ssyncadd.tile.s32 @!p0 $0x1;
	_ =	shalt  }
.Lfunc_end2:
_tile_overlayer_lowered:
.L_overlay_start_2:
0x2e7: {  	(tag) =	ssettag $0x2  }
0x2e8: {  	s0 =	rddreg [dreg:$0x0];
	s2 =	stileid.u32  }
0x2e9: {  	s1 =	rddreg [dreg:$0x1];
	p0 =	sne.s32 s2, $0x0  }
0x2ea: {  	s3 =	rddreg [dreg:$0x2];
	[bflag:$0x3] =	sbarrier.arrive $0xFFFF;
	s2 =	simm.s32 @!p0 $0x1C03  }
0x2eb: {  	[timem:s3], [sflag:s2] =	dma.local @!p0 [hbm:s0], s1  }
0x2ec: {  	s0 =	simm.s32 @!p0 $0x3  }
0x2ed: {  	_ =	swait.ge @!p0 [sflag:s0], s1  }
0x2ee: {  	s1 =	ssub.s32 @!p0 $0x0, s1;
	[sflag:s0] =	ssyncset.done @!p0 $0x0  }
0x2ef: {  	[sflag:s0] =	ssyncadd.s32 @!p0 s1  }
0x2f0: {  	[bflag:$0x3] =	sbarrier.arrive $0xFFFF  }
0x2f1: {  	_ =	shalt  }

</sc_bundles>
